<compile_context>
chip_gen: v7x
topology: tpu7x:2x2x1
jax: 0.10.2.dev20260603
libtpu: 0.0.44.dev20260713+nightly
codegen_flags: <defaults>
</compile_context>

<pallas_src>
import functools

import jax
import jax.numpy as jnp
from jax import lax
from jax.experimental import pallas as pl
from jax.experimental.pallas import tpu as pltpu
from jax.experimental.pallas import tpu_sc as plsc

_N = 10000
_E = 320000
_D_IN = 128
_D_HID = 16
_D_OUT = 40

_NC = 2
_NS = 16
_NW = _NC * _NS
_EPW = _E // _NW
_CH = 1000
_NFULL = _EPW // _CH
_RPS = _N // _NS
_NBUF = 4

_NV = _N // 8

_SC_PARAMS = pltpu.CompilerParams(use_tc_tiling_on_sc=False)
_MESH = plsc.VectorSubcoreMesh(core_axis_name="c", subcore_axis_name="s")


def _prop_body(g_hbm, ei_hbm, out0_hbm, out1_hbm,
               row_v, col_v, rows_a, rows_b, rows_c, rows_d, acc_sh,
               gsem_a, gsem_b, gsem_c, gsem_d):
    c = lax.axis_index("c")
    s = lax.axis_index("s")
    wid = s * _NC + c
    bufs = (rows_a, rows_b, rows_c, rows_d)
    gsems = (gsem_a, gsem_b, gsem_c, gsem_d)

    pltpu.sync_copy(g_hbm.at[pl.ds(s * _RPS, _RPS)],
                    acc_sh.at[pl.ds(s * _RPS, _RPS)])

    base = wid * _EPW
    pltpu.sync_copy(ei_hbm.at[0, pl.ds(base, _EPW)], row_v)
    pltpu.sync_copy(ei_hbm.at[1, pl.ds(base, _EPW)], col_v)
    plsc.subcore_barrier()

    def _gather(j, buf, sem, n):
        return pltpu.async_copy(g_hbm.at[row_v.at[pl.ds(j * _CH, n)]],
                                buf, sem)

    def _wait(j, buf, sem, n):
        pltpu.make_async_copy(g_hbm.at[row_v.at[pl.ds(j * _CH, n)]],
                              buf, sem).wait()

    def _scatter(j, buf, n):
        pltpu.sync_copy(buf, acc_sh.at[col_v.at[pl.ds(j * _CH, n)]],
                        add=True)

    for b in range(_NBUF):
        _gather(b, bufs[b], gsems[b], _CH)
    for j in range(_NFULL):
        b = j % _NBUF
        _wait(j, bufs[b], gsems[b], _CH)
        _scatter(j, bufs[b], _CH)
        if j + _NBUF < _NFULL:
            _gather(j + _NBUF, bufs[b], gsems[b], _CH)
    plsc.subcore_barrier()

    @pl.when(c == 0)
    def _():
        pltpu.sync_copy(acc_sh.at[pl.ds(s * _RPS, _RPS)],
                        out0_hbm.at[pl.ds(s * _RPS, _RPS)])

    @pl.when(c == 1)
    def _():
        pltpu.sync_copy(acc_sh.at[pl.ds(s * _RPS, _RPS)],
                        out1_hbm.at[pl.ds(s * _RPS, _RPS)])


_prop = functools.partial(
    pl.kernel,
    out_type=[jax.ShapeDtypeStruct((_N, _D_HID), jnp.float32),
              jax.ShapeDtypeStruct((_N, _D_HID), jnp.float32)],
    scratch_types=(
        [pltpu.VMEM((_EPW,), jnp.int32)] * 2
        + [pltpu.VMEM((_CH, _D_HID), jnp.float32)] * _NBUF
        + [pltpu.VMEM_SHARED((_N, _D_HID), jnp.float32)]
        + [pltpu.SemaphoreType.DMA] * _NBUF
    ),
    mesh=_MESH,
    compiler_params=_SC_PARAMS,
)(_prop_body)


def _deg_body(ones_hbm, ei_hbm, out_hbm, col_v, ones_v, acc_sh, sem):
    c = lax.axis_index("c")
    s = lax.axis_index("s")
    wid = s * _NC + c

    @pl.when(s == 0)
    def _():
        pltpu.sync_copy(ones_hbm, acc_sh)

    def _fill(k, carry):
        ones_v[pl.ds(k * 16, 16)] = jnp.ones((16,), jnp.float32)
        return carry

    lax.fori_loop(0, (_CH + 15) // 16, _fill, 0)
    pltpu.sync_copy(ei_hbm.at[1, pl.ds(wid * _EPW, _EPW)], col_v)
    plsc.subcore_barrier()

    for j in range(_NFULL):
        pltpu.sync_copy(ones_v.at[pl.ds(0, _CH)],
                        acc_sh.at[col_v.at[pl.ds(j * _CH, _CH)]],
                        add=True)
    plsc.subcore_barrier()

    @pl.when(s == 0)
    def _():
        pltpu.sync_copy(acc_sh, out_hbm.at[c])


_deg = functools.partial(
    pl.kernel,
    out_type=jax.ShapeDtypeStruct((_NC, _N), jnp.float32),
    scratch_types=[
        pltpu.VMEM((_EPW,), jnp.int32),
        pltpu.VMEM((((_CH + 15) // 16) * 16,), jnp.float32),
        pltpu.VMEM_SHARED((_N,), jnp.float32),
        pltpu.SemaphoreType.DMA,
    ],
    mesh=_MESH,
    compiler_params=_SC_PARAMS,
)(_deg_body)


def _mm_body(x8_ref, w1b_ref, h_ref):
    h_ref[...] = jnp.dot(x8_ref[...], w1b_ref[...],
                         preferred_element_type=jnp.float32)


def _scale_body(h_ref, dp0_ref, dp1_ref, g_ref, dv_ref):
    dv = lax.rsqrt(dp0_ref[...] + dp1_ref[...] - 1.0)
    g_ref[...] = h_ref[...] * dv
    dv_ref[...] = dv


def _mid_body(p0_ref, p1_ref, g1_ref, dv_ref, b1_ref, g2_ref):
    s = dv_ref[...] * (p0_ref[...] + p1_ref[...] - g1_ref[...])
    g2_ref[...] = dv_ref[...] * jnp.maximum(s + b1_ref[...], 0.0)


def _fin_body(q0_ref, q1_ref, g2_ref, dv_ref, w2b_ref, b2_ref, out_ref):
    s = dv_ref[...] * (q0_ref[...] + q1_ref[...] - g2_ref[...])
    out_ref[...] = (
        jnp.dot(s, w2b_ref[...], preferred_element_type=jnp.float32)
        + b2_ref[...]
    )


_mm = pl.pallas_call(
    _mm_body,
    out_shape=jax.ShapeDtypeStruct((_NV, 128), jnp.float32),
)

_scale = pl.pallas_call(
    _scale_body,
    out_shape=[jax.ShapeDtypeStruct((_NV, 128), jnp.float32),
               jax.ShapeDtypeStruct((_NV, 128), jnp.float32)],
)

_mid = pl.pallas_call(
    _mid_body,
    out_shape=jax.ShapeDtypeStruct((_NV, 128), jnp.float32),
)

_fin = pl.pallas_call(
    _fin_body,
    out_shape=jax.ShapeDtypeStruct((_NV, 8 * _D_OUT), jnp.float32),
)


def _bdiag(w):
    return jax.scipy.linalg.block_diag(*([w] * 8))


def _view(t):
    return t.reshape(_NV, 128)


def kernel(x, edge_index, W1, b1, W2, b2):
    ei = edge_index.astype(jnp.int32)
    ones_n = jnp.ones((_N,), dtype=jnp.float32)

    h = _mm(x.reshape(_NV, 8 * _D_IN), _bdiag(W1))
    dp = _deg(ones_n, ei)
    def _rep(v):
        return jnp.broadcast_to(
            v.reshape(_NV, 8)[:, :, None], (_NV, 8, _D_HID)
        ).reshape(_NV, 128)

    g1, dv = _scale(h, _rep(dp[0]), _rep(dp[1]))

    p0, p1 = _prop(g1.reshape(_N, _D_HID), ei)
    g2 = _mid(_view(p0), _view(p1), g1, dv, jnp.tile(b1, 8).reshape(1, 128))

    q0, q1 = _prop(g2.reshape(_N, _D_HID), ei)
    out8 = _fin(_view(q0), _view(q1), g2, dv,
                _bdiag(W2), jnp.tile(b2, 8).reshape(1, 8 * _D_OUT))
    return out8.reshape(_N, _D_OUT)

# --- scband reference (transcript-rebuilt; emitter-appended) ---
"""Pipeline reference for scband-gnn-76158360092902 (READ-ONLY COPY).

The authoritative reference and input builder live on the scoring server;
editing this copy changes nothing except your own understanding.
"""

import jax, jax.numpy as jnp
import numpy as np

N_NODES = 10000
N_EDGES = 320000
D_IN = 128
D_HID = 16
D_OUT = 40


def setup_inputs(seed: int = 0) -> dict:
    key = jax.random.key(seed)
    k1, k2, k3, k4, k5, k6 = jax.random.split(key, 6)
    x = jax.random.normal(k1, (N_NODES, D_IN), dtype=jnp.float32)
    edge_index = jax.random.randint(k2, (2, N_EDGES), 0, N_NODES, dtype=jnp.int64)
    # GCNConv params: lin (no bias) + conv-level bias, glorot-style init
    W1 = jax.random.normal(k3, (D_IN, D_HID), dtype=jnp.float32) * (1.0 / np.sqrt(D_IN))
    b1 = jnp.zeros((D_HID,), dtype=jnp.float32)
    W2 = jax.random.normal(k4, (D_HID, D_OUT), dtype=jnp.float32) * (1.0 / np.sqrt(D_HID))
    b2 = jnp.zeros((D_OUT,), dtype=jnp.float32)
    return {"x": x, "edge_index": edge_index, "W1": W1, "b1": b1, "W2": W2, "b2": b2}


def _gcn_conv(x, edge_index, W, b, num_nodes):
    # linear transform first (PyG GCNConv order)
    h = x @ W
    # add self-loops
    loop = jnp.arange(num_nodes, dtype=edge_index.dtype)
    row = jnp.concatenate([edge_index[0], loop])  # source
    col = jnp.concatenate([edge_index[1], loop])  # target
    ew = jnp.ones(row.shape[0], dtype=h.dtype)
    # symmetric normalization: deg computed on target nodes
    deg = jax.ops.segment_sum(ew, col, num_segments=num_nodes)
    dinv = jnp.where(deg > 0, 1.0 / jnp.sqrt(deg), 0.0)
    norm = dinv[row] * dinv[col]
    # gather messages from source, scale, scatter-add into target
    msg = h[row] * norm[:, None]
    out = jax.ops.segment_sum(msg, col, num_segments=num_nodes)
    return out + b


def reference(x, edge_index, W1, b1, W2, b2):
    h = _gcn_conv(x, edge_index, W1, b1, N_NODES)
    h = jax.nn.relu(h)
    out = _gcn_conv(h, edge_index, W2, b2, N_NODES)
    return out

if __name__ == "__main__":
    import jax
    _d = setup_inputs()
    print(jax.jit(kernel)(*tuple(_d.values())))

</pallas_src>

<mosaic_0001>
#map = affine_map<(d0, d1) -> (0, 0)>
module attributes {stable_mosaic.version = 14 : i64} {
  func.func @_prop_body(%arg0: i32, %arg1: i32, %arg2: memref<10000x16xf32, #tpu.memory_space<hbm>>, %arg3: memref<2x320000xi32, #tpu.memory_space<hbm>>, %arg4: memref<10000x16xf32, #tpu.memory_space<hbm>>, %arg5: memref<10000x16xf32, #tpu.memory_space<hbm>>, %arg6: memref<10000xi32, #tpu.memory_space<vmem>>, %arg7: memref<10000xi32, #tpu.memory_space<vmem>>, %arg8: memref<1000x16xf32, #tpu.memory_space<vmem>>, %arg9: memref<1000x16xf32, #tpu.memory_space<vmem>>, %arg10: memref<1000x16xf32, #tpu.memory_space<vmem>>, %arg11: memref<1000x16xf32, #tpu.memory_space<vmem>>, %arg12: memref<10000x16xf32, #tpu.memory_space<vmem_shared>>, %arg13: memref<!tpu.dma_semaphore, #tpu.memory_space<semaphore_mem>>, %arg14: memref<!tpu.dma_semaphore, #tpu.memory_space<semaphore_mem>>, %arg15: memref<!tpu.dma_semaphore, #tpu.memory_space<semaphore_mem>>, %arg16: memref<!tpu.dma_semaphore, #tpu.memory_space<semaphore_mem>>) attributes {dimension_semantics = [#tpu.dimension_semantics<core_parallel>, #tpu.dimension_semantics<subcore_parallel>], iteration_bounds = array<i64: 2, 16>, scalar_prefetch = 0 : i64, scratch_operands = 11 : i64, tpu.core_type = #tpu.core_type<sc_vector_subcore>, window_params = [{transform_indices = #map}, {transform_indices = #map}, {transform_indices = #map}, {transform_indices = #map}]} {
    %mul3A = arith.constant 2 : i32
    %mul3A_0 = arith.muli %arg1, %mul3A : i32
    %add3A = arith.addi %mul3A_0, %arg0 : i32
    %mul3A_1 = arith.constant 625 : i32
    %mul3A_2 = arith.muli %arg1, %mul3A_1 : i32
    %mul3A_3 = arith.constant 625 : i32
    %mul3A_4 = arith.muli %arg1, %mul3A_3 : i32
    "tpu.region"() ({
      %run_scoped3A_114 = tpu.sem_alloc : memref<!tpu.dma_semaphore, #tpu.memory_space<semaphore_mem>>
      %dma_start3A_115 = arith.constant 0 : i32
      %dma_start3A_116 = tpu.memref_slice %arg12[%mul3A_4, %dma_start3A_115] : memref<10000x16xf32, #tpu.memory_space<vmem_shared>> -> memref<625x16xf32, #tpu.memory_space<vmem_shared>>
      %dma_start3A_117 = arith.constant 0 : i32
      %dma_start3A_118 = tpu.memref_slice %arg2[%mul3A_2, %dma_start3A_117] : memref<10000x16xf32, #tpu.memory_space<hbm>> -> memref<625x16xf32, #tpu.memory_space<hbm>>
      tpu.enqueue_dma source(%dma_start3A_118 : memref<625x16xf32, #tpu.memory_space<hbm>>) target(%dma_start3A_116 : memref<625x16xf32, #tpu.memory_space<vmem_shared>>) target_semaphore(%run_scoped3A_114 : memref<!tpu.dma_semaphore, #tpu.memory_space<semaphore_mem>>)
      %dma_wait3A_119 = arith.constant 0 : i32
      %dma_wait3A_120 = tpu.memref_slice %arg12[%mul3A_4, %dma_wait3A_119] : memref<10000x16xf32, #tpu.memory_space<vmem_shared>> -> memref<625x16xf32, #tpu.memory_space<vmem_shared>>
      %dma_wait3A_121 = arith.constant 0 : i32
      %dma_wait3A_122 = tpu.memref_slice %arg2[%mul3A_2, %dma_wait3A_121] : memref<10000x16xf32, #tpu.memory_space<hbm>> -> memref<625x16xf32, #tpu.memory_space<hbm>>
      tpu.wait_dma2 semaphore(%run_scoped3A_114 : memref<!tpu.dma_semaphore, #tpu.memory_space<semaphore_mem>>) src(%dma_wait3A_122 : memref<625x16xf32, #tpu.memory_space<hbm>>) dst(%dma_wait3A_120 : memref<625x16xf32, #tpu.memory_space<vmem_shared>>)
      tpu.yield
    }) : () -> ()
    %mul3A_5 = arith.constant 10000 : i32
    %mul3A_6 = arith.muli %add3A, %mul3A_5 : i32
    %run_scoped3A = arith.constant 0 : i32
    "tpu.region"() ({
      %run_scoped3A_114 = tpu.sem_alloc : memref<!tpu.dma_semaphore, #tpu.memory_space<semaphore_mem>>
      %dma_start3A_115 = tpu.memref_slice %arg3[%run_scoped3A, %mul3A_6] : memref<2x320000xi32, #tpu.memory_space<hbm>> -> memref<1x10000xi32, #tpu.memory_space<hbm>>
      %dma_start3A_116 = tpu.memref_squeeze %dma_start3A_115 : memref<1x10000xi32, #tpu.memory_space<hbm>> -> memref<10000xi32, #tpu.memory_space<hbm>>
      %dma_start3A_117 = tpu.memref_slice %arg3[%run_scoped3A, %mul3A_6] : memref<2x320000xi32, #tpu.memory_space<hbm>> -> memref<1x10000xi32, #tpu.memory_space<hbm>>
      %dma_start3A_118 = tpu.memref_squeeze %dma_start3A_117 : memref<1x10000xi32, #tpu.memory_space<hbm>> -> memref<10000xi32, #tpu.memory_space<hbm>>
      tpu.enqueue_dma source(%dma_start3A_118 : memref<10000xi32, #tpu.memory_space<hbm>>) target(%arg6 : memref<10000xi32, #tpu.memory_space<vmem>>) target_semaphore(%run_scoped3A_114 : memref<!tpu.dma_semaphore, #tpu.memory_space<semaphore_mem>>)
      %dma_wait3A_119 = tpu.memref_slice %arg3[%run_scoped3A, %mul3A_6] : memref<2x320000xi32, #tpu.memory_space<hbm>> -> memref<1x10000xi32, #tpu.memory_space<hbm>>
      %dma_wait3A_120 = tpu.memref_squeeze %dma_wait3A_119 : memref<1x10000xi32, #tpu.memory_space<hbm>> -> memref<10000xi32, #tpu.memory_space<hbm>>
      %dma_wait3A_121 = tpu.memref_slice %arg3[%run_scoped3A, %mul3A_6] : memref<2x320000xi32, #tpu.memory_space<hbm>> -> memref<1x10000xi32, #tpu.memory_space<hbm>>
      %dma_wait3A_122 = tpu.memref_squeeze %dma_wait3A_121 : memref<1x10000xi32, #tpu.memory_space<hbm>> -> memref<10000xi32, #tpu.memory_space<hbm>>
      tpu.wait_dma2 semaphore(%run_scoped3A_114 : memref<!tpu.dma_semaphore, #tpu.memory_space<semaphore_mem>>) src(%dma_wait3A_122 : memref<10000xi32, #tpu.memory_space<hbm>>) dst(%arg6 : memref<10000xi32, #tpu.memory_space<vmem>>)
      tpu.yield
    }) : () -> ()
    %run_scoped3A_7 = arith.constant 1 : i32
    "tpu.region"() ({
      %run_scoped3A_114 = tpu.sem_alloc : memref<!tpu.dma_semaphore, #tpu.memory_space<semaphore_mem>>
      %dma_start3A_115 = tpu.memref_slice %arg3[%run_scoped3A_7, %mul3A_6] : memref<2x320000xi32, #tpu.memory_space<hbm>> -> memref<1x10000xi32, #tpu.memory_space<hbm>>
      %dma_start3A_116 = tpu.memref_squeeze %dma_start3A_115 : memref<1x10000xi32, #tpu.memory_space<hbm>> -> memref<10000xi32, #tpu.memory_space<hbm>>
      %dma_start3A_117 = tpu.memref_slice %arg3[%run_scoped3A_7, %mul3A_6] : memref<2x320000xi32, #tpu.memory_space<hbm>> -> memref<1x10000xi32, #tpu.memory_space<hbm>>
      %dma_start3A_118 = tpu.memref_squeeze %dma_start3A_117 : memref<1x10000xi32, #tpu.memory_space<hbm>> -> memref<10000xi32, #tpu.memory_space<hbm>>
      tpu.enqueue_dma source(%dma_start3A_118 : memref<10000xi32, #tpu.memory_space<hbm>>) target(%arg7 : memref<10000xi32, #tpu.memory_space<vmem>>) target_semaphore(%run_scoped3A_114 : memref<!tpu.dma_semaphore, #tpu.memory_space<semaphore_mem>>)
      %dma_wait3A_119 = tpu.memref_slice %arg3[%run_scoped3A_7, %mul3A_6] : memref<2x320000xi32, #tpu.memory_space<hbm>> -> memref<1x10000xi32, #tpu.memory_space<hbm>>
      %dma_wait3A_120 = tpu.memref_squeeze %dma_wait3A_119 : memref<1x10000xi32, #tpu.memory_space<hbm>> -> memref<10000xi32, #tpu.memory_space<hbm>>
      %dma_wait3A_121 = tpu.memref_slice %arg3[%run_scoped3A_7, %mul3A_6] : memref<2x320000xi32, #tpu.memory_space<hbm>> -> memref<1x10000xi32, #tpu.memory_space<hbm>>
      %dma_wait3A_122 = tpu.memref_squeeze %dma_wait3A_121 : memref<1x10000xi32, #tpu.memory_space<hbm>> -> memref<10000xi32, #tpu.memory_space<hbm>>
      tpu.wait_dma2 semaphore(%run_scoped3A_114 : memref<!tpu.dma_semaphore, #tpu.memory_space<semaphore_mem>>) src(%dma_wait3A_122 : memref<10000xi32, #tpu.memory_space<hbm>>) dst(%arg7 : memref<10000xi32, #tpu.memory_space<vmem>>)
      tpu.yield
    }) : () -> ()
    %barrier3A = arith.constant 0 : index
    tpu.barrier barrier_id(%barrier3A)
    %dma_start3A = arith.constant 0 : i32
    %dma_start3A_8 = tpu.memref_slice %arg6[%dma_start3A] : memref<10000xi32, #tpu.memory_space<vmem>> -> memref<1000xi32, #tpu.memory_space<vmem>>
    %dma_start3A_9 = arith.constant 0 : i32
    %dma_start3A_10 = arith.constant 0 : i32
    %dma_start3A_11 = tpu.memref_slice %arg2[%dma_start3A_9, %dma_start3A_10] : memref<10000x16xf32, #tpu.memory_space<hbm>> -> memref<10000x16xf32, #tpu.memory_space<hbm>>
    tpu.enqueue_indirect_dma source(%dma_start3A_11 : memref<10000x16xf32, #tpu.memory_space<hbm>>) target(%arg8 : memref<1000x16xf32, #tpu.memory_space<vmem>>) offsets(%dma_start3A_8 : memref<1000xi32, #tpu.memory_space<vmem>>) semaphore(%arg13 : memref<!tpu.dma_semaphore, #tpu.memory_space<semaphore_mem>>)
    %dma_start3A_12 = arith.constant 1000 : i32
    %dma_start3A_13 = tpu.memref_slice %arg6[%dma_start3A_12] : memref<10000xi32, #tpu.memory_space<vmem>> -> memref<1000xi32, #tpu.memory_space<vmem>>
    %dma_start3A_14 = arith.constant 0 : i32
    %dma_start3A_15 = arith.constant 0 : i32
    %dma_start3A_16 = tpu.memref_slice %arg2[%dma_start3A_14, %dma_start3A_15] : memref<10000x16xf32, #tpu.memory_space<hbm>> -> memref<10000x16xf32, #tpu.memory_space<hbm>>
    tpu.enqueue_indirect_dma source(%dma_start3A_16 : memref<10000x16xf32, #tpu.memory_space<hbm>>) target(%arg9 : memref<1000x16xf32, #tpu.memory_space<vmem>>) offsets(%dma_start3A_13 : memref<1000xi32, #tpu.memory_space<vmem>>) semaphore(%arg14 : memref<!tpu.dma_semaphore, #tpu.memory_space<semaphore_mem>>)
    %dma_start3A_17 = arith.constant 2000 : i32
    %dma_start3A_18 = tpu.memref_slice %arg6[%dma_start3A_17] : memref<10000xi32, #tpu.memory_space<vmem>> -> memref<1000xi32, #tpu.memory_space<vmem>>
    %dma_start3A_19 = arith.constant 0 : i32
    %dma_start3A_20 = arith.constant 0 : i32
    %dma_start3A_21 = tpu.memref_slice %arg2[%dma_start3A_19, %dma_start3A_20] : memref<10000x16xf32, #tpu.memory_space<hbm>> -> memref<10000x16xf32, #tpu.memory_space<hbm>>
    tpu.enqueue_indirect_dma source(%dma_start3A_21 : memref<10000x16xf32, #tpu.memory_space<hbm>>) target(%arg10 : memref<1000x16xf32, #tpu.memory_space<vmem>>) offsets(%dma_start3A_18 : memref<1000xi32, #tpu.memory_space<vmem>>) semaphore(%arg15 : memref<!tpu.dma_semaphore, #tpu.memory_space<semaphore_mem>>)
    %dma_start3A_22 = arith.constant 3000 : i32
    %dma_start3A_23 = tpu.memref_slice %arg6[%dma_start3A_22] : memref<10000xi32, #tpu.memory_space<vmem>> -> memref<1000xi32, #tpu.memory_space<vmem>>
    %dma_start3A_24 = arith.constant 0 : i32
    %dma_start3A_25 = arith.constant 0 : i32
    %dma_start3A_26 = tpu.memref_slice %arg2[%dma_start3A_24, %dma_start3A_25] : memref<10000x16xf32, #tpu.memory_space<hbm>> -> memref<10000x16xf32, #tpu.memory_space<hbm>>
    tpu.enqueue_indirect_dma source(%dma_start3A_26 : memref<10000x16xf32, #tpu.memory_space<hbm>>) target(%arg11 : memref<1000x16xf32, #tpu.memory_space<vmem>>) offsets(%dma_start3A_23 : memref<1000xi32, #tpu.memory_space<vmem>>) semaphore(%arg16 : memref<!tpu.dma_semaphore, #tpu.memory_space<semaphore_mem>>)
    %dma_wait3A = arith.constant 0 : i32
    %dma_wait3A_27 = tpu.memref_slice %arg6[%dma_wait3A] : memref<10000xi32, #tpu.memory_space<vmem>> -> memref<1000xi32, #tpu.memory_space<vmem>>
    %dma_wait3A_28 = arith.constant 0 : i32
    %dma_wait3A_29 = arith.constant 0 : i32
    %dma_wait3A_30 = tpu.memref_slice %arg2[%dma_wait3A_28, %dma_wait3A_29] : memref<10000x16xf32, #tpu.memory_space<hbm>> -> memref<10000x16xf32, #tpu.memory_space<hbm>>
    tpu.wait_indirect_dma semaphore(%arg13 : memref<!tpu.dma_semaphore, #tpu.memory_space<semaphore_mem>>) src(%dma_wait3A_30 : memref<10000x16xf32, #tpu.memory_space<hbm>>) dst(%arg8 : memref<1000x16xf32, #tpu.memory_space<vmem>>)
    "tpu.region"() ({
      %run_scoped3A_114 = tpu.sem_alloc : memref<!tpu.dma_semaphore, #tpu.memory_space<semaphore_mem>>
      %dma_start3A_115 = arith.constant 0 : i32
      %dma_start3A_116 = tpu.memref_slice %arg7[%dma_start3A_115] : memref<10000xi32, #tpu.memory_space<vmem>> -> memref<1000xi32, #tpu.memory_space<vmem>>
      %dma_start3A_117 = arith.constant 0 : i32
      %dma_start3A_118 = arith.constant 0 : i32
      %dma_start3A_119 = tpu.memref_slice %arg12[%dma_start3A_117, %dma_start3A_118] : memref<10000x16xf32, #tpu.memory_space<vmem_shared>> -> memref<10000x16xf32, #tpu.memory_space<vmem_shared>>
      tpu.enqueue_indirect_dma source(%arg8 : memref<1000x16xf32, #tpu.memory_space<vmem>>) target(%dma_start3A_119 : memref<10000x16xf32, #tpu.memory_space<vmem_shared>>) offsets(%dma_start3A_116 : memref<1000xi32, #tpu.memory_space<vmem>>) semaphore(%run_scoped3A_114 : memref<!tpu.dma_semaphore, #tpu.memory_space<semaphore_mem>>) {add = true}
      %dma_wait3A_120 = arith.constant 0 : i32
      %dma_wait3A_121 = tpu.memref_slice %arg7[%dma_wait3A_120] : memref<10000xi32, #tpu.memory_space<vmem>> -> memref<1000xi32, #tpu.memory_space<vmem>>
      %dma_wait3A_122 = arith.constant 0 : i32
      %dma_wait3A_123 = arith.constant 0 : i32
      %dma_wait3A_124 = tpu.memref_slice %arg12[%dma_wait3A_122, %dma_wait3A_123] : memref<10000x16xf32, #tpu.memory_space<vmem_shared>> -> memref<10000x16xf32, #tpu.memory_space<vmem_shared>>
      tpu.wait_indirect_dma semaphore(%run_scoped3A_114 : memref<!tpu.dma_semaphore, #tpu.memory_space<semaphore_mem>>) src(%arg8 : memref<1000x16xf32, #tpu.memory_space<vmem>>) dst(%dma_wait3A_124 : memref<10000x16xf32, #tpu.memory_space<vmem_shared>>)
      tpu.yield
    }) : () -> ()
    %dma_start3A_31 = arith.constant 4000 : i32
    %dma_start3A_32 = tpu.memref_slice %arg6[%dma_start3A_31] : memref<10000xi32, #tpu.memory_space<vmem>> -> memref<1000xi32, #tpu.memory_space<vmem>>
    %dma_start3A_33 = arith.constant 0 : i32
    %dma_start3A_34 = arith.constant 0 : i32
    %dma_start3A_35 = tpu.memref_slice %arg2[%dma_start3A_33, %dma_start3A_34] : memref<10000x16xf32, #tpu.memory_space<hbm>> -> memref<10000x16xf32, #tpu.memory_space<hbm>>
    tpu.enqueue_indirect_dma source(%dma_start3A_35 : memref<10000x16xf32, #tpu.memory_space<hbm>>) target(%arg8 : memref<1000x16xf32, #tpu.memory_space<vmem>>) offsets(%dma_start3A_32 : memref<1000xi32, #tpu.memory_space<vmem>>) semaphore(%arg13 : memref<!tpu.dma_semaphore, #tpu.memory_space<semaphore_mem>>)
    %dma_wait3A_36 = arith.constant 1000 : i32
    %dma_wait3A_37 = tpu.memref_slice %arg6[%dma_wait3A_36] : memref<10000xi32, #tpu.memory_space<vmem>> -> memref<1000xi32, #tpu.memory_space<vmem>>
    %dma_wait3A_38 = arith.constant 0 : i32
    %dma_wait3A_39 = arith.constant 0 : i32
    %dma_wait3A_40 = tpu.memref_slice %arg2[%dma_wait3A_38, %dma_wait3A_39] : memref<10000x16xf32, #tpu.memory_space<hbm>> -> memref<10000x16xf32, #tpu.memory_space<hbm>>
    tpu.wait_indirect_dma semaphore(%arg14 : memref<!tpu.dma_semaphore, #tpu.memory_space<semaphore_mem>>) src(%dma_wait3A_40 : memref<10000x16xf32, #tpu.memory_space<hbm>>) dst(%arg9 : memref<1000x16xf32, #tpu.memory_space<vmem>>)
    "tpu.region"() ({
      %run_scoped3A_114 = tpu.sem_alloc : memref<!tpu.dma_semaphore, #tpu.memory_space<semaphore_mem>>
      %dma_start3A_115 = arith.constant 1000 : i32
      %dma_start3A_116 = tpu.memref_slice %arg7[%dma_start3A_115] : memref<10000xi32, #tpu.memory_space<vmem>> -> memref<1000xi32, #tpu.memory_space<vmem>>
      %dma_start3A_117 = arith.constant 0 : i32
      %dma_start3A_118 = arith.constant 0 : i32
      %dma_start3A_119 = tpu.memref_slice %arg12[%dma_start3A_117, %dma_start3A_118] : memref<10000x16xf32, #tpu.memory_space<vmem_shared>> -> memref<10000x16xf32, #tpu.memory_space<vmem_shared>>
      tpu.enqueue_indirect_dma source(%arg9 : memref<1000x16xf32, #tpu.memory_space<vmem>>) target(%dma_start3A_119 : memref<10000x16xf32, #tpu.memory_space<vmem_shared>>) offsets(%dma_start3A_116 : memref<1000xi32, #tpu.memory_space<vmem>>) semaphore(%run_scoped3A_114 : memref<!tpu.dma_semaphore, #tpu.memory_space<semaphore_mem>>) {add = true}
      %dma_wait3A_120 = arith.constant 1000 : i32
      %dma_wait3A_121 = tpu.memref_slice %arg7[%dma_wait3A_120] : memref<10000xi32, #tpu.memory_space<vmem>> -> memref<1000xi32, #tpu.memory_space<vmem>>
      %dma_wait3A_122 = arith.constant 0 : i32
      %dma_wait3A_123 = arith.constant 0 : i32
      %dma_wait3A_124 = tpu.memref_slice %arg12[%dma_wait3A_122, %dma_wait3A_123] : memref<10000x16xf32, #tpu.memory_space<vmem_shared>> -> memref<10000x16xf32, #tpu.memory_space<vmem_shared>>
      tpu.wait_indirect_dma semaphore(%run_scoped3A_114 : memref<!tpu.dma_semaphore, #tpu.memory_space<semaphore_mem>>) src(%arg9 : memref<1000x16xf32, #tpu.memory_space<vmem>>) dst(%dma_wait3A_124 : memref<10000x16xf32, #tpu.memory_space<vmem_shared>>)
      tpu.yield
    }) : () -> ()
    %dma_start3A_41 = arith.constant 5000 : i32
    %dma_start3A_42 = tpu.memref_slice %arg6[%dma_start3A_41] : memref<10000xi32, #tpu.memory_space<vmem>> -> memref<1000xi32, #tpu.memory_space<vmem>>
    %dma_start3A_43 = arith.constant 0 : i32
    %dma_start3A_44 = arith.constant 0 : i32
    %dma_start3A_45 = tpu.memref_slice %arg2[%dma_start3A_43, %dma_start3A_44] : memref<10000x16xf32, #tpu.memory_space<hbm>> -> memref<10000x16xf32, #tpu.memory_space<hbm>>
    tpu.enqueue_indirect_dma source(%dma_start3A_45 : memref<10000x16xf32, #tpu.memory_space<hbm>>) target(%arg9 : memref<1000x16xf32, #tpu.memory_space<vmem>>) offsets(%dma_start3A_42 : memref<1000xi32, #tpu.memory_space<vmem>>) semaphore(%arg14 : memref<!tpu.dma_semaphore, #tpu.memory_space<semaphore_mem>>)
    %dma_wait3A_46 = arith.constant 2000 : i32
    %dma_wait3A_47 = tpu.memref_slice %arg6[%dma_wait3A_46] : memref<10000xi32, #tpu.memory_space<vmem>> -> memref<1000xi32, #tpu.memory_space<vmem>>
    %dma_wait3A_48 = arith.constant 0 : i32
    %dma_wait3A_49 = arith.constant 0 : i32
    %dma_wait3A_50 = tpu.memref_slice %arg2[%dma_wait3A_48, %dma_wait3A_49] : memref<10000x16xf32, #tpu.memory_space<hbm>> -> memref<10000x16xf32, #tpu.memory_space<hbm>>
    tpu.wait_indirect_dma semaphore(%arg15 : memref<!tpu.dma_semaphore, #tpu.memory_space<semaphore_mem>>) src(%dma_wait3A_50 : memref<10000x16xf32, #tpu.memory_space<hbm>>) dst(%arg10 : memref<1000x16xf32, #tpu.memory_space<vmem>>)
    "tpu.region"() ({
      %run_scoped3A_114 = tpu.sem_alloc : memref<!tpu.dma_semaphore, #tpu.memory_space<semaphore_mem>>
      %dma_start3A_115 = arith.constant 2000 : i32
      %dma_start3A_116 = tpu.memref_slice %arg7[%dma_start3A_115] : memref<10000xi32, #tpu.memory_space<vmem>> -> memref<1000xi32, #tpu.memory_space<vmem>>
      %dma_start3A_117 = arith.constant 0 : i32
      %dma_start3A_118 = arith.constant 0 : i32
      %dma_start3A_119 = tpu.memref_slice %arg12[%dma_start3A_117, %dma_start3A_118] : memref<10000x16xf32, #tpu.memory_space<vmem_shared>> -> memref<10000x16xf32, #tpu.memory_space<vmem_shared>>
      tpu.enqueue_indirect_dma source(%arg10 : memref<1000x16xf32, #tpu.memory_space<vmem>>) target(%dma_start3A_119 : memref<10000x16xf32, #tpu.memory_space<vmem_shared>>) offsets(%dma_start3A_116 : memref<1000xi32, #tpu.memory_space<vmem>>) semaphore(%run_scoped3A_114 : memref<!tpu.dma_semaphore, #tpu.memory_space<semaphore_mem>>) {add = true}
      %dma_wait3A_120 = arith.constant 2000 : i32
      %dma_wait3A_121 = tpu.memref_slice %arg7[%dma_wait3A_120] : memref<10000xi32, #tpu.memory_space<vmem>> -> memref<1000xi32, #tpu.memory_space<vmem>>
      %dma_wait3A_122 = arith.constant 0 : i32
      %dma_wait3A_123 = arith.constant 0 : i32
      %dma_wait3A_124 = tpu.memref_slice %arg12[%dma_wait3A_122, %dma_wait3A_123] : memref<10000x16xf32, #tpu.memory_space<vmem_shared>> -> memref<10000x16xf32, #tpu.memory_space<vmem_shared>>
      tpu.wait_indirect_dma semaphore(%run_scoped3A_114 : memref<!tpu.dma_semaphore, #tpu.memory_space<semaphore_mem>>) src(%arg10 : memref<1000x16xf32, #tpu.memory_space<vmem>>) dst(%dma_wait3A_124 : memref<10000x16xf32, #tpu.memory_space<vmem_shared>>)
      tpu.yield
    }) : () -> ()
    %dma_start3A_51 = arith.constant 6000 : i32
    %dma_start3A_52 = tpu.memref_slice %arg6[%dma_start3A_51] : memref<10000xi32, #tpu.memory_space<vmem>> -> memref<1000xi32, #tpu.memory_space<vmem>>
    %dma_start3A_53 = arith.constant 0 : i32
    %dma_start3A_54 = arith.constant 0 : i32
    %dma_start3A_55 = tpu.memref_slice %arg2[%dma_start3A_53, %dma_start3A_54] : memref<10000x16xf32, #tpu.memory_space<hbm>> -> memref<10000x16xf32, #tpu.memory_space<hbm>>
    tpu.enqueue_indirect_dma source(%dma_start3A_55 : memref<10000x16xf32, #tpu.memory_space<hbm>>) target(%arg10 : memref<1000x16xf32, #tpu.memory_space<vmem>>) offsets(%dma_start3A_52 : memref<1000xi32, #tpu.memory_space<vmem>>) semaphore(%arg15 : memref<!tpu.dma_semaphore, #tpu.memory_space<semaphore_mem>>)
    %dma_wait3A_56 = arith.constant 3000 : i32
    %dma_wait3A_57 = tpu.memref_slice %arg6[%dma_wait3A_56] : memref<10000xi32, #tpu.memory_space<vmem>> -> memref<1000xi32, #tpu.memory_space<vmem>>
    %dma_wait3A_58 = arith.constant 0 : i32
    %dma_wait3A_59 = arith.constant 0 : i32
    %dma_wait3A_60 = tpu.memref_slice %arg2[%dma_wait3A_58, %dma_wait3A_59] : memref<10000x16xf32, #tpu.memory_space<hbm>> -> memref<10000x16xf32, #tpu.memory_space<hbm>>
    tpu.wait_indirect_dma semaphore(%arg16 : memref<!tpu.dma_semaphore, #tpu.memory_space<semaphore_mem>>) src(%dma_wait3A_60 : memref<10000x16xf32, #tpu.memory_space<hbm>>) dst(%arg11 : memref<1000x16xf32, #tpu.memory_space<vmem>>)
    "tpu.region"() ({
      %run_scoped3A_114 = tpu.sem_alloc : memref<!tpu.dma_semaphore, #tpu.memory_space<semaphore_mem>>
      %dma_start3A_115 = arith.constant 3000 : i32
      %dma_start3A_116 = tpu.memref_slice %arg7[%dma_start3A_115] : memref<10000xi32, #tpu.memory_space<vmem>> -> memref<1000xi32, #tpu.memory_space<vmem>>
      %dma_start3A_117 = arith.constant 0 : i32
      %dma_start3A_118 = arith.constant 0 : i32
      %dma_start3A_119 = tpu.memref_slice %arg12[%dma_start3A_117, %dma_start3A_118] : memref<10000x16xf32, #tpu.memory_space<vmem_shared>> -> memref<10000x16xf32, #tpu.memory_space<vmem_shared>>
      tpu.enqueue_indirect_dma source(%arg11 : memref<1000x16xf32, #tpu.memory_space<vmem>>) target(%dma_start3A_119 : memref<10000x16xf32, #tpu.memory_space<vmem_shared>>) offsets(%dma_start3A_116 : memref<1000xi32, #tpu.memory_space<vmem>>) semaphore(%run_scoped3A_114 : memref<!tpu.dma_semaphore, #tpu.memory_space<semaphore_mem>>) {add = true}
      %dma_wait3A_120 = arith.constant 3000 : i32
      %dma_wait3A_121 = tpu.memref_slice %arg7[%dma_wait3A_120] : memref<10000xi32, #tpu.memory_space<vmem>> -> memref<1000xi32, #tpu.memory_space<vmem>>
      %dma_wait3A_122 = arith.constant 0 : i32
      %dma_wait3A_123 = arith.constant 0 : i32
      %dma_wait3A_124 = tpu.memref_slice %arg12[%dma_wait3A_122, %dma_wait3A_123] : memref<10000x16xf32, #tpu.memory_space<vmem_shared>> -> memref<10000x16xf32, #tpu.memory_space<vmem_shared>>
      tpu.wait_indirect_dma semaphore(%run_scoped3A_114 : memref<!tpu.dma_semaphore, #tpu.memory_space<semaphore_mem>>) src(%arg11 : memref<1000x16xf32, #tpu.memory_space<vmem>>) dst(%dma_wait3A_124 : memref<10000x16xf32, #tpu.memory_space<vmem_shared>>)
      tpu.yield
    }) : () -> ()
    %dma_start3A_61 = arith.constant 7000 : i32
    %dma_start3A_62 = tpu.memref_slice %arg6[%dma_start3A_61] : memref<10000xi32, #tpu.memory_space<vmem>> -> memref<1000xi32, #tpu.memory_space<vmem>>
    %dma_start3A_63 = arith.constant 0 : i32
    %dma_start3A_64 = arith.constant 0 : i32
    %dma_start3A_65 = tpu.memref_slice %arg2[%dma_start3A_63, %dma_start3A_64] : memref<10000x16xf32, #tpu.memory_space<hbm>> -> memref<10000x16xf32, #tpu.memory_space<hbm>>
    tpu.enqueue_indirect_dma source(%dma_start3A_65 : memref<10000x16xf32, #tpu.memory_space<hbm>>) target(%arg11 : memref<1000x16xf32, #tpu.memory_space<vmem>>) offsets(%dma_start3A_62 : memref<1000xi32, #tpu.memory_space<vmem>>) semaphore(%arg16 : memref<!tpu.dma_semaphore, #tpu.memory_space<semaphore_mem>>)
    %dma_wait3A_66 = arith.constant 4000 : i32
    %dma_wait3A_67 = tpu.memref_slice %arg6[%dma_wait3A_66] : memref<10000xi32, #tpu.memory_space<vmem>> -> memref<1000xi32, #tpu.memory_space<vmem>>
    %dma_wait3A_68 = arith.constant 0 : i32
    %dma_wait3A_69 = arith.constant 0 : i32
    %dma_wait3A_70 = tpu.memref_slice %arg2[%dma_wait3A_68, %dma_wait3A_69] : memref<10000x16xf32, #tpu.memory_space<hbm>> -> memref<10000x16xf32, #tpu.memory_space<hbm>>
    tpu.wait_indirect_dma semaphore(%arg13 : memref<!tpu.dma_semaphore, #tpu.memory_space<semaphore_mem>>) src(%dma_wait3A_70 : memref<10000x16xf32, #tpu.memory_space<hbm>>) dst(%arg8 : memref<1000x16xf32, #tpu.memory_space<vmem>>)
    "tpu.region"() ({
      %run_scoped3A_114 = tpu.sem_alloc : memref<!tpu.dma_semaphore, #tpu.memory_space<semaphore_mem>>
      %dma_start3A_115 = arith.constant 4000 : i32
      %dma_start3A_116 = tpu.memref_slice %arg7[%dma_start3A_115] : memref<10000xi32, #tpu.memory_space<vmem>> -> memref<1000xi32, #tpu.memory_space<vmem>>
      %dma_start3A_117 = arith.constant 0 : i32
      %dma_start3A_118 = arith.constant 0 : i32
      %dma_start3A_119 = tpu.memref_slice %arg12[%dma_start3A_117, %dma_start3A_118] : memref<10000x16xf32, #tpu.memory_space<vmem_shared>> -> memref<10000x16xf32, #tpu.memory_space<vmem_shared>>
      tpu.enqueue_indirect_dma source(%arg8 : memref<1000x16xf32, #tpu.memory_space<vmem>>) target(%dma_start3A_119 : memref<10000x16xf32, #tpu.memory_space<vmem_shared>>) offsets(%dma_start3A_116 : memref<1000xi32, #tpu.memory_space<vmem>>) semaphore(%run_scoped3A_114 : memref<!tpu.dma_semaphore, #tpu.memory_space<semaphore_mem>>) {add = true}
      %dma_wait3A_120 = arith.constant 4000 : i32
      %dma_wait3A_121 = tpu.memref_slice %arg7[%dma_wait3A_120] : memref<10000xi32, #tpu.memory_space<vmem>> -> memref<1000xi32, #tpu.memory_space<vmem>>
      %dma_wait3A_122 = arith.constant 0 : i32
      %dma_wait3A_123 = arith.constant 0 : i32
      %dma_wait3A_124 = tpu.memref_slice %arg12[%dma_wait3A_122, %dma_wait3A_123] : memref<10000x16xf32, #tpu.memory_space<vmem_shared>> -> memref<10000x16xf32, #tpu.memory_space<vmem_shared>>
      tpu.wait_indirect_dma semaphore(%run_scoped3A_114 : memref<!tpu.dma_semaphore, #tpu.memory_space<semaphore_mem>>) src(%arg8 : memref<1000x16xf32, #tpu.memory_space<vmem>>) dst(%dma_wait3A_124 : memref<10000x16xf32, #tpu.memory_space<vmem_shared>>)
      tpu.yield
    }) : () -> ()
    %dma_start3A_71 = arith.constant 8000 : i32
    %dma_start3A_72 = tpu.memref_slice %arg6[%dma_start3A_71] : memref<10000xi32, #tpu.memory_space<vmem>> -> memref<1000xi32, #tpu.memory_space<vmem>>
    %dma_start3A_73 = arith.constant 0 : i32
    %dma_start3A_74 = arith.constant 0 : i32
    %dma_start3A_75 = tpu.memref_slice %arg2[%dma_start3A_73, %dma_start3A_74] : memref<10000x16xf32, #tpu.memory_space<hbm>> -> memref<10000x16xf32, #tpu.memory_space<hbm>>
    tpu.enqueue_indirect_dma source(%dma_start3A_75 : memref<10000x16xf32, #tpu.memory_space<hbm>>) target(%arg8 : memref<1000x16xf32, #tpu.memory_space<vmem>>) offsets(%dma_start3A_72 : memref<1000xi32, #tpu.memory_space<vmem>>) semaphore(%arg13 : memref<!tpu.dma_semaphore, #tpu.memory_space<semaphore_mem>>)
    %dma_wait3A_76 = arith.constant 5000 : i32
    %dma_wait3A_77 = tpu.memref_slice %arg6[%dma_wait3A_76] : memref<10000xi32, #tpu.memory_space<vmem>> -> memref<1000xi32, #tpu.memory_space<vmem>>
    %dma_wait3A_78 = arith.constant 0 : i32
    %dma_wait3A_79 = arith.constant 0 : i32
    %dma_wait3A_80 = tpu.memref_slice %arg2[%dma_wait3A_78, %dma_wait3A_79] : memref<10000x16xf32, #tpu.memory_space<hbm>> -> memref<10000x16xf32, #tpu.memory_space<hbm>>
    tpu.wait_indirect_dma semaphore(%arg14 : memref<!tpu.dma_semaphore, #tpu.memory_space<semaphore_mem>>) src(%dma_wait3A_80 : memref<10000x16xf32, #tpu.memory_space<hbm>>) dst(%arg9 : memref<1000x16xf32, #tpu.memory_space<vmem>>)
    "tpu.region"() ({
      %run_scoped3A_114 = tpu.sem_alloc : memref<!tpu.dma_semaphore, #tpu.memory_space<semaphore_mem>>
      %dma_start3A_115 = arith.constant 5000 : i32
      %dma_start3A_116 = tpu.memref_slice %arg7[%dma_start3A_115] : memref<10000xi32, #tpu.memory_space<vmem>> -> memref<1000xi32, #tpu.memory_space<vmem>>
      %dma_start3A_117 = arith.constant 0 : i32
      %dma_start3A_118 = arith.constant 0 : i32
      %dma_start3A_119 = tpu.memref_slice %arg12[%dma_start3A_117, %dma_start3A_118] : memref<10000x16xf32, #tpu.memory_space<vmem_shared>> -> memref<10000x16xf32, #tpu.memory_space<vmem_shared>>
      tpu.enqueue_indirect_dma source(%arg9 : memref<1000x16xf32, #tpu.memory_space<vmem>>) target(%dma_start3A_119 : memref<10000x16xf32, #tpu.memory_space<vmem_shared>>) offsets(%dma_start3A_116 : memref<1000xi32, #tpu.memory_space<vmem>>) semaphore(%run_scoped3A_114 : memref<!tpu.dma_semaphore, #tpu.memory_space<semaphore_mem>>) {add = true}
      %dma_wait3A_120 = arith.constant 5000 : i32
      %dma_wait3A_121 = tpu.memref_slice %arg7[%dma_wait3A_120] : memref<10000xi32, #tpu.memory_space<vmem>> -> memref<1000xi32, #tpu.memory_space<vmem>>
      %dma_wait3A_122 = arith.constant 0 : i32
      %dma_wait3A_123 = arith.constant 0 : i32
      %dma_wait3A_124 = tpu.memref_slice %arg12[%dma_wait3A_122, %dma_wait3A_123] : memref<10000x16xf32, #tpu.memory_space<vmem_shared>> -> memref<10000x16xf32, #tpu.memory_space<vmem_shared>>
      tpu.wait_indirect_dma semaphore(%run_scoped3A_114 : memref<!tpu.dma_semaphore, #tpu.memory_space<semaphore_mem>>) src(%arg9 : memref<1000x16xf32, #tpu.memory_space<vmem>>) dst(%dma_wait3A_124 : memref<10000x16xf32, #tpu.memory_space<vmem_shared>>)
      tpu.yield
    }) : () -> ()
    %dma_start3A_81 = arith.constant 9000 : i32
    %dma_start3A_82 = tpu.memref_slice %arg6[%dma_start3A_81] : memref<10000xi32, #tpu.memory_space<vmem>> -> memref<1000xi32, #tpu.memory_space<vmem>>
    %dma_start3A_83 = arith.constant 0 : i32
    %dma_start3A_84 = arith.constant 0 : i32
    %dma_start3A_85 = tpu.memref_slice %arg2[%dma_start3A_83, %dma_start3A_84] : memref<10000x16xf32, #tpu.memory_space<hbm>> -> memref<10000x16xf32, #tpu.memory_space<hbm>>
    tpu.enqueue_indirect_dma source(%dma_start3A_85 : memref<10000x16xf32, #tpu.memory_space<hbm>>) target(%arg9 : memref<1000x16xf32, #tpu.memory_space<vmem>>) offsets(%dma_start3A_82 : memref<1000xi32, #tpu.memory_space<vmem>>) semaphore(%arg14 : memref<!tpu.dma_semaphore, #tpu.memory_space<semaphore_mem>>)
    %dma_wait3A_86 = arith.constant 6000 : i32
    %dma_wait3A_87 = tpu.memref_slice %arg6[%dma_wait3A_86] : memref<10000xi32, #tpu.memory_space<vmem>> -> memref<1000xi32, #tpu.memory_space<vmem>>
    %dma_wait3A_88 = arith.constant 0 : i32
    %dma_wait3A_89 = arith.constant 0 : i32
    %dma_wait3A_90 = tpu.memref_slice %arg2[%dma_wait3A_88, %dma_wait3A_89] : memref<10000x16xf32, #tpu.memory_space<hbm>> -> memref<10000x16xf32, #tpu.memory_space<hbm>>
    tpu.wait_indirect_dma semaphore(%arg15 : memref<!tpu.dma_semaphore, #tpu.memory_space<semaphore_mem>>) src(%dma_wait3A_90 : memref<10000x16xf32, #tpu.memory_space<hbm>>) dst(%arg10 : memref<1000x16xf32, #tpu.memory_space<vmem>>)
    "tpu.region"() ({
      %run_scoped3A_114 = tpu.sem_alloc : memref<!tpu.dma_semaphore, #tpu.memory_space<semaphore_mem>>
      %dma_start3A_115 = arith.constant 6000 : i32
      %dma_start3A_116 = tpu.memref_slice %arg7[%dma_start3A_115] : memref<10000xi32, #tpu.memory_space<vmem>> -> memref<1000xi32, #tpu.memory_space<vmem>>
      %dma_start3A_117 = arith.constant 0 : i32
      %dma_start3A_118 = arith.constant 0 : i32
      %dma_start3A_119 = tpu.memref_slice %arg12[%dma_start3A_117, %dma_start3A_118] : memref<10000x16xf32, #tpu.memory_space<vmem_shared>> -> memref<10000x16xf32, #tpu.memory_space<vmem_shared>>
      tpu.enqueue_indirect_dma source(%arg10 : memref<1000x16xf32, #tpu.memory_space<vmem>>) target(%dma_start3A_119 : memref<10000x16xf32, #tpu.memory_space<vmem_shared>>) offsets(%dma_start3A_116 : memref<1000xi32, #tpu.memory_space<vmem>>) semaphore(%run_scoped3A_114 : memref<!tpu.dma_semaphore, #tpu.memory_space<semaphore_mem>>) {add = true}
      %dma_wait3A_120 = arith.constant 6000 : i32
      %dma_wait3A_121 = tpu.memref_slice %arg7[%dma_wait3A_120] : memref<10000xi32, #tpu.memory_space<vmem>> -> memref<1000xi32, #tpu.memory_space<vmem>>
      %dma_wait3A_122 = arith.constant 0 : i32
      %dma_wait3A_123 = arith.constant 0 : i32
      %dma_wait3A_124 = tpu.memref_slice %arg12[%dma_wait3A_122, %dma_wait3A_123] : memref<10000x16xf32, #tpu.memory_space<vmem_shared>> -> memref<10000x16xf32, #tpu.memory_space<vmem_shared>>
      tpu.wait_indirect_dma semaphore(%run_scoped3A_114 : memref<!tpu.dma_semaphore, #tpu.memory_space<semaphore_mem>>) src(%arg10 : memref<1000x16xf32, #tpu.memory_space<vmem>>) dst(%dma_wait3A_124 : memref<10000x16xf32, #tpu.memory_space<vmem_shared>>)
      tpu.yield
    }) : () -> ()
    %dma_wait3A_91 = arith.constant 7000 : i32
    %dma_wait3A_92 = tpu.memref_slice %arg6[%dma_wait3A_91] : memref<10000xi32, #tpu.memory_space<vmem>> -> memref<1000xi32, #tpu.memory_space<vmem>>
    %dma_wait3A_93 = arith.constant 0 : i32
    %dma_wait3A_94 = arith.constant 0 : i32
    %dma_wait3A_95 = tpu.memref_slice %arg2[%dma_wait3A_93, %dma_wait3A_94] : memref<10000x16xf32, #tpu.memory_space<hbm>> -> memref<10000x16xf32, #tpu.memory_space<hbm>>
    tpu.wait_indirect_dma semaphore(%arg16 : memref<!tpu.dma_semaphore, #tpu.memory_space<semaphore_mem>>) src(%dma_wait3A_95 : memref<10000x16xf32, #tpu.memory_space<hbm>>) dst(%arg11 : memref<1000x16xf32, #tpu.memory_space<vmem>>)
    "tpu.region"() ({
      %run_scoped3A_114 = tpu.sem_alloc : memref<!tpu.dma_semaphore, #tpu.memory_space<semaphore_mem>>
      %dma_start3A_115 = arith.constant 7000 : i32
      %dma_start3A_116 = tpu.memref_slice %arg7[%dma_start3A_115] : memref<10000xi32, #tpu.memory_space<vmem>> -> memref<1000xi32, #tpu.memory_space<vmem>>
      %dma_start3A_117 = arith.constant 0 : i32
      %dma_start3A_118 = arith.constant 0 : i32
      %dma_start3A_119 = tpu.memref_slice %arg12[%dma_start3A_117, %dma_start3A_118] : memref<10000x16xf32, #tpu.memory_space<vmem_shared>> -> memref<10000x16xf32, #tpu.memory_space<vmem_shared>>
      tpu.enqueue_indirect_dma source(%arg11 : memref<1000x16xf32, #tpu.memory_space<vmem>>) target(%dma_start3A_119 : memref<10000x16xf32, #tpu.memory_space<vmem_shared>>) offsets(%dma_start3A_116 : memref<1000xi32, #tpu.memory_space<vmem>>) semaphore(%run_scoped3A_114 : memref<!tpu.dma_semaphore, #tpu.memory_space<semaphore_mem>>) {add = true}
      %dma_wait3A_120 = arith.constant 7000 : i32
      %dma_wait3A_121 = tpu.memref_slice %arg7[%dma_wait3A_120] : memref<10000xi32, #tpu.memory_space<vmem>> -> memref<1000xi32, #tpu.memory_space<vmem>>
      %dma_wait3A_122 = arith.constant 0 : i32
      %dma_wait3A_123 = arith.constant 0 : i32
      %dma_wait3A_124 = tpu.memref_slice %arg12[%dma_wait3A_122, %dma_wait3A_123] : memref<10000x16xf32, #tpu.memory_space<vmem_shared>> -> memref<10000x16xf32, #tpu.memory_space<vmem_shared>>
      tpu.wait_indirect_dma semaphore(%run_scoped3A_114 : memref<!tpu.dma_semaphore, #tpu.memory_space<semaphore_mem>>) src(%arg11 : memref<1000x16xf32, #tpu.memory_space<vmem>>) dst(%dma_wait3A_124 : memref<10000x16xf32, #tpu.memory_space<vmem_shared>>)
      tpu.yield
    }) : () -> ()
    %dma_wait3A_96 = arith.constant 8000 : i32
    %dma_wait3A_97 = tpu.memref_slice %arg6[%dma_wait3A_96] : memref<10000xi32, #tpu.memory_space<vmem>> -> memref<1000xi32, #tpu.memory_space<vmem>>
    %dma_wait3A_98 = arith.constant 0 : i32
    %dma_wait3A_99 = arith.constant 0 : i32
    %dma_wait3A_100 = tpu.memref_slice %arg2[%dma_wait3A_98, %dma_wait3A_99] : memref<10000x16xf32, #tpu.memory_space<hbm>> -> memref<10000x16xf32, #tpu.memory_space<hbm>>
    tpu.wait_indirect_dma semaphore(%arg13 : memref<!tpu.dma_semaphore, #tpu.memory_space<semaphore_mem>>) src(%dma_wait3A_100 : memref<10000x16xf32, #tpu.memory_space<hbm>>) dst(%arg8 : memref<1000x16xf32, #tpu.memory_space<vmem>>)
    "tpu.region"() ({
      %run_scoped3A_114 = tpu.sem_alloc : memref<!tpu.dma_semaphore, #tpu.memory_space<semaphore_mem>>
      %dma_start3A_115 = arith.constant 8000 : i32
      %dma_start3A_116 = tpu.memref_slice %arg7[%dma_start3A_115] : memref<10000xi32, #tpu.memory_space<vmem>> -> memref<1000xi32, #tpu.memory_space<vmem>>
      %dma_start3A_117 = arith.constant 0 : i32
      %dma_start3A_118 = arith.constant 0 : i32
      %dma_start3A_119 = tpu.memref_slice %arg12[%dma_start3A_117, %dma_start3A_118] : memref<10000x16xf32, #tpu.memory_space<vmem_shared>> -> memref<10000x16xf32, #tpu.memory_space<vmem_shared>>
      tpu.enqueue_indirect_dma source(%arg8 : memref<1000x16xf32, #tpu.memory_space<vmem>>) target(%dma_start3A_119 : memref<10000x16xf32, #tpu.memory_space<vmem_shared>>) offsets(%dma_start3A_116 : memref<1000xi32, #tpu.memory_space<vmem>>) semaphore(%run_scoped3A_114 : memref<!tpu.dma_semaphore, #tpu.memory_space<semaphore_mem>>) {add = true}
      %dma_wait3A_120 = arith.constant 8000 : i32
      %dma_wait3A_121 = tpu.memref_slice %arg7[%dma_wait3A_120] : memref<10000xi32, #tpu.memory_space<vmem>> -> memref<1000xi32, #tpu.memory_space<vmem>>
      %dma_wait3A_122 = arith.constant 0 : i32
      %dma_wait3A_123 = arith.constant 0 : i32
      %dma_wait3A_124 = tpu.memref_slice %arg12[%dma_wait3A_122, %dma_wait3A_123] : memref<10000x16xf32, #tpu.memory_space<vmem_shared>> -> memref<10000x16xf32, #tpu.memory_space<vmem_shared>>
      tpu.wait_indirect_dma semaphore(%run_scoped3A_114 : memref<!tpu.dma_semaphore, #tpu.memory_space<semaphore_mem>>) src(%arg8 : memref<1000x16xf32, #tpu.memory_space<vmem>>) dst(%dma_wait3A_124 : memref<10000x16xf32, #tpu.memory_space<vmem_shared>>)
      tpu.yield
    }) : () -> ()
    %dma_wait3A_101 = arith.constant 9000 : i32
    %dma_wait3A_102 = tpu.memref_slice %arg6[%dma_wait3A_101] : memref<10000xi32, #tpu.memory_space<vmem>> -> memref<1000xi32, #tpu.memory_space<vmem>>
    %dma_wait3A_103 = arith.constant 0 : i32
    %dma_wait3A_104 = arith.constant 0 : i32
    %dma_wait3A_105 = tpu.memref_slice %arg2[%dma_wait3A_103, %dma_wait3A_104] : memref<10000x16xf32, #tpu.memory_space<hbm>> -> memref<10000x16xf32, #tpu.memory_space<hbm>>
    tpu.wait_indirect_dma semaphore(%arg14 : memref<!tpu.dma_semaphore, #tpu.memory_space<semaphore_mem>>) src(%dma_wait3A_105 : memref<10000x16xf32, #tpu.memory_space<hbm>>) dst(%arg9 : memref<1000x16xf32, #tpu.memory_space<vmem>>)
    "tpu.region"() ({
      %run_scoped3A_114 = tpu.sem_alloc : memref<!tpu.dma_semaphore, #tpu.memory_space<semaphore_mem>>
      %dma_start3A_115 = arith.constant 9000 : i32
      %dma_start3A_116 = tpu.memref_slice %arg7[%dma_start3A_115] : memref<10000xi32, #tpu.memory_space<vmem>> -> memref<1000xi32, #tpu.memory_space<vmem>>
      %dma_start3A_117 = arith.constant 0 : i32
      %dma_start3A_118 = arith.constant 0 : i32
      %dma_start3A_119 = tpu.memref_slice %arg12[%dma_start3A_117, %dma_start3A_118] : memref<10000x16xf32, #tpu.memory_space<vmem_shared>> -> memref<10000x16xf32, #tpu.memory_space<vmem_shared>>
      tpu.enqueue_indirect_dma source(%arg9 : memref<1000x16xf32, #tpu.memory_space<vmem>>) target(%dma_start3A_119 : memref<10000x16xf32, #tpu.memory_space<vmem_shared>>) offsets(%dma_start3A_116 : memref<1000xi32, #tpu.memory_space<vmem>>) semaphore(%run_scoped3A_114 : memref<!tpu.dma_semaphore, #tpu.memory_space<semaphore_mem>>) {add = true}
      %dma_wait3A_120 = arith.constant 9000 : i32
      %dma_wait3A_121 = tpu.memref_slice %arg7[%dma_wait3A_120] : memref<10000xi32, #tpu.memory_space<vmem>> -> memref<1000xi32, #tpu.memory_space<vmem>>
      %dma_wait3A_122 = arith.constant 0 : i32
      %dma_wait3A_123 = arith.constant 0 : i32
      %dma_wait3A_124 = tpu.memref_slice %arg12[%dma_wait3A_122, %dma_wait3A_123] : memref<10000x16xf32, #tpu.memory_space<vmem_shared>> -> memref<10000x16xf32, #tpu.memory_space<vmem_shared>>
      tpu.wait_indirect_dma semaphore(%run_scoped3A_114 : memref<!tpu.dma_semaphore, #tpu.memory_space<semaphore_mem>>) src(%arg9 : memref<1000x16xf32, #tpu.memory_space<vmem>>) dst(%dma_wait3A_124 : memref<10000x16xf32, #tpu.memory_space<vmem_shared>>)
      tpu.yield
    }) : () -> ()
    %barrier3A_106 = arith.constant 0 : index
    tpu.barrier barrier_id(%barrier3A_106)
    %eq3A = arith.constant 0 : i32
    %eq3A_107 = arith.cmpi eq, %arg0, %eq3A : i32
    %convert_element_type3A = arith.extui %eq3A_107 : i1 to i32
    %cond3A = arith.constant 0 : i32
    %cond3A_108 = arith.cmpi ne, %convert_element_type3A, %cond3A : i32
    scf.if %cond3A_108 {
      %mul3A_114 = arith.constant 625 : i32
      %mul3A_115 = arith.muli %arg1, %mul3A_114 : i32
      %mul3A_116 = arith.constant 625 : i32
      %mul3A_117 = arith.muli %arg1, %mul3A_116 : i32
      "tpu.region"() ({
        %run_scoped3A_118 = tpu.sem_alloc : memref<!tpu.dma_semaphore, #tpu.memory_space<semaphore_mem>>
        %dma_start3A_119 = arith.constant 0 : i32
        %dma_start3A_120 = tpu.memref_slice %arg4[%mul3A_117, %dma_start3A_119] : memref<10000x16xf32, #tpu.memory_space<hbm>> -> memref<625x16xf32, #tpu.memory_space<hbm>>
        %dma_start3A_121 = arith.constant 0 : i32
        %dma_start3A_122 = tpu.memref_slice %arg12[%mul3A_115, %dma_start3A_121] : memref<10000x16xf32, #tpu.memory_space<vmem_shared>> -> memref<625x16xf32, #tpu.memory_space<vmem_shared>>
        tpu.enqueue_dma source(%dma_start3A_122 : memref<625x16xf32, #tpu.memory_space<vmem_shared>>) target(%dma_start3A_120 : memref<625x16xf32, #tpu.memory_space<hbm>>) target_semaphore(%run_scoped3A_118 : memref<!tpu.dma_semaphore, #tpu.memory_space<semaphore_mem>>)
        %dma_wait3A_123 = arith.constant 0 : i32
        %dma_wait3A_124 = tpu.memref_slice %arg4[%mul3A_117, %dma_wait3A_123] : memref<10000x16xf32, #tpu.memory_space<hbm>> -> memref<625x16xf32, #tpu.memory_space<hbm>>
        %dma_wait3A_125 = arith.constant 0 : i32
        %dma_wait3A_126 = tpu.memref_slice %arg12[%mul3A_115, %dma_wait3A_125] : memref<10000x16xf32, #tpu.memory_space<vmem_shared>> -> memref<625x16xf32, #tpu.memory_space<vmem_shared>>
        tpu.wait_dma2 semaphore(%run_scoped3A_118 : memref<!tpu.dma_semaphore, #tpu.memory_space<semaphore_mem>>) src(%dma_wait3A_126 : memref<625x16xf32, #tpu.memory_space<vmem_shared>>) dst(%dma_wait3A_124 : memref<625x16xf32, #tpu.memory_space<hbm>>)
        tpu.yield
      }) : () -> ()
    } else {
    }
    %eq3A_109 = arith.constant 1 : i32
    %eq3A_110 = arith.cmpi eq, %arg0, %eq3A_109 : i32
    %convert_element_type3A_111 = arith.extui %eq3A_110 : i1 to i32
    %cond3A_112 = arith.constant 0 : i32
    %cond3A_113 = arith.cmpi ne, %convert_element_type3A_111, %cond3A_112 : i32
    scf.if %cond3A_113 {
      %mul3A_114 = arith.constant 625 : i32
      %mul3A_115 = arith.muli %arg1, %mul3A_114 : i32
      %mul3A_116 = arith.constant 625 : i32
      %mul3A_117 = arith.muli %arg1, %mul3A_116 : i32
      "tpu.region"() ({
        %run_scoped3A_118 = tpu.sem_alloc : memref<!tpu.dma_semaphore, #tpu.memory_space<semaphore_mem>>
        %dma_start3A_119 = arith.constant 0 : i32
        %dma_start3A_120 = tpu.memref_slice %arg5[%mul3A_117, %dma_start3A_119] : memref<10000x16xf32, #tpu.memory_space<hbm>> -> memref<625x16xf32, #tpu.memory_space<hbm>>
        %dma_start3A_121 = arith.constant 0 : i32
        %dma_start3A_122 = tpu.memref_slice %arg12[%mul3A_115, %dma_start3A_121] : memref<10000x16xf32, #tpu.memory_space<vmem_shared>> -> memref<625x16xf32, #tpu.memory_space<vmem_shared>>
        tpu.enqueue_dma source(%dma_start3A_122 : memref<625x16xf32, #tpu.memory_space<vmem_shared>>) target(%dma_start3A_120 : memref<625x16xf32, #tpu.memory_space<hbm>>) target_semaphore(%run_scoped3A_118 : memref<!tpu.dma_semaphore, #tpu.memory_space<semaphore_mem>>)
        %dma_wait3A_123 = arith.constant 0 : i32
        %dma_wait3A_124 = tpu.memref_slice %arg5[%mul3A_117, %dma_wait3A_123] : memref<10000x16xf32, #tpu.memory_space<hbm>> -> memref<625x16xf32, #tpu.memory_space<hbm>>
        %dma_wait3A_125 = arith.constant 0 : i32
        %dma_wait3A_126 = tpu.memref_slice %arg12[%mul3A_115, %dma_wait3A_125] : memref<10000x16xf32, #tpu.memory_space<vmem_shared>> -> memref<625x16xf32, #tpu.memory_space<vmem_shared>>
        tpu.wait_dma2 semaphore(%run_scoped3A_118 : memref<!tpu.dma_semaphore, #tpu.memory_space<semaphore_mem>>) src(%dma_wait3A_126 : memref<625x16xf32, #tpu.memory_space<vmem_shared>>) dst(%dma_wait3A_124 : memref<625x16xf32, #tpu.memory_space<hbm>>)
        tpu.yield
      }) : () -> ()
    } else {
    }
    return
  }
}

#map = affine_map<(d0, d1) -> (0, 0)>
module attributes {stable_mosaic.version = 14 : i64} {
  func.func @_prop_body(%arg0: i32, %arg1: i32, %arg2: memref<10000x16xf32, #tpu.memory_space<hbm>>, %arg3: memref<2x320000xi32, #tpu.memory_space<hbm>>, %arg4: memref<10000x16xf32, #tpu.memory_space<hbm>>, %arg5: memref<10000x16xf32, #tpu.memory_space<hbm>>, %arg6: memref<10000xi32, #tpu.memory_space<vmem>>, %arg7: memref<10000xi32, #tpu.memory_space<vmem>>, %arg8: memref<1000x16xf32, #tpu.memory_space<vmem>>, %arg9: memref<1000x16xf32, #tpu.memory_space<vmem>>, %arg10: memref<1000x16xf32, #tpu.memory_space<vmem>>, %arg11: memref<1000x16xf32, #tpu.memory_space<vmem>>, %arg12: memref<10000x16xf32, #tpu.memory_space<vmem_shared>>, %arg13: memref<!tpu.dma_semaphore, #tpu.memory_space<semaphore_mem>>, %arg14: memref<!tpu.dma_semaphore, #tpu.memory_space<semaphore_mem>>, %arg15: memref<!tpu.dma_semaphore, #tpu.memory_space<semaphore_mem>>, %arg16: memref<!tpu.dma_semaphore, #tpu.memory_space<semaphore_mem>>) attributes {dimension_semantics = [#tpu.dimension_semantics<core_parallel>, #tpu.dimension_semantics<subcore_parallel>], iteration_bounds = array<i64: 2, 16>, scalar_prefetch = 0 : i64, scratch_operands = 11 : i64, tpu.core_type = #tpu.core_type<sc_vector_subcore>, window_params = [{transform_indices = #map}, {transform_indices = #map}, {transform_indices = #map}, {transform_indices = #map}]} {
    %mul3A = arith.constant 2 : i32
    %mul3A_0 = arith.muli %arg1, %mul3A : i32
    %add3A = arith.addi %mul3A_0, %arg0 : i32
    %mul3A_1 = arith.constant 625 : i32
    %mul3A_2 = arith.muli %arg1, %mul3A_1 : i32
    %mul3A_3 = arith.constant 625 : i32
    %mul3A_4 = arith.muli %arg1, %mul3A_3 : i32
    "tpu.region"() ({
      %run_scoped3A_114 = tpu.sem_alloc : memref<!tpu.dma_semaphore, #tpu.memory_space<semaphore_mem>>
      %dma_start3A_115 = arith.constant 0 : i32
      %dma_start3A_116 = tpu.memref_slice %arg12[%mul3A_4, %dma_start3A_115] : memref<10000x16xf32, #tpu.memory_space<vmem_shared>> -> memref<625x16xf32, #tpu.memory_space<vmem_shared>>
      %dma_start3A_117 = arith.constant 0 : i32
      %dma_start3A_118 = tpu.memref_slice %arg2[%mul3A_2, %dma_start3A_117] : memref<10000x16xf32, #tpu.memory_space<hbm>> -> memref<625x16xf32, #tpu.memory_space<hbm>>
      tpu.enqueue_dma source(%dma_start3A_118 : memref<625x16xf32, #tpu.memory_space<hbm>>) target(%dma_start3A_116 : memref<625x16xf32, #tpu.memory_space<vmem_shared>>) target_semaphore(%run_scoped3A_114 : memref<!tpu.dma_semaphore, #tpu.memory_space<semaphore_mem>>)
      %dma_wait3A_119 = arith.constant 0 : i32
      %dma_wait3A_120 = tpu.memref_slice %arg12[%mul3A_4, %dma_wait3A_119] : memref<10000x16xf32, #tpu.memory_space<vmem_shared>> -> memref<625x16xf32, #tpu.memory_space<vmem_shared>>
      %dma_wait3A_121 = arith.constant 0 : i32
      %dma_wait3A_122 = tpu.memref_slice %arg2[%mul3A_2, %dma_wait3A_121] : memref<10000x16xf32, #tpu.memory_space<hbm>> -> memref<625x16xf32, #tpu.memory_space<hbm>>
      tpu.wait_dma2 semaphore(%run_scoped3A_114 : memref<!tpu.dma_semaphore, #tpu.memory_space<semaphore_mem>>) src(%dma_wait3A_122 : memref<625x16xf32, #tpu.memory_space<hbm>>) dst(%dma_wait3A_120 : memref<625x16xf32, #tpu.memory_space<vmem_shared>>)
      tpu.yield
    }) : () -> ()
    %mul3A_5 = arith.constant 10000 : i32
    %mul3A_6 = arith.muli %add3A, %mul3A_5 : i32
    %run_scoped3A = arith.constant 0 : i32
    "tpu.region"() ({
      %run_scoped3A_114 = tpu.sem_alloc : memref<!tpu.dma_semaphore, #tpu.memory_space<semaphore_mem>>
      %dma_start3A_115 = tpu.memref_slice %arg3[%run_scoped3A, %mul3A_6] : memref<2x320000xi32, #tpu.memory_space<hbm>> -> memref<1x10000xi32, #tpu.memory_space<hbm>>
      %dma_start3A_116 = tpu.memref_squeeze %dma_start3A_115 : memref<1x10000xi32, #tpu.memory_space<hbm>> -> memref<10000xi32, #tpu.memory_space<hbm>>
      %dma_start3A_117 = tpu.memref_slice %arg3[%run_scoped3A, %mul3A_6] : memref<2x320000xi32, #tpu.memory_space<hbm>> -> memref<1x10000xi32, #tpu.memory_space<hbm>>
      %dma_start3A_118 = tpu.memref_squeeze %dma_start3A_117 : memref<1x10000xi32, #tpu.memory_space<hbm>> -> memref<10000xi32, #tpu.memory_space<hbm>>
      tpu.enqueue_dma source(%dma_start3A_118 : memref<10000xi32, #tpu.memory_space<hbm>>) target(%arg6 : memref<10000xi32, #tpu.memory_space<vmem>>) target_semaphore(%run_scoped3A_114 : memref<!tpu.dma_semaphore, #tpu.memory_space<semaphore_mem>>)
      %dma_wait3A_119 = tpu.memref_slice %arg3[%run_scoped3A, %mul3A_6] : memref<2x320000xi32, #tpu.memory_space<hbm>> -> memref<1x10000xi32, #tpu.memory_space<hbm>>
      %dma_wait3A_120 = tpu.memref_squeeze %dma_wait3A_119 : memref<1x10000xi32, #tpu.memory_space<hbm>> -> memref<10000xi32, #tpu.memory_space<hbm>>
      %dma_wait3A_121 = tpu.memref_slice %arg3[%run_scoped3A, %mul3A_6] : memref<2x320000xi32, #tpu.memory_space<hbm>> -> memref<1x10000xi32, #tpu.memory_space<hbm>>
      %dma_wait3A_122 = tpu.memref_squeeze %dma_wait3A_121 : memref<1x10000xi32, #tpu.memory_space<hbm>> -> memref<10000xi32, #tpu.memory_space<hbm>>
      tpu.wait_dma2 semaphore(%run_scoped3A_114 : memref<!tpu.dma_semaphore, #tpu.memory_space<semaphore_mem>>) src(%dma_wait3A_122 : memref<10000xi32, #tpu.memory_space<hbm>>) dst(%arg6 : memref<10000xi32, #tpu.memory_space<vmem>>)
      tpu.yield
    }) : () -> ()
    %run_scoped3A_7 = arith.constant 1 : i32
    "tpu.region"() ({
      %run_scoped3A_114 = tpu.sem_alloc : memref<!tpu.dma_semaphore, #tpu.memory_space<semaphore_mem>>
      %dma_start3A_115 = tpu.memref_slice %arg3[%run_scoped3A_7, %mul3A_6] : memref<2x320000xi32, #tpu.memory_space<hbm>> -> memref<1x10000xi32, #tpu.memory_space<hbm>>
      %dma_start3A_116 = tpu.memref_squeeze %dma_start3A_115 : memref<1x10000xi32, #tpu.memory_space<hbm>> -> memref<10000xi32, #tpu.memory_space<hbm>>
      %dma_start3A_117 = tpu.memref_slice %arg3[%run_scoped3A_7, %mul3A_6] : memref<2x320000xi32, #tpu.memory_space<hbm>> -> memref<1x10000xi32, #tpu.memory_space<hbm>>
      %dma_start3A_118 = tpu.memref_squeeze %dma_start3A_117 : memref<1x10000xi32, #tpu.memory_space<hbm>> -> memref<10000xi32, #tpu.memory_space<hbm>>
      tpu.enqueue_dma source(%dma_start3A_118 : memref<10000xi32, #tpu.memory_space<hbm>>) target(%arg7 : memref<10000xi32, #tpu.memory_space<vmem>>) target_semaphore(%run_scoped3A_114 : memref<!tpu.dma_semaphore, #tpu.memory_space<semaphore_mem>>)
      %dma_wait3A_119 = tpu.memref_slice %arg3[%run_scoped3A_7, %mul3A_6] : memref<2x320000xi32, #tpu.memory_space<hbm>> -> memref<1x10000xi32, #tpu.memory_space<hbm>>
      %dma_wait3A_120 = tpu.memref_squeeze %dma_wait3A_119 : memref<1x10000xi32, #tpu.memory_space<hbm>> -> memref<10000xi32, #tpu.memory_space<hbm>>
      %dma_wait3A_121 = tpu.memref_slice %arg3[%run_scoped3A_7, %mul3A_6] : memref<2x320000xi32, #tpu.memory_space<hbm>> -> memref<1x10000xi32, #tpu.memory_space<hbm>>
      %dma_wait3A_122 = tpu.memref_squeeze %dma_wait3A_121 : memref<1x10000xi32, #tpu.memory_space<hbm>> -> memref<10000xi32, #tpu.memory_space<hbm>>
      tpu.wait_dma2 semaphore(%run_scoped3A_114 : memref<!tpu.dma_semaphore, #tpu.memory_space<semaphore_mem>>) src(%dma_wait3A_122 : memref<10000xi32, #tpu.memory_space<hbm>>) dst(%arg7 : memref<10000xi32, #tpu.memory_space<vmem>>)
      tpu.yield
    }) : () -> ()
    %barrier3A = arith.constant 0 : index
    tpu.barrier barrier_id(%barrier3A)
    %dma_start3A = arith.constant 0 : i32
    %dma_start3A_8 = tpu.memref_slice %arg6[%dma_start3A] : memref<10000xi32, #tpu.memory_space<vmem>> -> memref<1000xi32, #tpu.memory_space<vmem>>
    %dma_start3A_9 = arith.constant 0 : i32
    %dma_start3A_10 = arith.constant 0 : i32
    %dma_start3A_11 = tpu.memref_slice %arg2[%dma_start3A_9, %dma_start3A_10] : memref<10000x16xf32, #tpu.memory_space<hbm>> -> memref<10000x16xf32, #tpu.memory_space<hbm>>
    tpu.enqueue_indirect_dma source(%dma_start3A_11 : memref<10000x16xf32, #tpu.memory_space<hbm>>) target(%arg8 : memref<1000x16xf32, #tpu.memory_space<vmem>>) offsets(%dma_start3A_8 : memref<1000xi32, #tpu.memory_space<vmem>>) semaphore(%arg13 : memref<!tpu.dma_semaphore, #tpu.memory_space<semaphore_mem>>)
    %dma_start3A_12 = arith.constant 1000 : i32
    %dma_start3A_13 = tpu.memref_slice %arg6[%dma_start3A_12] : memref<10000xi32, #tpu.memory_space<vmem>> -> memref<1000xi32, #tpu.memory_space<vmem>>
    %dma_start3A_14 = arith.constant 0 : i32
    %dma_start3A_15 = arith.constant 0 : i32
    %dma_start3A_16 = tpu.memref_slice %arg2[%dma_start3A_14, %dma_start3A_15] : memref<10000x16xf32, #tpu.memory_space<hbm>> -> memref<10000x16xf32, #tpu.memory_space<hbm>>
    tpu.enqueue_indirect_dma source(%dma_start3A_16 : memref<10000x16xf32, #tpu.memory_space<hbm>>) target(%arg9 : memref<1000x16xf32, #tpu.memory_space<vmem>>) offsets(%dma_start3A_13 : memref<1000xi32, #tpu.memory_space<vmem>>) semaphore(%arg14 : memref<!tpu.dma_semaphore, #tpu.memory_space<semaphore_mem>>)
    %dma_start3A_17 = arith.constant 2000 : i32
    %dma_start3A_18 = tpu.memref_slice %arg6[%dma_start3A_17] : memref<10000xi32, #tpu.memory_space<vmem>> -> memref<1000xi32, #tpu.memory_space<vmem>>
    %dma_start3A_19 = arith.constant 0 : i32
    %dma_start3A_20 = arith.constant 0 : i32
    %dma_start3A_21 = tpu.memref_slice %arg2[%dma_start3A_19, %dma_start3A_20] : memref<10000x16xf32, #tpu.memory_space<hbm>> -> memref<10000x16xf32, #tpu.memory_space<hbm>>
    tpu.enqueue_indirect_dma source(%dma_start3A_21 : memref<10000x16xf32, #tpu.memory_space<hbm>>) target(%arg10 : memref<1000x16xf32, #tpu.memory_space<vmem>>) offsets(%dma_start3A_18 : memref<1000xi32, #tpu.memory_space<vmem>>) semaphore(%arg15 : memref<!tpu.dma_semaphore, #tpu.memory_space<semaphore_mem>>)
    %dma_start3A_22 = arith.constant 3000 : i32
    %dma_start3A_23 = tpu.memref_slice %arg6[%dma_start3A_22] : memref<10000xi32, #tpu.memory_space<vmem>> -> memref<1000xi32, #tpu.memory_space<vmem>>
    %dma_start3A_24 = arith.constant 0 : i32
    %dma_start3A_25 = arith.constant 0 : i32
    %dma_start3A_26 = tpu.memref_slice %arg2[%dma_start3A_24, %dma_start3A_25] : memref<10000x16xf32, #tpu.memory_space<hbm>> -> memref<10000x16xf32, #tpu.memory_space<hbm>>
    tpu.enqueue_indirect_dma source(%dma_start3A_26 : memref<10000x16xf32, #tpu.memory_space<hbm>>) target(%arg11 : memref<1000x16xf32, #tpu.memory_space<vmem>>) offsets(%dma_start3A_23 : memref<1000xi32, #tpu.memory_space<vmem>>) semaphore(%arg16 : memref<!tpu.dma_semaphore, #tpu.memory_space<semaphore_mem>>)
    %dma_wait3A = arith.constant 0 : i32
    %dma_wait3A_27 = tpu.memref_slice %arg6[%dma_wait3A] : memref<10000xi32, #tpu.memory_space<vmem>> -> memref<1000xi32, #tpu.memory_space<vmem>>
    %dma_wait3A_28 = arith.constant 0 : i32
    %dma_wait3A_29 = arith.constant 0 : i32
    %dma_wait3A_30 = tpu.memref_slice %arg2[%dma_wait3A_28, %dma_wait3A_29] : memref<10000x16xf32, #tpu.memory_space<hbm>> -> memref<10000x16xf32, #tpu.memory_space<hbm>>
    tpu.wait_indirect_dma semaphore(%arg13 : memref<!tpu.dma_semaphore, #tpu.memory_space<semaphore_mem>>) src(%dma_wait3A_30 : memref<10000x16xf32, #tpu.memory_space<hbm>>) dst(%arg8 : memref<1000x16xf32, #tpu.memory_space<vmem>>)
    "tpu.region"() ({
      %run_scoped3A_114 = tpu.sem_alloc : memref<!tpu.dma_semaphore, #tpu.memory_space<semaphore_mem>>
      %dma_start3A_115 = arith.constant 0 : i32
      %dma_start3A_116 = tpu.memref_slice %arg7[%dma_start3A_115] : memref<10000xi32, #tpu.memory_space<vmem>> -> memref<1000xi32, #tpu.memory_space<vmem>>
      %dma_start3A_117 = arith.constant 0 : i32
      %dma_start3A_118 = arith.constant 0 : i32
      %dma_start3A_119 = tpu.memref_slice %arg12[%dma_start3A_117, %dma_start3A_118] : memref<10000x16xf32, #tpu.memory_space<vmem_shared>> -> memref<10000x16xf32, #tpu.memory_space<vmem_shared>>
      tpu.enqueue_indirect_dma source(%arg8 : memref<1000x16xf32, #tpu.memory_space<vmem>>) target(%dma_start3A_119 : memref<10000x16xf32, #tpu.memory_space<vmem_shared>>) offsets(%dma_start3A_116 : memref<1000xi32, #tpu.memory_space<vmem>>) semaphore(%run_scoped3A_114 : memref<!tpu.dma_semaphore, #tpu.memory_space<semaphore_mem>>) {add = true}
      %dma_wait3A_120 = arith.constant 0 : i32
      %dma_wait3A_121 = tpu.memref_slice %arg7[%dma_wait3A_120] : memref<10000xi32, #tpu.memory_space<vmem>> -> memref<1000xi32, #tpu.memory_space<vmem>>
      %dma_wait3A_122 = arith.constant 0 : i32
      %dma_wait3A_123 = arith.constant 0 : i32
      %dma_wait3A_124 = tpu.memref_slice %arg12[%dma_wait3A_122, %dma_wait3A_123] : memref<10000x16xf32, #tpu.memory_space<vmem_shared>> -> memref<10000x16xf32, #tpu.memory_space<vmem_shared>>
      tpu.wait_indirect_dma semaphore(%run_scoped3A_114 : memref<!tpu.dma_semaphore, #tpu.memory_space<semaphore_mem>>) src(%arg8 : memref<1000x16xf32, #tpu.memory_space<vmem>>) dst(%dma_wait3A_124 : memref<10000x16xf32, #tpu.memory_space<vmem_shared>>)
      tpu.yield
    }) : () -> ()
    %dma_start3A_31 = arith.constant 4000 : i32
    %dma_start3A_32 = tpu.memref_slice %arg6[%dma_start3A_31] : memref<10000xi32, #tpu.memory_space<vmem>> -> memref<1000xi32, #tpu.memory_space<vmem>>
    %dma_start3A_33 = arith.constant 0 : i32
    %dma_start3A_34 = arith.constant 0 : i32
    %dma_start3A_35 = tpu.memref_slice %arg2[%dma_start3A_33, %dma_start3A_34] : memref<10000x16xf32, #tpu.memory_space<hbm>> -> memref<10000x16xf32, #tpu.memory_space<hbm>>
    tpu.enqueue_indirect_dma source(%dma_start3A_35 : memref<10000x16xf32, #tpu.memory_space<hbm>>) target(%arg8 : memref<1000x16xf32, #tpu.memory_space<vmem>>) offsets(%dma_start3A_32 : memref<1000xi32, #tpu.memory_space<vmem>>) semaphore(%arg13 : memref<!tpu.dma_semaphore, #tpu.memory_space<semaphore_mem>>)
    %dma_wait3A_36 = arith.constant 1000 : i32
    %dma_wait3A_37 = tpu.memref_slice %arg6[%dma_wait3A_36] : memref<10000xi32, #tpu.memory_space<vmem>> -> memref<1000xi32, #tpu.memory_space<vmem>>
    %dma_wait3A_38 = arith.constant 0 : i32
    %dma_wait3A_39 = arith.constant 0 : i32
    %dma_wait3A_40 = tpu.memref_slice %arg2[%dma_wait3A_38, %dma_wait3A_39] : memref<10000x16xf32, #tpu.memory_space<hbm>> -> memref<10000x16xf32, #tpu.memory_space<hbm>>
    tpu.wait_indirect_dma semaphore(%arg14 : memref<!tpu.dma_semaphore, #tpu.memory_space<semaphore_mem>>) src(%dma_wait3A_40 : memref<10000x16xf32, #tpu.memory_space<hbm>>) dst(%arg9 : memref<1000x16xf32, #tpu.memory_space<vmem>>)
    "tpu.region"() ({
      %run_scoped3A_114 = tpu.sem_alloc : memref<!tpu.dma_semaphore, #tpu.memory_space<semaphore_mem>>
      %dma_start3A_115 = arith.constant 1000 : i32
      %dma_start3A_116 = tpu.memref_slice %arg7[%dma_start3A_115] : memref<10000xi32, #tpu.memory_space<vmem>> -> memref<1000xi32, #tpu.memory_space<vmem>>
      %dma_start3A_117 = arith.constant 0 : i32
      %dma_start3A_118 = arith.constant 0 : i32
      %dma_start3A_119 = tpu.memref_slice %arg12[%dma_start3A_117, %dma_start3A_118] : memref<10000x16xf32, #tpu.memory_space<vmem_shared>> -> memref<10000x16xf32, #tpu.memory_space<vmem_shared>>
      tpu.enqueue_indirect_dma source(%arg9 : memref<1000x16xf32, #tpu.memory_space<vmem>>) target(%dma_start3A_119 : memref<10000x16xf32, #tpu.memory_space<vmem_shared>>) offsets(%dma_start3A_116 : memref<1000xi32, #tpu.memory_space<vmem>>) semaphore(%run_scoped3A_114 : memref<!tpu.dma_semaphore, #tpu.memory_space<semaphore_mem>>) {add = true}
      %dma_wait3A_120 = arith.constant 1000 : i32
      %dma_wait3A_121 = tpu.memref_slice %arg7[%dma_wait3A_120] : memref<10000xi32, #tpu.memory_space<vmem>> -> memref<1000xi32, #tpu.memory_space<vmem>>
      %dma_wait3A_122 = arith.constant 0 : i32
      %dma_wait3A_123 = arith.constant 0 : i32
      %dma_wait3A_124 = tpu.memref_slice %arg12[%dma_wait3A_122, %dma_wait3A_123] : memref<10000x16xf32, #tpu.memory_space<vmem_shared>> -> memref<10000x16xf32, #tpu.memory_space<vmem_shared>>
      tpu.wait_indirect_dma semaphore(%run_scoped3A_114 : memref<!tpu.dma_semaphore, #tpu.memory_space<semaphore_mem>>) src(%arg9 : memref<1000x16xf32, #tpu.memory_space<vmem>>) dst(%dma_wait3A_124 : memref<10000x16xf32, #tpu.memory_space<vmem_shared>>)
      tpu.yield
    }) : () -> ()
    %dma_start3A_41 = arith.constant 5000 : i32
    %dma_start3A_42 = tpu.memref_slice %arg6[%dma_start3A_41] : memref<10000xi32, #tpu.memory_space<vmem>> -> memref<1000xi32, #tpu.memory_space<vmem>>
    %dma_start3A_43 = arith.constant 0 : i32
    %dma_start3A_44 = arith.constant 0 : i32
    %dma_start3A_45 = tpu.memref_slice %arg2[%dma_start3A_43, %dma_start3A_44] : memref<10000x16xf32, #tpu.memory_space<hbm>> -> memref<10000x16xf32, #tpu.memory_space<hbm>>
    tpu.enqueue_indirect_dma source(%dma_start3A_45 : memref<10000x16xf32, #tpu.memory_space<hbm>>) target(%arg9 : memref<1000x16xf32, #tpu.memory_space<vmem>>) offsets(%dma_start3A_42 : memref<1000xi32, #tpu.memory_space<vmem>>) semaphore(%arg14 : memref<!tpu.dma_semaphore, #tpu.memory_space<semaphore_mem>>)
    %dma_wait3A_46 = arith.constant 2000 : i32
    %dma_wait3A_47 = tpu.memref_slice %arg6[%dma_wait3A_46] : memref<10000xi32, #tpu.memory_space<vmem>> -> memref<1000xi32, #tpu.memory_space<vmem>>
    %dma_wait3A_48 = arith.constant 0 : i32
    %dma_wait3A_49 = arith.constant 0 : i32
    %dma_wait3A_50 = tpu.memref_slice %arg2[%dma_wait3A_48, %dma_wait3A_49] : memref<10000x16xf32, #tpu.memory_space<hbm>> -> memref<10000x16xf32, #tpu.memory_space<hbm>>
    tpu.wait_indirect_dma semaphore(%arg15 : memref<!tpu.dma_semaphore, #tpu.memory_space<semaphore_mem>>) src(%dma_wait3A_50 : memref<10000x16xf32, #tpu.memory_space<hbm>>) dst(%arg10 : memref<1000x16xf32, #tpu.memory_space<vmem>>)
    "tpu.region"() ({
      %run_scoped3A_114 = tpu.sem_alloc : memref<!tpu.dma_semaphore, #tpu.memory_space<semaphore_mem>>
      %dma_start3A_115 = arith.constant 2000 : i32
      %dma_start3A_116 = tpu.memref_slice %arg7[%dma_start3A_115] : memref<10000xi32, #tpu.memory_space<vmem>> -> memref<1000xi32, #tpu.memory_space<vmem>>
      %dma_start3A_117 = arith.constant 0 : i32
      %dma_start3A_118 = arith.constant 0 : i32
      %dma_start3A_119 = tpu.memref_slice %arg12[%dma_start3A_117, %dma_start3A_118] : memref<10000x16xf32, #tpu.memory_space<vmem_shared>> -> memref<10000x16xf32, #tpu.memory_space<vmem_shared>>
      tpu.enqueue_indirect_dma source(%arg10 : memref<1000x16xf32, #tpu.memory_space<vmem>>) target(%dma_start3A_119 : memref<10000x16xf32, #tpu.memory_space<vmem_shared>>) offsets(%dma_start3A_116 : memref<1000xi32, #tpu.memory_space<vmem>>) semaphore(%run_scoped3A_114 : memref<!tpu.dma_semaphore, #tpu.memory_space<semaphore_mem>>) {add = true}
      %dma_wait3A_120 = arith.constant 2000 : i32
      %dma_wait3A_121 = tpu.memref_slice %arg7[%dma_wait3A_120] : memref<10000xi32, #tpu.memory_space<vmem>> -> memref<1000xi32, #tpu.memory_space<vmem>>
      %dma_wait3A_122 = arith.constant 0 : i32
      %dma_wait3A_123 = arith.constant 0 : i32
      %dma_wait3A_124 = tpu.memref_slice %arg12[%dma_wait3A_122, %dma_wait3A_123] : memref<10000x16xf32, #tpu.memory_space<vmem_shared>> -> memref<10000x16xf32, #tpu.memory_space<vmem_shared>>
      tpu.wait_indirect_dma semaphore(%run_scoped3A_114 : memref<!tpu.dma_semaphore, #tpu.memory_space<semaphore_mem>>) src(%arg10 : memref<1000x16xf32, #tpu.memory_space<vmem>>) dst(%dma_wait3A_124 : memref<10000x16xf32, #tpu.memory_space<vmem_shared>>)
      tpu.yield
    }) : () -> ()
    %dma_start3A_51 = arith.constant 6000 : i32
    %dma_start3A_52 = tpu.memref_slice %arg6[%dma_start3A_51] : memref<10000xi32, #tpu.memory_space<vmem>> -> memref<1000xi32, #tpu.memory_space<vmem>>
    %dma_start3A_53 = arith.constant 0 : i32
    %dma_start3A_54 = arith.constant 0 : i32
    %dma_start3A_55 = tpu.memref_slice %arg2[%dma_start3A_53, %dma_start3A_54] : memref<10000x16xf32, #tpu.memory_space<hbm>> -> memref<10000x16xf32, #tpu.memory_space<hbm>>
    tpu.enqueue_indirect_dma source(%dma_start3A_55 : memref<10000x16xf32, #tpu.memory_space<hbm>>) target(%arg10 : memref<1000x16xf32, #tpu.memory_space<vmem>>) offsets(%dma_start3A_52 : memref<1000xi32, #tpu.memory_space<vmem>>) semaphore(%arg15 : memref<!tpu.dma_semaphore, #tpu.memory_space<semaphore_mem>>)
    %dma_wait3A_56 = arith.constant 3000 : i32
    %dma_wait3A_57 = tpu.memref_slice %arg6[%dma_wait3A_56] : memref<10000xi32, #tpu.memory_space<vmem>> -> memref<1000xi32, #tpu.memory_space<vmem>>
    %dma_wait3A_58 = arith.constant 0 : i32
    %dma_wait3A_59 = arith.constant 0 : i32
    %dma_wait3A_60 = tpu.memref_slice %arg2[%dma_wait3A_58, %dma_wait3A_59] : memref<10000x16xf32, #tpu.memory_space<hbm>> -> memref<10000x16xf32, #tpu.memory_space<hbm>>
    tpu.wait_indirect_dma semaphore(%arg16 : memref<!tpu.dma_semaphore, #tpu.memory_space<semaphore_mem>>) src(%dma_wait3A_60 : memref<10000x16xf32, #tpu.memory_space<hbm>>) dst(%arg11 : memref<1000x16xf32, #tpu.memory_space<vmem>>)
    "tpu.region"() ({
      %run_scoped3A_114 = tpu.sem_alloc : memref<!tpu.dma_semaphore, #tpu.memory_space<semaphore_mem>>
      %dma_start3A_115 = arith.constant 3000 : i32
      %dma_start3A_116 = tpu.memref_slice %arg7[%dma_start3A_115] : memref<10000xi32, #tpu.memory_space<vmem>> -> memref<1000xi32, #tpu.memory_space<vmem>>
      %dma_start3A_117 = arith.constant 0 : i32
      %dma_start3A_118 = arith.constant 0 : i32
      %dma_start3A_119 = tpu.memref_slice %arg12[%dma_start3A_117, %dma_start3A_118] : memref<10000x16xf32, #tpu.memory_space<vmem_shared>> -> memref<10000x16xf32, #tpu.memory_space<vmem_shared>>
      tpu.enqueue_indirect_dma source(%arg11 : memref<1000x16xf32, #tpu.memory_space<vmem>>) target(%dma_start3A_119 : memref<10000x16xf32, #tpu.memory_space<vmem_shared>>) offsets(%dma_start3A_116 : memref<1000xi32, #tpu.memory_space<vmem>>) semaphore(%run_scoped3A_114 : memref<!tpu.dma_semaphore, #tpu.memory_space<semaphore_mem>>) {add = true}
      %dma_wait3A_120 = arith.constant 3000 : i32
      %dma_wait3A_121 = tpu.memref_slice %arg7[%dma_wait3A_120] : memref<10000xi32, #tpu.memory_space<vmem>> -> memref<1000xi32, #tpu.memory_space<vmem>>
      %dma_wait3A_122 = arith.constant 0 : i32
      %dma_wait3A_123 = arith.constant 0 : i32
      %dma_wait3A_124 = tpu.memref_slice %arg12[%dma_wait3A_122, %dma_wait3A_123] : memref<10000x16xf32, #tpu.memory_space<vmem_shared>> -> memref<10000x16xf32, #tpu.memory_space<vmem_shared>>
      tpu.wait_indirect_dma semaphore(%run_scoped3A_114 : memref<!tpu.dma_semaphore, #tpu.memory_space<semaphore_mem>>) src(%arg11 : memref<1000x16xf32, #tpu.memory_space<vmem>>) dst(%dma_wait3A_124 : memref<10000x16xf32, #tpu.memory_space<vmem_shared>>)
      tpu.yield
    }) : () -> ()
    %dma_start3A_61 = arith.constant 7000 : i32
    %dma_start3A_62 = tpu.memref_slice %arg6[%dma_start3A_61] : memref<10000xi32, #tpu.memory_space<vmem>> -> memref<1000xi32, #tpu.memory_space<vmem>>
    %dma_start3A_63 = arith.constant 0 : i32
    %dma_start3A_64 = arith.constant 0 : i32
    %dma_start3A_65 = tpu.memref_slice %arg2[%dma_start3A_63, %dma_start3A_64] : memref<10000x16xf32, #tpu.memory_space<hbm>> -> memref<10000x16xf32, #tpu.memory_space<hbm>>
    tpu.enqueue_indirect_dma source(%dma_start3A_65 : memref<10000x16xf32, #tpu.memory_space<hbm>>) target(%arg11 : memref<1000x16xf32, #tpu.memory_space<vmem>>) offsets(%dma_start3A_62 : memref<1000xi32, #tpu.memory_space<vmem>>) semaphore(%arg16 : memref<!tpu.dma_semaphore, #tpu.memory_space<semaphore_mem>>)
    %dma_wait3A_66 = arith.constant 4000 : i32
    %dma_wait3A_67 = tpu.memref_slice %arg6[%dma_wait3A_66] : memref<10000xi32, #tpu.memory_space<vmem>> -> memref<1000xi32, #tpu.memory_space<vmem>>
    %dma_wait3A_68 = arith.constant 0 : i32
    %dma_wait3A_69 = arith.constant 0 : i32
    %dma_wait3A_70 = tpu.memref_slice %arg2[%dma_wait3A_68, %dma_wait3A_69] : memref<10000x16xf32, #tpu.memory_space<hbm>> -> memref<10000x16xf32, #tpu.memory_space<hbm>>
    tpu.wait_indirect_dma semaphore(%arg13 : memref<!tpu.dma_semaphore, #tpu.memory_space<semaphore_mem>>) src(%dma_wait3A_70 : memref<10000x16xf32, #tpu.memory_space<hbm>>) dst(%arg8 : memref<1000x16xf32, #tpu.memory_space<vmem>>)
    "tpu.region"() ({
      %run_scoped3A_114 = tpu.sem_alloc : memref<!tpu.dma_semaphore, #tpu.memory_space<semaphore_mem>>
      %dma_start3A_115 = arith.constant 4000 : i32
      %dma_start3A_116 = tpu.memref_slice %arg7[%dma_start3A_115] : memref<10000xi32, #tpu.memory_space<vmem>> -> memref<1000xi32, #tpu.memory_space<vmem>>
      %dma_start3A_117 = arith.constant 0 : i32
      %dma_start3A_118 = arith.constant 0 : i32
      %dma_start3A_119 = tpu.memref_slice %arg12[%dma_start3A_117, %dma_start3A_118] : memref<10000x16xf32, #tpu.memory_space<vmem_shared>> -> memref<10000x16xf32, #tpu.memory_space<vmem_shared>>
      tpu.enqueue_indirect_dma source(%arg8 : memref<1000x16xf32, #tpu.memory_space<vmem>>) target(%dma_start3A_119 : memref<10000x16xf32, #tpu.memory_space<vmem_shared>>) offsets(%dma_start3A_116 : memref<1000xi32, #tpu.memory_space<vmem>>) semaphore(%run_scoped3A_114 : memref<!tpu.dma_semaphore, #tpu.memory_space<semaphore_mem>>) {add = true}
      %dma_wait3A_120 = arith.constant 4000 : i32
      %dma_wait3A_121 = tpu.memref_slice %arg7[%dma_wait3A_120] : memref<10000xi32, #tpu.memory_space<vmem>> -> memref<1000xi32, #tpu.memory_space<vmem>>
      %dma_wait3A_122 = arith.constant 0 : i32
      %dma_wait3A_123 = arith.constant 0 : i32
      %dma_wait3A_124 = tpu.memref_slice %arg12[%dma_wait3A_122, %dma_wait3A_123] : memref<10000x16xf32, #tpu.memory_space<vmem_shared>> -> memref<10000x16xf32, #tpu.memory_space<vmem_shared>>
      tpu.wait_indirect_dma semaphore(%run_scoped3A_114 : memref<!tpu.dma_semaphore, #tpu.memory_space<semaphore_mem>>) src(%arg8 : memref<1000x16xf32, #tpu.memory_space<vmem>>) dst(%dma_wait3A_124 : memref<10000x16xf32, #tpu.memory_space<vmem_shared>>)
      tpu.yield
    }) : () -> ()
    %dma_start3A_71 = arith.constant 8000 : i32
    %dma_start3A_72 = tpu.memref_slice %arg6[%dma_start3A_71] : memref<10000xi32, #tpu.memory_space<vmem>> -> memref<1000xi32, #tpu.memory_space<vmem>>
    %dma_start3A_73 = arith.constant 0 : i32
    %dma_start3A_74 = arith.constant 0 : i32
    %dma_start3A_75 = tpu.memref_slice %arg2[%dma_start3A_73, %dma_start3A_74] : memref<10000x16xf32, #tpu.memory_space<hbm>> -> memref<10000x16xf32, #tpu.memory_space<hbm>>
    tpu.enqueue_indirect_dma source(%dma_start3A_75 : memref<10000x16xf32, #tpu.memory_space<hbm>>) target(%arg8 : memref<1000x16xf32, #tpu.memory_space<vmem>>) offsets(%dma_start3A_72 : memref<1000xi32, #tpu.memory_space<vmem>>) semaphore(%arg13 : memref<!tpu.dma_semaphore, #tpu.memory_space<semaphore_mem>>)
    %dma_wait3A_76 = arith.constant 5000 : i32
    %dma_wait3A_77 = tpu.memref_slice %arg6[%dma_wait3A_76] : memref<10000xi32, #tpu.memory_space<vmem>> -> memref<1000xi32, #tpu.memory_space<vmem>>
    %dma_wait3A_78 = arith.constant 0 : i32
    %dma_wait3A_79 = arith.constant 0 : i32
    %dma_wait3A_80 = tpu.memref_slice %arg2[%dma_wait3A_78, %dma_wait3A_79] : memref<10000x16xf32, #tpu.memory_space<hbm>> -> memref<10000x16xf32, #tpu.memory_space<hbm>>
    tpu.wait_indirect_dma semaphore(%arg14 : memref<!tpu.dma_semaphore, #tpu.memory_space<semaphore_mem>>) src(%dma_wait3A_80 : memref<10000x16xf32, #tpu.memory_space<hbm>>) dst(%arg9 : memref<1000x16xf32, #tpu.memory_space<vmem>>)
    "tpu.region"() ({
      %run_scoped3A_114 = tpu.sem_alloc : memref<!tpu.dma_semaphore, #tpu.memory_space<semaphore_mem>>
      %dma_start3A_115 = arith.constant 5000 : i32
      %dma_start3A_116 = tpu.memref_slice %arg7[%dma_start3A_115] : memref<10000xi32, #tpu.memory_space<vmem>> -> memref<1000xi32, #tpu.memory_space<vmem>>
      %dma_start3A_117 = arith.constant 0 : i32
      %dma_start3A_118 = arith.constant 0 : i32
      %dma_start3A_119 = tpu.memref_slice %arg12[%dma_start3A_117, %dma_start3A_118] : memref<10000x16xf32, #tpu.memory_space<vmem_shared>> -> memref<10000x16xf32, #tpu.memory_space<vmem_shared>>
      tpu.enqueue_indirect_dma source(%arg9 : memref<1000x16xf32, #tpu.memory_space<vmem>>) target(%dma_start3A_119 : memref<10000x16xf32, #tpu.memory_space<vmem_shared>>) offsets(%dma_start3A_116 : memref<1000xi32, #tpu.memory_space<vmem>>) semaphore(%run_scoped3A_114 : memref<!tpu.dma_semaphore, #tpu.memory_space<semaphore_mem>>) {add = true}
      %dma_wait3A_120 = arith.constant 5000 : i32
      %dma_wait3A_121 = tpu.memref_slice %arg7[%dma_wait3A_120] : memref<10000xi32, #tpu.memory_space<vmem>> -> memref<1000xi32, #tpu.memory_space<vmem>>
      %dma_wait3A_122 = arith.constant 0 : i32
      %dma_wait3A_123 = arith.constant 0 : i32
      %dma_wait3A_124 = tpu.memref_slice %arg12[%dma_wait3A_122, %dma_wait3A_123] : memref<10000x16xf32, #tpu.memory_space<vmem_shared>> -> memref<10000x16xf32, #tpu.memory_space<vmem_shared>>
      tpu.wait_indirect_dma semaphore(%run_scoped3A_114 : memref<!tpu.dma_semaphore, #tpu.memory_space<semaphore_mem>>) src(%arg9 : memref<1000x16xf32, #tpu.memory_space<vmem>>) dst(%dma_wait3A_124 : memref<10000x16xf32, #tpu.memory_space<vmem_shared>>)
      tpu.yield
    }) : () -> ()
    %dma_start3A_81 = arith.constant 9000 : i32
    %dma_start3A_82 = tpu.memref_slice %arg6[%dma_start3A_81] : memref<10000xi32, #tpu.memory_space<vmem>> -> memref<1000xi32, #tpu.memory_space<vmem>>
    %dma_start3A_83 = arith.constant 0 : i32
    %dma_start3A_84 = arith.constant 0 : i32
    %dma_start3A_85 = tpu.memref_slice %arg2[%dma_start3A_83, %dma_start3A_84] : memref<10000x16xf32, #tpu.memory_space<hbm>> -> memref<10000x16xf32, #tpu.memory_space<hbm>>
    tpu.enqueue_indirect_dma source(%dma_start3A_85 : memref<10000x16xf32, #tpu.memory_space<hbm>>) target(%arg9 : memref<1000x16xf32, #tpu.memory_space<vmem>>) offsets(%dma_start3A_82 : memref<1000xi32, #tpu.memory_space<vmem>>) semaphore(%arg14 : memref<!tpu.dma_semaphore, #tpu.memory_space<semaphore_mem>>)
    %dma_wait3A_86 = arith.constant 6000 : i32
    %dma_wait3A_87 = tpu.memref_slice %arg6[%dma_wait3A_86] : memref<10000xi32, #tpu.memory_space<vmem>> -> memref<1000xi32, #tpu.memory_space<vmem>>
    %dma_wait3A_88 = arith.constant 0 : i32
    %dma_wait3A_89 = arith.constant 0 : i32
    %dma_wait3A_90 = tpu.memref_slice %arg2[%dma_wait3A_88, %dma_wait3A_89] : memref<10000x16xf32, #tpu.memory_space<hbm>> -> memref<10000x16xf32, #tpu.memory_space<hbm>>
    tpu.wait_indirect_dma semaphore(%arg15 : memref<!tpu.dma_semaphore, #tpu.memory_space<semaphore_mem>>) src(%dma_wait3A_90 : memref<10000x16xf32, #tpu.memory_space<hbm>>) dst(%arg10 : memref<1000x16xf32, #tpu.memory_space<vmem>>)
    "tpu.region"() ({
      %run_scoped3A_114 = tpu.sem_alloc : memref<!tpu.dma_semaphore, #tpu.memory_space<semaphore_mem>>
      %dma_start3A_115 = arith.constant 6000 : i32
      %dma_start3A_116 = tpu.memref_slice %arg7[%dma_start3A_115] : memref<10000xi32, #tpu.memory_space<vmem>> -> memref<1000xi32, #tpu.memory_space<vmem>>
      %dma_start3A_117 = arith.constant 0 : i32
      %dma_start3A_118 = arith.constant 0 : i32
      %dma_start3A_119 = tpu.memref_slice %arg12[%dma_start3A_117, %dma_start3A_118] : memref<10000x16xf32, #tpu.memory_space<vmem_shared>> -> memref<10000x16xf32, #tpu.memory_space<vmem_shared>>
      tpu.enqueue_indirect_dma source(%arg10 : memref<1000x16xf32, #tpu.memory_space<vmem>>) target(%dma_start3A_119 : memref<10000x16xf32, #tpu.memory_space<vmem_shared>>) offsets(%dma_start3A_116 : memref<1000xi32, #tpu.memory_space<vmem>>) semaphore(%run_scoped3A_114 : memref<!tpu.dma_semaphore, #tpu.memory_space<semaphore_mem>>) {add = true}
      %dma_wait3A_120 = arith.constant 6000 : i32
      %dma_wait3A_121 = tpu.memref_slice %arg7[%dma_wait3A_120] : memref<10000xi32, #tpu.memory_space<vmem>> -> memref<1000xi32, #tpu.memory_space<vmem>>
      %dma_wait3A_122 = arith.constant 0 : i32
      %dma_wait3A_123 = arith.constant 0 : i32
      %dma_wait3A_124 = tpu.memref_slice %arg12[%dma_wait3A_122, %dma_wait3A_123] : memref<10000x16xf32, #tpu.memory_space<vmem_shared>> -> memref<10000x16xf32, #tpu.memory_space<vmem_shared>>
      tpu.wait_indirect_dma semaphore(%run_scoped3A_114 : memref<!tpu.dma_semaphore, #tpu.memory_space<semaphore_mem>>) src(%arg10 : memref<1000x16xf32, #tpu.memory_space<vmem>>) dst(%dma_wait3A_124 : memref<10000x16xf32, #tpu.memory_space<vmem_shared>>)
      tpu.yield
    }) : () -> ()
    %dma_wait3A_91 = arith.constant 7000 : i32
    %dma_wait3A_92 = tpu.memref_slice %arg6[%dma_wait3A_91] : memref<10000xi32, #tpu.memory_space<vmem>> -> memref<1000xi32, #tpu.memory_space<vmem>>
    %dma_wait3A_93 = arith.constant 0 : i32
    %dma_wait3A_94 = arith.constant 0 : i32
    %dma_wait3A_95 = tpu.memref_slice %arg2[%dma_wait3A_93, %dma_wait3A_94] : memref<10000x16xf32, #tpu.memory_space<hbm>> -> memref<10000x16xf32, #tpu.memory_space<hbm>>
    tpu.wait_indirect_dma semaphore(%arg16 : memref<!tpu.dma_semaphore, #tpu.memory_space<semaphore_mem>>) src(%dma_wait3A_95 : memref<10000x16xf32, #tpu.memory_space<hbm>>) dst(%arg11 : memref<1000x16xf32, #tpu.memory_space<vmem>>)
    "tpu.region"() ({
      %run_scoped3A_114 = tpu.sem_alloc : memref<!tpu.dma_semaphore, #tpu.memory_space<semaphore_mem>>
      %dma_start3A_115 = arith.constant 7000 : i32
      %dma_start3A_116 = tpu.memref_slice %arg7[%dma_start3A_115] : memref<10000xi32, #tpu.memory_space<vmem>> -> memref<1000xi32, #tpu.memory_space<vmem>>
      %dma_start3A_117 = arith.constant 0 : i32
      %dma_start3A_118 = arith.constant 0 : i32
      %dma_start3A_119 = tpu.memref_slice %arg12[%dma_start3A_117, %dma_start3A_118] : memref<10000x16xf32, #tpu.memory_space<vmem_shared>> -> memref<10000x16xf32, #tpu.memory_space<vmem_shared>>
      tpu.enqueue_indirect_dma source(%arg11 : memref<1000x16xf32, #tpu.memory_space<vmem>>) target(%dma_start3A_119 : memref<10000x16xf32, #tpu.memory_space<vmem_shared>>) offsets(%dma_start3A_116 : memref<1000xi32, #tpu.memory_space<vmem>>) semaphore(%run_scoped3A_114 : memref<!tpu.dma_semaphore, #tpu.memory_space<semaphore_mem>>) {add = true}
      %dma_wait3A_120 = arith.constant 7000 : i32
      %dma_wait3A_121 = tpu.memref_slice %arg7[%dma_wait3A_120] : memref<10000xi32, #tpu.memory_space<vmem>> -> memref<1000xi32, #tpu.memory_space<vmem>>
      %dma_wait3A_122 = arith.constant 0 : i32
      %dma_wait3A_123 = arith.constant 0 : i32
      %dma_wait3A_124 = tpu.memref_slice %arg12[%dma_wait3A_122, %dma_wait3A_123] : memref<10000x16xf32, #tpu.memory_space<vmem_shared>> -> memref<10000x16xf32, #tpu.memory_space<vmem_shared>>
      tpu.wait_indirect_dma semaphore(%run_scoped3A_114 : memref<!tpu.dma_semaphore, #tpu.memory_space<semaphore_mem>>) src(%arg11 : memref<1000x16xf32, #tpu.memory_space<vmem>>) dst(%dma_wait3A_124 : memref<10000x16xf32, #tpu.memory_space<vmem_shared>>)
      tpu.yield
    }) : () -> ()
    %dma_wait3A_96 = arith.constant 8000 : i32
    %dma_wait3A_97 = tpu.memref_slice %arg6[%dma_wait3A_96] : memref<10000xi32, #tpu.memory_space<vmem>> -> memref<1000xi32, #tpu.memory_space<vmem>>
    %dma_wait3A_98 = arith.constant 0 : i32
    %dma_wait3A_99 = arith.constant 0 : i32
    %dma_wait3A_100 = tpu.memref_slice %arg2[%dma_wait3A_98, %dma_wait3A_99] : memref<10000x16xf32, #tpu.memory_space<hbm>> -> memref<10000x16xf32, #tpu.memory_space<hbm>>
    tpu.wait_indirect_dma semaphore(%arg13 : memref<!tpu.dma_semaphore, #tpu.memory_space<semaphore_mem>>) src(%dma_wait3A_100 : memref<10000x16xf32, #tpu.memory_space<hbm>>) dst(%arg8 : memref<1000x16xf32, #tpu.memory_space<vmem>>)
    "tpu.region"() ({
      %run_scoped3A_114 = tpu.sem_alloc : memref<!tpu.dma_semaphore, #tpu.memory_space<semaphore_mem>>
      %dma_start3A_115 = arith.constant 8000 : i32
      %dma_start3A_116 = tpu.memref_slice %arg7[%dma_start3A_115] : memref<10000xi32, #tpu.memory_space<vmem>> -> memref<1000xi32, #tpu.memory_space<vmem>>
      %dma_start3A_117 = arith.constant 0 : i32
      %dma_start3A_118 = arith.constant 0 : i32
      %dma_start3A_119 = tpu.memref_slice %arg12[%dma_start3A_117, %dma_start3A_118] : memref<10000x16xf32, #tpu.memory_space<vmem_shared>> -> memref<10000x16xf32, #tpu.memory_space<vmem_shared>>
      tpu.enqueue_indirect_dma source(%arg8 : memref<1000x16xf32, #tpu.memory_space<vmem>>) target(%dma_start3A_119 : memref<10000x16xf32, #tpu.memory_space<vmem_shared>>) offsets(%dma_start3A_116 : memref<1000xi32, #tpu.memory_space<vmem>>) semaphore(%run_scoped3A_114 : memref<!tpu.dma_semaphore, #tpu.memory_space<semaphore_mem>>) {add = true}
      %dma_wait3A_120 = arith.constant 8000 : i32
      %dma_wait3A_121 = tpu.memref_slice %arg7[%dma_wait3A_120] : memref<10000xi32, #tpu.memory_space<vmem>> -> memref<1000xi32, #tpu.memory_space<vmem>>
      %dma_wait3A_122 = arith.constant 0 : i32
      %dma_wait3A_123 = arith.constant 0 : i32
      %dma_wait3A_124 = tpu.memref_slice %arg12[%dma_wait3A_122, %dma_wait3A_123] : memref<10000x16xf32, #tpu.memory_space<vmem_shared>> -> memref<10000x16xf32, #tpu.memory_space<vmem_shared>>
      tpu.wait_indirect_dma semaphore(%run_scoped3A_114 : memref<!tpu.dma_semaphore, #tpu.memory_space<semaphore_mem>>) src(%arg8 : memref<1000x16xf32, #tpu.memory_space<vmem>>) dst(%dma_wait3A_124 : memref<10000x16xf32, #tpu.memory_space<vmem_shared>>)
      tpu.yield
    }) : () -> ()
    %dma_wait3A_101 = arith.constant 9000 : i32
    %dma_wait3A_102 = tpu.memref_slice %arg6[%dma_wait3A_101] : memref<10000xi32, #tpu.memory_space<vmem>> -> memref<1000xi32, #tpu.memory_space<vmem>>
    %dma_wait3A_103 = arith.constant 0 : i32
    %dma_wait3A_104 = arith.constant 0 : i32
    %dma_wait3A_105 = tpu.memref_slice %arg2[%dma_wait3A_103, %dma_wait3A_104] : memref<10000x16xf32, #tpu.memory_space<hbm>> -> memref<10000x16xf32, #tpu.memory_space<hbm>>
    tpu.wait_indirect_dma semaphore(%arg14 : memref<!tpu.dma_semaphore, #tpu.memory_space<semaphore_mem>>) src(%dma_wait3A_105 : memref<10000x16xf32, #tpu.memory_space<hbm>>) dst(%arg9 : memref<1000x16xf32, #tpu.memory_space<vmem>>)
    "tpu.region"() ({
      %run_scoped3A_114 = tpu.sem_alloc : memref<!tpu.dma_semaphore, #tpu.memory_space<semaphore_mem>>
      %dma_start3A_115 = arith.constant 9000 : i32
      %dma_start3A_116 = tpu.memref_slice %arg7[%dma_start3A_115] : memref<10000xi32, #tpu.memory_space<vmem>> -> memref<1000xi32, #tpu.memory_space<vmem>>
      %dma_start3A_117 = arith.constant 0 : i32
      %dma_start3A_118 = arith.constant 0 : i32
      %dma_start3A_119 = tpu.memref_slice %arg12[%dma_start3A_117, %dma_start3A_118] : memref<10000x16xf32, #tpu.memory_space<vmem_shared>> -> memref<10000x16xf32, #tpu.memory_space<vmem_shared>>
      tpu.enqueue_indirect_dma source(%arg9 : memref<1000x16xf32, #tpu.memory_space<vmem>>) target(%dma_start3A_119 : memref<10000x16xf32, #tpu.memory_space<vmem_shared>>) offsets(%dma_start3A_116 : memref<1000xi32, #tpu.memory_space<vmem>>) semaphore(%run_scoped3A_114 : memref<!tpu.dma_semaphore, #tpu.memory_space<semaphore_mem>>) {add = true}
      %dma_wait3A_120 = arith.constant 9000 : i32
      %dma_wait3A_121 = tpu.memref_slice %arg7[%dma_wait3A_120] : memref<10000xi32, #tpu.memory_space<vmem>> -> memref<1000xi32, #tpu.memory_space<vmem>>
      %dma_wait3A_122 = arith.constant 0 : i32
      %dma_wait3A_123 = arith.constant 0 : i32
      %dma_wait3A_124 = tpu.memref_slice %arg12[%dma_wait3A_122, %dma_wait3A_123] : memref<10000x16xf32, #tpu.memory_space<vmem_shared>> -> memref<10000x16xf32, #tpu.memory_space<vmem_shared>>
      tpu.wait_indirect_dma semaphore(%run_scoped3A_114 : memref<!tpu.dma_semaphore, #tpu.memory_space<semaphore_mem>>) src(%arg9 : memref<1000x16xf32, #tpu.memory_space<vmem>>) dst(%dma_wait3A_124 : memref<10000x16xf32, #tpu.memory_space<vmem_shared>>)
      tpu.yield
    }) : () -> ()
    %barrier3A_106 = arith.constant 0 : index
    tpu.barrier barrier_id(%barrier3A_106)
    %eq3A = arith.constant 0 : i32
    %eq3A_107 = arith.cmpi eq, %arg0, %eq3A : i32
    %convert_element_type3A = arith.extui %eq3A_107 : i1 to i32
    %cond3A = arith.constant 0 : i32
    %cond3A_108 = arith.cmpi ne, %convert_element_type3A, %cond3A : i32
    scf.if %cond3A_108 {
      %mul3A_114 = arith.constant 625 : i32
      %mul3A_115 = arith.muli %arg1, %mul3A_114 : i32
      %mul3A_116 = arith.constant 625 : i32
      %mul3A_117 = arith.muli %arg1, %mul3A_116 : i32
      "tpu.region"() ({
        %run_scoped3A_118 = tpu.sem_alloc : memref<!tpu.dma_semaphore, #tpu.memory_space<semaphore_mem>>
        %dma_start3A_119 = arith.constant 0 : i32
        %dma_start3A_120 = tpu.memref_slice %arg4[%mul3A_117, %dma_start3A_119] : memref<10000x16xf32, #tpu.memory_space<hbm>> -> memref<625x16xf32, #tpu.memory_space<hbm>>
        %dma_start3A_121 = arith.constant 0 : i32
        %dma_start3A_122 = tpu.memref_slice %arg12[%mul3A_115, %dma_start3A_121] : memref<10000x16xf32, #tpu.memory_space<vmem_shared>> -> memref<625x16xf32, #tpu.memory_space<vmem_shared>>
        tpu.enqueue_dma source(%dma_start3A_122 : memref<625x16xf32, #tpu.memory_space<vmem_shared>>) target(%dma_start3A_120 : memref<625x16xf32, #tpu.memory_space<hbm>>) target_semaphore(%run_scoped3A_118 : memref<!tpu.dma_semaphore, #tpu.memory_space<semaphore_mem>>)
        %dma_wait3A_123 = arith.constant 0 : i32
        %dma_wait3A_124 = tpu.memref_slice %arg4[%mul3A_117, %dma_wait3A_123] : memref<10000x16xf32, #tpu.memory_space<hbm>> -> memref<625x16xf32, #tpu.memory_space<hbm>>
        %dma_wait3A_125 = arith.constant 0 : i32
        %dma_wait3A_126 = tpu.memref_slice %arg12[%mul3A_115, %dma_wait3A_125] : memref<10000x16xf32, #tpu.memory_space<vmem_shared>> -> memref<625x16xf32, #tpu.memory_space<vmem_shared>>
        tpu.wait_dma2 semaphore(%run_scoped3A_118 : memref<!tpu.dma_semaphore, #tpu.memory_space<semaphore_mem>>) src(%dma_wait3A_126 : memref<625x16xf32, #tpu.memory_space<vmem_shared>>) dst(%dma_wait3A_124 : memref<625x16xf32, #tpu.memory_space<hbm>>)
        tpu.yield
      }) : () -> ()
    } else {
    }
    %eq3A_109 = arith.constant 1 : i32
    %eq3A_110 = arith.cmpi eq, %arg0, %eq3A_109 : i32
    %convert_element_type3A_111 = arith.extui %eq3A_110 : i1 to i32
    %cond3A_112 = arith.constant 0 : i32
    %cond3A_113 = arith.cmpi ne, %convert_element_type3A_111, %cond3A_112 : i32
    scf.if %cond3A_113 {
      %mul3A_114 = arith.constant 625 : i32
      %mul3A_115 = arith.muli %arg1, %mul3A_114 : i32
      %mul3A_116 = arith.constant 625 : i32
      %mul3A_117 = arith.muli %arg1, %mul3A_116 : i32
      "tpu.region"() ({
        %run_scoped3A_118 = tpu.sem_alloc : memref<!tpu.dma_semaphore, #tpu.memory_space<semaphore_mem>>
        %dma_start3A_119 = arith.constant 0 : i32
        %dma_start3A_120 = tpu.memref_slice %arg5[%mul3A_117, %dma_start3A_119] : memref<10000x16xf32, #tpu.memory_space<hbm>> -> memref<625x16xf32, #tpu.memory_space<hbm>>
        %dma_start3A_121 = arith.constant 0 : i32
        %dma_start3A_122 = tpu.memref_slice %arg12[%mul3A_115, %dma_start3A_121] : memref<10000x16xf32, #tpu.memory_space<vmem_shared>> -> memref<625x16xf32, #tpu.memory_space<vmem_shared>>
        tpu.enqueue_dma source(%dma_start3A_122 : memref<625x16xf32, #tpu.memory_space<vmem_shared>>) target(%dma_start3A_120 : memref<625x16xf32, #tpu.memory_space<hbm>>) target_semaphore(%run_scoped3A_118 : memref<!tpu.dma_semaphore, #tpu.memory_space<semaphore_mem>>)
        %dma_wait3A_123 = arith.constant 0 : i32
        %dma_wait3A_124 = tpu.memref_slice %arg5[%mul3A_117, %dma_wait3A_123] : memref<10000x16xf32, #tpu.memory_space<hbm>> -> memref<625x16xf32, #tpu.memory_space<hbm>>
        %dma_wait3A_125 = arith.constant 0 : i32
        %dma_wait3A_126 = tpu.memref_slice %arg12[%mul3A_115, %dma_wait3A_125] : memref<10000x16xf32, #tpu.memory_space<vmem_shared>> -> memref<625x16xf32, #tpu.memory_space<vmem_shared>>
        tpu.wait_dma2 semaphore(%run_scoped3A_118 : memref<!tpu.dma_semaphore, #tpu.memory_space<semaphore_mem>>) src(%dma_wait3A_126 : memref<625x16xf32, #tpu.memory_space<vmem_shared>>) dst(%dma_wait3A_124 : memref<625x16xf32, #tpu.memory_space<hbm>>)
        tpu.yield
      }) : () -> ()
    } else {
    }
    return
  }
}

#map = affine_map<(d0, d1) -> (0)>
#map1 = affine_map<(d0, d1) -> (0, 0)>
module attributes {stable_mosaic.version = 14 : i64} {
  func.func @_deg_body(%arg0: i32, %arg1: i32, %arg2: memref<10000xf32, #tpu.memory_space<hbm>>, %arg3: memref<2x320000xi32, #tpu.memory_space<hbm>>, %arg4: memref<2x10000xf32, #tpu.memory_space<hbm>>, %arg5: memref<10000xi32, #tpu.memory_space<vmem>>, %arg6: memref<1008xf32, #tpu.memory_space<vmem>>, %arg7: memref<10000xf32, #tpu.memory_space<vmem_shared>>, %arg8: memref<!tpu.dma_semaphore, #tpu.memory_space<semaphore_mem>>) attributes {dimension_semantics = [#tpu.dimension_semantics<core_parallel>, #tpu.dimension_semantics<subcore_parallel>], iteration_bounds = array<i64: 2, 16>, scalar_prefetch = 0 : i64, scratch_operands = 4 : i64, tpu.core_type = #tpu.core_type<sc_vector_subcore>, window_params = [{transform_indices = #map}, {transform_indices = #map1}, {transform_indices = #map1}]} {
    %mul3A = arith.constant 2 : i32
    %mul3A_0 = arith.muli %arg1, %mul3A : i32
    %add3A = arith.addi %mul3A_0, %arg0 : i32
    %eq3A = arith.constant 0 : i32
    %eq3A_1 = arith.cmpi eq, %arg1, %eq3A : i32
    %convert_element_type3A = arith.extui %eq3A_1 : i1 to i32
    %cond3A = arith.constant 0 : i32
    %cond3A_2 = arith.cmpi ne, %convert_element_type3A, %cond3A : i32
    scf.if %cond3A_2 {
      "tpu.region"() ({
        %run_scoped3A_16 = tpu.sem_alloc : memref<!tpu.dma_semaphore, #tpu.memory_space<semaphore_mem>>
        tpu.enqueue_dma source(%arg2 : memref<10000xf32, #tpu.memory_space<hbm>>) target(%arg7 : memref<10000xf32, #tpu.memory_space<vmem_shared>>) target_semaphore(%run_scoped3A_16 : memref<!tpu.dma_semaphore, #tpu.memory_space<semaphore_mem>>)
        tpu.wait_dma2 semaphore(%run_scoped3A_16 : memref<!tpu.dma_semaphore, #tpu.memory_space<semaphore_mem>>) src(%arg2 : memref<10000xf32, #tpu.memory_space<hbm>>) dst(%arg7 : memref<10000xf32, #tpu.memory_space<vmem_shared>>)
        tpu.yield
      }) : () -> ()
    } else {
    }
    %scan3A = arith.constant 0 : i32
    %scan3A_3 = arith.constant 0 : i32
    %scan3A_4 = arith.constant 63 : i32
    %scan3A_5 = arith.addi %scan3A_3, %scan3A_4 : i32
    %scan3A_6 = arith.constant 1 : i32
    scf.for %scan3A_16 = %scan3A_3 to %scan3A_5 step %scan3A_6  : i32 {
      %broadcast_in_dim3A = arith.constant 1.000000e+00 : f32
      %broadcast_in_dim3A_17 = vector.broadcast %broadcast_in_dim3A : f32 to vector<16xf32>
      %mul3A_18 = arith.constant 16 : i32
      %mul3A_19 = arith.muli %scan3A_16, %mul3A_18 : i32
      %swap3A = arith.index_cast %mul3A_19 : i32 to index
      %swap3A_20 = tpu.vector_load %arg6[%swap3A] {strides = array<i32>} : memref<1008xf32, #tpu.memory_space<vmem>>, vector<16xf32>,
      %swap3A_21 = vector.shape_cast %swap3A_20 : vector<16xf32> to vector<16xf32>
      %swap3A_22 = vector.shape_cast %broadcast_in_dim3A_17 : vector<16xf32> to vector<16xf32>
      tpu.vector_store %arg6[%swap3A], %swap3A_22 {strides = array<i32>} : memref<1008xf32, #tpu.memory_space<vmem>>, vector<16xf32>,
    }
    %scan3A_7 = arith.constant 63 : i32
    %mul3A_8 = arith.constant 10000 : i32
    %mul3A_9 = arith.muli %add3A, %mul3A_8 : i32
    %run_scoped3A = arith.constant 1 : i32
    "tpu.region"() ({
      %run_scoped3A_16 = tpu.sem_alloc : memref<!tpu.dma_semaphore, #tpu.memory_space<semaphore_mem>>
      %dma_start3A = tpu.memref_slice %arg3[%run_scoped3A, %mul3A_9] : memref<2x320000xi32, #tpu.memory_space<hbm>> -> memref<1x10000xi32, #tpu.memory_space<hbm>>
      %dma_start3A_17 = tpu.memref_squeeze %dma_start3A : memref<1x10000xi32, #tpu.memory_space<hbm>> -> memref<10000xi32, #tpu.memory_space<hbm>>
      %dma_start3A_18 = tpu.memref_slice %arg3[%run_scoped3A, %mul3A_9] : memref<2x320000xi32, #tpu.memory_space<hbm>> -> memref<1x10000xi32, #tpu.memory_space<hbm>>
      %dma_start3A_19 = tpu.memref_squeeze %dma_start3A_18 : memref<1x10000xi32, #tpu.memory_space<hbm>> -> memref<10000xi32, #tpu.memory_space<hbm>>
      tpu.enqueue_dma source(%dma_start3A_19 : memref<10000xi32, #tpu.memory_space<hbm>>) target(%arg5 : memref<10000xi32, #tpu.memory_space<vmem>>) target_semaphore(%run_scoped3A_16 : memref<!tpu.dma_semaphore, #tpu.memory_space<semaphore_mem>>)
      %dma_wait3A = tpu.memref_slice %arg3[%run_scoped3A, %mul3A_9] : memref<2x320000xi32, #tpu.memory_space<hbm>> -> memref<1x10000xi32, #tpu.memory_space<hbm>>
      %dma_wait3A_20 = tpu.memref_squeeze %dma_wait3A : memref<1x10000xi32, #tpu.memory_space<hbm>> -> memref<10000xi32, #tpu.memory_space<hbm>>
      %dma_wait3A_21 = tpu.memref_slice %arg3[%run_scoped3A, %mul3A_9] : memref<2x320000xi32, #tpu.memory_space<hbm>> -> memref<1x10000xi32, #tpu.memory_space<hbm>>
      %dma_wait3A_22 = tpu.memref_squeeze %dma_wait3A_21 : memref<1x10000xi32, #tpu.memory_space<hbm>> -> memref<10000xi32, #tpu.memory_space<hbm>>
      tpu.wait_dma2 semaphore(%run_scoped3A_16 : memref<!tpu.dma_semaphore, #tpu.memory_space<semaphore_mem>>) src(%dma_wait3A_22 : memref<10000xi32, #tpu.memory_space<hbm>>) dst(%arg5 : memref<10000xi32, #tpu.memory_space<vmem>>)
      tpu.yield
    }) : () -> ()
    %barrier3A = arith.constant 0 : index
    tpu.barrier barrier_id(%barrier3A)
    "tpu.region"() ({
      %run_scoped3A_16 = tpu.sem_alloc : memref<!tpu.dma_semaphore, #tpu.memory_space<semaphore_mem>>
      %dma_start3A = arith.constant 0 : i32
      %dma_start3A_17 = tpu.memref_slice %arg6[%dma_start3A] : memref<1008xf32, #tpu.memory_space<vmem>> -> memref<1000xf32, #tpu.memory_space<vmem>>
      %dma_start3A_18 = arith.constant 0 : i32
      %dma_start3A_19 = tpu.memref_slice %arg5[%dma_start3A_18] : memref<10000xi32, #tpu.memory_space<vmem>> -> memref<1000xi32, #tpu.memory_space<vmem>>
      %dma_start3A_20 = arith.constant 0 : i32
      %dma_start3A_21 = tpu.memref_slice %arg7[%dma_start3A_20] : memref<10000xf32, #tpu.memory_space<vmem_shared>> -> memref<10000xf32, #tpu.memory_space<vmem_shared>>
      tpu.enqueue_indirect_dma source(%dma_start3A_17 : memref<1000xf32, #tpu.memory_space<vmem>>) target(%dma_start3A_21 : memref<10000xf32, #tpu.memory_space<vmem_shared>>) offsets(%dma_start3A_19 : memref<1000xi32, #tpu.memory_space<vmem>>) semaphore(%run_scoped3A_16 : memref<!tpu.dma_semaphore, #tpu.memory_space<semaphore_mem>>) {add = true}
      %dma_wait3A = arith.constant 0 : i32
      %dma_wait3A_22 = tpu.memref_slice %arg6[%dma_wait3A] : memref<1008xf32, #tpu.memory_space<vmem>> -> memref<1000xf32, #tpu.memory_space<vmem>>
      %dma_wait3A_23 = arith.constant 0 : i32
      %dma_wait3A_24 = tpu.memref_slice %arg5[%dma_wait3A_23] : memref<10000xi32, #tpu.memory_space<vmem>> -> memref<1000xi32, #tpu.memory_space<vmem>>
      %dma_wait3A_25 = arith.constant 0 : i32
      %dma_wait3A_26 = tpu.memref_slice %arg7[%dma_wait3A_25] : memref<10000xf32, #tpu.memory_space<vmem_shared>> -> memref<10000xf32, #tpu.memory_space<vmem_shared>>
      tpu.wait_indirect_dma semaphore(%run_scoped3A_16 : memref<!tpu.dma_semaphore, #tpu.memory_space<semaphore_mem>>) src(%dma_wait3A_22 : memref<1000xf32, #tpu.memory_space<vmem>>) dst(%dma_wait3A_26 : memref<10000xf32, #tpu.memory_space<vmem_shared>>)
      tpu.yield
    }) : () -> ()
    "tpu.region"() ({
      %run_scoped3A_16 = tpu.sem_alloc : memref<!tpu.dma_semaphore, #tpu.memory_space<semaphore_mem>>
      %dma_start3A = arith.constant 0 : i32
      %dma_start3A_17 = tpu.memref_slice %arg6[%dma_start3A] : memref<1008xf32, #tpu.memory_space<vmem>> -> memref<1000xf32, #tpu.memory_space<vmem>>
      %dma_start3A_18 = arith.constant 1000 : i32
      %dma_start3A_19 = tpu.memref_slice %arg5[%dma_start3A_18] : memref<10000xi32, #tpu.memory_space<vmem>> -> memref<1000xi32, #tpu.memory_space<vmem>>
      %dma_start3A_20 = arith.constant 0 : i32
      %dma_start3A_21 = tpu.memref_slice %arg7[%dma_start3A_20] : memref<10000xf32, #tpu.memory_space<vmem_shared>> -> memref<10000xf32, #tpu.memory_space<vmem_shared>>
      tpu.enqueue_indirect_dma source(%dma_start3A_17 : memref<1000xf32, #tpu.memory_space<vmem>>) target(%dma_start3A_21 : memref<10000xf32, #tpu.memory_space<vmem_shared>>) offsets(%dma_start3A_19 : memref<1000xi32, #tpu.memory_space<vmem>>) semaphore(%run_scoped3A_16 : memref<!tpu.dma_semaphore, #tpu.memory_space<semaphore_mem>>) {add = true}
      %dma_wait3A = arith.constant 0 : i32
      %dma_wait3A_22 = tpu.memref_slice %arg6[%dma_wait3A] : memref<1008xf32, #tpu.memory_space<vmem>> -> memref<1000xf32, #tpu.memory_space<vmem>>
      %dma_wait3A_23 = arith.constant 1000 : i32
      %dma_wait3A_24 = tpu.memref_slice %arg5[%dma_wait3A_23] : memref<10000xi32, #tpu.memory_space<vmem>> -> memref<1000xi32, #tpu.memory_space<vmem>>
      %dma_wait3A_25 = arith.constant 0 : i32
      %dma_wait3A_26 = tpu.memref_slice %arg7[%dma_wait3A_25] : memref<10000xf32, #tpu.memory_space<vmem_shared>> -> memref<10000xf32, #tpu.memory_space<vmem_shared>>
      tpu.wait_indirect_dma semaphore(%run_scoped3A_16 : memref<!tpu.dma_semaphore, #tpu.memory_space<semaphore_mem>>) src(%dma_wait3A_22 : memref<1000xf32, #tpu.memory_space<vmem>>) dst(%dma_wait3A_26 : memref<10000xf32, #tpu.memory_space<vmem_shared>>)
      tpu.yield
    }) : () -> ()
    "tpu.region"() ({
      %run_scoped3A_16 = tpu.sem_alloc : memref<!tpu.dma_semaphore, #tpu.memory_space<semaphore_mem>>
      %dma_start3A = arith.constant 0 : i32
      %dma_start3A_17 = tpu.memref_slice %arg6[%dma_start3A] : memref<1008xf32, #tpu.memory_space<vmem>> -> memref<1000xf32, #tpu.memory_space<vmem>>
      %dma_start3A_18 = arith.constant 2000 : i32
      %dma_start3A_19 = tpu.memref_slice %arg5[%dma_start3A_18] : memref<10000xi32, #tpu.memory_space<vmem>> -> memref<1000xi32, #tpu.memory_space<vmem>>
      %dma_start3A_20 = arith.constant 0 : i32
      %dma_start3A_21 = tpu.memref_slice %arg7[%dma_start3A_20] : memref<10000xf32, #tpu.memory_space<vmem_shared>> -> memref<10000xf32, #tpu.memory_space<vmem_shared>>
      tpu.enqueue_indirect_dma source(%dma_start3A_17 : memref<1000xf32, #tpu.memory_space<vmem>>) target(%dma_start3A_21 : memref<10000xf32, #tpu.memory_space<vmem_shared>>) offsets(%dma_start3A_19 : memref<1000xi32, #tpu.memory_space<vmem>>) semaphore(%run_scoped3A_16 : memref<!tpu.dma_semaphore, #tpu.memory_space<semaphore_mem>>) {add = true}
      %dma_wait3A = arith.constant 0 : i32
      %dma_wait3A_22 = tpu.memref_slice %arg6[%dma_wait3A] : memref<1008xf32, #tpu.memory_space<vmem>> -> memref<1000xf32, #tpu.memory_space<vmem>>
      %dma_wait3A_23 = arith.constant 2000 : i32
      %dma_wait3A_24 = tpu.memref_slice %arg5[%dma_wait3A_23] : memref<10000xi32, #tpu.memory_space<vmem>> -> memref<1000xi32, #tpu.memory_space<vmem>>
      %dma_wait3A_25 = arith.constant 0 : i32
      %dma_wait3A_26 = tpu.memref_slice %arg7[%dma_wait3A_25] : memref<10000xf32, #tpu.memory_space<vmem_shared>> -> memref<10000xf32, #tpu.memory_space<vmem_shared>>
      tpu.wait_indirect_dma semaphore(%run_scoped3A_16 : memref<!tpu.dma_semaphore, #tpu.memory_space<semaphore_mem>>) src(%dma_wait3A_22 : memref<1000xf32, #tpu.memory_space<vmem>>) dst(%dma_wait3A_26 : memref<10000xf32, #tpu.memory_space<vmem_shared>>)
      tpu.yield
    }) : () -> ()
    "tpu.region"() ({
      %run_scoped3A_16 = tpu.sem_alloc : memref<!tpu.dma_semaphore, #tpu.memory_space<semaphore_mem>>
      %dma_start3A = arith.constant 0 : i32
      %dma_start3A_17 = tpu.memref_slice %arg6[%dma_start3A] : memref<1008xf32, #tpu.memory_space<vmem>> -> memref<1000xf32, #tpu.memory_space<vmem>>
      %dma_start3A_18 = arith.constant 3000 : i32
      %dma_start3A_19 = tpu.memref_slice %arg5[%dma_start3A_18] : memref<10000xi32, #tpu.memory_space<vmem>> -> memref<1000xi32, #tpu.memory_space<vmem>>
      %dma_start3A_20 = arith.constant 0 : i32
      %dma_start3A_21 = tpu.memref_slice %arg7[%dma_start3A_20] : memref<10000xf32, #tpu.memory_space<vmem_shared>> -> memref<10000xf32, #tpu.memory_space<vmem_shared>>
      tpu.enqueue_indirect_dma source(%dma_start3A_17 : memref<1000xf32, #tpu.memory_space<vmem>>) target(%dma_start3A_21 : memref<10000xf32, #tpu.memory_space<vmem_shared>>) offsets(%dma_start3A_19 : memref<1000xi32, #tpu.memory_space<vmem>>) semaphore(%run_scoped3A_16 : memref<!tpu.dma_semaphore, #tpu.memory_space<semaphore_mem>>) {add = true}
      %dma_wait3A = arith.constant 0 : i32
      %dma_wait3A_22 = tpu.memref_slice %arg6[%dma_wait3A] : memref<1008xf32, #tpu.memory_space<vmem>> -> memref<1000xf32, #tpu.memory_space<vmem>>
      %dma_wait3A_23 = arith.constant 3000 : i32
      %dma_wait3A_24 = tpu.memref_slice %arg5[%dma_wait3A_23] : memref<10000xi32, #tpu.memory_space<vmem>> -> memref<1000xi32, #tpu.memory_space<vmem>>
      %dma_wait3A_25 = arith.constant 0 : i32
      %dma_wait3A_26 = tpu.memref_slice %arg7[%dma_wait3A_25] : memref<10000xf32, #tpu.memory_space<vmem_shared>> -> memref<10000xf32, #tpu.memory_space<vmem_shared>>
      tpu.wait_indirect_dma semaphore(%run_scoped3A_16 : memref<!tpu.dma_semaphore, #tpu.memory_space<semaphore_mem>>) src(%dma_wait3A_22 : memref<1000xf32, #tpu.memory_space<vmem>>) dst(%dma_wait3A_26 : memref<10000xf32, #tpu.memory_space<vmem_shared>>)
      tpu.yield
    }) : () -> ()
    "tpu.region"() ({
      %run_scoped3A_16 = tpu.sem_alloc : memref<!tpu.dma_semaphore, #tpu.memory_space<semaphore_mem>>
      %dma_start3A = arith.constant 0 : i32
      %dma_start3A_17 = tpu.memref_slice %arg6[%dma_start3A] : memref<1008xf32, #tpu.memory_space<vmem>> -> memref<1000xf32, #tpu.memory_space<vmem>>
      %dma_start3A_18 = arith.constant 4000 : i32
      %dma_start3A_19 = tpu.memref_slice %arg5[%dma_start3A_18] : memref<10000xi32, #tpu.memory_space<vmem>> -> memref<1000xi32, #tpu.memory_space<vmem>>
      %dma_start3A_20 = arith.constant 0 : i32
      %dma_start3A_21 = tpu.memref_slice %arg7[%dma_start3A_20] : memref<10000xf32, #tpu.memory_space<vmem_shared>> -> memref<10000xf32, #tpu.memory_space<vmem_shared>>
      tpu.enqueue_indirect_dma source(%dma_start3A_17 : memref<1000xf32, #tpu.memory_space<vmem>>) target(%dma_start3A_21 : memref<10000xf32, #tpu.memory_space<vmem_shared>>) offsets(%dma_start3A_19 : memref<1000xi32, #tpu.memory_space<vmem>>) semaphore(%run_scoped3A_16 : memref<!tpu.dma_semaphore, #tpu.memory_space<semaphore_mem>>) {add = true}
      %dma_wait3A = arith.constant 0 : i32
      %dma_wait3A_22 = tpu.memref_slice %arg6[%dma_wait3A] : memref<1008xf32, #tpu.memory_space<vmem>> -> memref<1000xf32, #tpu.memory_space<vmem>>
      %dma_wait3A_23 = arith.constant 4000 : i32
      %dma_wait3A_24 = tpu.memref_slice %arg5[%dma_wait3A_23] : memref<10000xi32, #tpu.memory_space<vmem>> -> memref<1000xi32, #tpu.memory_space<vmem>>
      %dma_wait3A_25 = arith.constant 0 : i32
      %dma_wait3A_26 = tpu.memref_slice %arg7[%dma_wait3A_25] : memref<10000xf32, #tpu.memory_space<vmem_shared>> -> memref<10000xf32, #tpu.memory_space<vmem_shared>>
      tpu.wait_indirect_dma semaphore(%run_scoped3A_16 : memref<!tpu.dma_semaphore, #tpu.memory_space<semaphore_mem>>) src(%dma_wait3A_22 : memref<1000xf32, #tpu.memory_space<vmem>>) dst(%dma_wait3A_26 : memref<10000xf32, #tpu.memory_space<vmem_shared>>)
      tpu.yield
    }) : () -> ()
    "tpu.region"() ({
      %run_scoped3A_16 = tpu.sem_alloc : memref<!tpu.dma_semaphore, #tpu.memory_space<semaphore_mem>>
      %dma_start3A = arith.constant 0 : i32
      %dma_start3A_17 = tpu.memref_slice %arg6[%dma_start3A] : memref<1008xf32, #tpu.memory_space<vmem>> -> memref<1000xf32, #tpu.memory_space<vmem>>
      %dma_start3A_18 = arith.constant 5000 : i32
      %dma_start3A_19 = tpu.memref_slice %arg5[%dma_start3A_18] : memref<10000xi32, #tpu.memory_space<vmem>> -> memref<1000xi32, #tpu.memory_space<vmem>>
      %dma_start3A_20 = arith.constant 0 : i32
      %dma_start3A_21 = tpu.memref_slice %arg7[%dma_start3A_20] : memref<10000xf32, #tpu.memory_space<vmem_shared>> -> memref<10000xf32, #tpu.memory_space<vmem_shared>>
      tpu.enqueue_indirect_dma source(%dma_start3A_17 : memref<1000xf32, #tpu.memory_space<vmem>>) target(%dma_start3A_21 : memref<10000xf32, #tpu.memory_space<vmem_shared>>) offsets(%dma_start3A_19 : memref<1000xi32, #tpu.memory_space<vmem>>) semaphore(%run_scoped3A_16 : memref<!tpu.dma_semaphore, #tpu.memory_space<semaphore_mem>>) {add = true}
      %dma_wait3A = arith.constant 0 : i32
      %dma_wait3A_22 = tpu.memref_slice %arg6[%dma_wait3A] : memref<1008xf32, #tpu.memory_space<vmem>> -> memref<1000xf32, #tpu.memory_space<vmem>>
      %dma_wait3A_23 = arith.constant 5000 : i32
      %dma_wait3A_24 = tpu.memref_slice %arg5[%dma_wait3A_23] : memref<10000xi32, #tpu.memory_space<vmem>> -> memref<1000xi32, #tpu.memory_space<vmem>>
      %dma_wait3A_25 = arith.constant 0 : i32
      %dma_wait3A_26 = tpu.memref_slice %arg7[%dma_wait3A_25] : memref<10000xf32, #tpu.memory_space<vmem_shared>> -> memref<10000xf32, #tpu.memory_space<vmem_shared>>
      tpu.wait_indirect_dma semaphore(%run_scoped3A_16 : memref<!tpu.dma_semaphore, #tpu.memory_space<semaphore_mem>>) src(%dma_wait3A_22 : memref<1000xf32, #tpu.memory_space<vmem>>) dst(%dma_wait3A_26 : memref<10000xf32, #tpu.memory_space<vmem_shared>>)
      tpu.yield
    }) : () -> ()
    "tpu.region"() ({
      %run_scoped3A_16 = tpu.sem_alloc : memref<!tpu.dma_semaphore, #tpu.memory_space<semaphore_mem>>
      %dma_start3A = arith.constant 0 : i32
      %dma_start3A_17 = tpu.memref_slice %arg6[%dma_start3A] : memref<1008xf32, #tpu.memory_space<vmem>> -> memref<1000xf32, #tpu.memory_space<vmem>>
      %dma_start3A_18 = arith.constant 6000 : i32
      %dma_start3A_19 = tpu.memref_slice %arg5[%dma_start3A_18] : memref<10000xi32, #tpu.memory_space<vmem>> -> memref<1000xi32, #tpu.memory_space<vmem>>
      %dma_start3A_20 = arith.constant 0 : i32
      %dma_start3A_21 = tpu.memref_slice %arg7[%dma_start3A_20] : memref<10000xf32, #tpu.memory_space<vmem_shared>> -> memref<10000xf32, #tpu.memory_space<vmem_shared>>
      tpu.enqueue_indirect_dma source(%dma_start3A_17 : memref<1000xf32, #tpu.memory_space<vmem>>) target(%dma_start3A_21 : memref<10000xf32, #tpu.memory_space<vmem_shared>>) offsets(%dma_start3A_19 : memref<1000xi32, #tpu.memory_space<vmem>>) semaphore(%run_scoped3A_16 : memref<!tpu.dma_semaphore, #tpu.memory_space<semaphore_mem>>) {add = true}
      %dma_wait3A = arith.constant 0 : i32
      %dma_wait3A_22 = tpu.memref_slice %arg6[%dma_wait3A] : memref<1008xf32, #tpu.memory_space<vmem>> -> memref<1000xf32, #tpu.memory_space<vmem>>
      %dma_wait3A_23 = arith.constant 6000 : i32
      %dma_wait3A_24 = tpu.memref_slice %arg5[%dma_wait3A_23] : memref<10000xi32, #tpu.memory_space<vmem>> -> memref<1000xi32, #tpu.memory_space<vmem>>
      %dma_wait3A_25 = arith.constant 0 : i32
      %dma_wait3A_26 = tpu.memref_slice %arg7[%dma_wait3A_25] : memref<10000xf32, #tpu.memory_space<vmem_shared>> -> memref<10000xf32, #tpu.memory_space<vmem_shared>>
      tpu.wait_indirect_dma semaphore(%run_scoped3A_16 : memref<!tpu.dma_semaphore, #tpu.memory_space<semaphore_mem>>) src(%dma_wait3A_22 : memref<1000xf32, #tpu.memory_space<vmem>>) dst(%dma_wait3A_26 : memref<10000xf32, #tpu.memory_space<vmem_shared>>)
      tpu.yield
    }) : () -> ()
    "tpu.region"() ({
      %run_scoped3A_16 = tpu.sem_alloc : memref<!tpu.dma_semaphore, #tpu.memory_space<semaphore_mem>>
      %dma_start3A = arith.constant 0 : i32
      %dma_start3A_17 = tpu.memref_slice %arg6[%dma_start3A] : memref<1008xf32, #tpu.memory_space<vmem>> -> memref<1000xf32, #tpu.memory_space<vmem>>
      %dma_start3A_18 = arith.constant 7000 : i32
      %dma_start3A_19 = tpu.memref_slice %arg5[%dma_start3A_18] : memref<10000xi32, #tpu.memory_space<vmem>> -> memref<1000xi32, #tpu.memory_space<vmem>>
      %dma_start3A_20 = arith.constant 0 : i32
      %dma_start3A_21 = tpu.memref_slice %arg7[%dma_start3A_20] : memref<10000xf32, #tpu.memory_space<vmem_shared>> -> memref<10000xf32, #tpu.memory_space<vmem_shared>>
      tpu.enqueue_indirect_dma source(%dma_start3A_17 : memref<1000xf32, #tpu.memory_space<vmem>>) target(%dma_start3A_21 : memref<10000xf32, #tpu.memory_space<vmem_shared>>) offsets(%dma_start3A_19 : memref<1000xi32, #tpu.memory_space<vmem>>) semaphore(%run_scoped3A_16 : memref<!tpu.dma_semaphore, #tpu.memory_space<semaphore_mem>>) {add = true}
      %dma_wait3A = arith.constant 0 : i32
      %dma_wait3A_22 = tpu.memref_slice %arg6[%dma_wait3A] : memref<1008xf32, #tpu.memory_space<vmem>> -> memref<1000xf32, #tpu.memory_space<vmem>>
      %dma_wait3A_23 = arith.constant 7000 : i32
      %dma_wait3A_24 = tpu.memref_slice %arg5[%dma_wait3A_23] : memref<10000xi32, #tpu.memory_space<vmem>> -> memref<1000xi32, #tpu.memory_space<vmem>>
      %dma_wait3A_25 = arith.constant 0 : i32
      %dma_wait3A_26 = tpu.memref_slice %arg7[%dma_wait3A_25] : memref<10000xf32, #tpu.memory_space<vmem_shared>> -> memref<10000xf32, #tpu.memory_space<vmem_shared>>
      tpu.wait_indirect_dma semaphore(%run_scoped3A_16 : memref<!tpu.dma_semaphore, #tpu.memory_space<semaphore_mem>>) src(%dma_wait3A_22 : memref<1000xf32, #tpu.memory_space<vmem>>) dst(%dma_wait3A_26 : memref<10000xf32, #tpu.memory_space<vmem_shared>>)
      tpu.yield
    }) : () -> ()
    "tpu.region"() ({
      %run_scoped3A_16 = tpu.sem_alloc : memref<!tpu.dma_semaphore, #tpu.memory_space<semaphore_mem>>
      %dma_start3A = arith.constant 0 : i32
      %dma_start3A_17 = tpu.memref_slice %arg6[%dma_start3A] : memref<1008xf32, #tpu.memory_space<vmem>> -> memref<1000xf32, #tpu.memory_space<vmem>>
      %dma_start3A_18 = arith.constant 8000 : i32
      %dma_start3A_19 = tpu.memref_slice %arg5[%dma_start3A_18] : memref<10000xi32, #tpu.memory_space<vmem>> -> memref<1000xi32, #tpu.memory_space<vmem>>
      %dma_start3A_20 = arith.constant 0 : i32
      %dma_start3A_21 = tpu.memref_slice %arg7[%dma_start3A_20] : memref<10000xf32, #tpu.memory_space<vmem_shared>> -> memref<10000xf32, #tpu.memory_space<vmem_shared>>
      tpu.enqueue_indirect_dma source(%dma_start3A_17 : memref<1000xf32, #tpu.memory_space<vmem>>) target(%dma_start3A_21 : memref<10000xf32, #tpu.memory_space<vmem_shared>>) offsets(%dma_start3A_19 : memref<1000xi32, #tpu.memory_space<vmem>>) semaphore(%run_scoped3A_16 : memref<!tpu.dma_semaphore, #tpu.memory_space<semaphore_mem>>) {add = true}
      %dma_wait3A = arith.constant 0 : i32
      %dma_wait3A_22 = tpu.memref_slice %arg6[%dma_wait3A] : memref<1008xf32, #tpu.memory_space<vmem>> -> memref<1000xf32, #tpu.memory_space<vmem>>
      %dma_wait3A_23 = arith.constant 8000 : i32
      %dma_wait3A_24 = tpu.memref_slice %arg5[%dma_wait3A_23] : memref<10000xi32, #tpu.memory_space<vmem>> -> memref<1000xi32, #tpu.memory_space<vmem>>
      %dma_wait3A_25 = arith.constant 0 : i32
      %dma_wait3A_26 = tpu.memref_slice %arg7[%dma_wait3A_25] : memref<10000xf32, #tpu.memory_space<vmem_shared>> -> memref<10000xf32, #tpu.memory_space<vmem_shared>>
      tpu.wait_indirect_dma semaphore(%run_scoped3A_16 : memref<!tpu.dma_semaphore, #tpu.memory_space<semaphore_mem>>) src(%dma_wait3A_22 : memref<1000xf32, #tpu.memory_space<vmem>>) dst(%dma_wait3A_26 : memref<10000xf32, #tpu.memory_space<vmem_shared>>)
      tpu.yield
    }) : () -> ()
    "tpu.region"() ({
      %run_scoped3A_16 = tpu.sem_alloc : memref<!tpu.dma_semaphore, #tpu.memory_space<semaphore_mem>>
      %dma_start3A = arith.constant 0 : i32
      %dma_start3A_17 = tpu.memref_slice %arg6[%dma_start3A] : memref<1008xf32, #tpu.memory_space<vmem>> -> memref<1000xf32, #tpu.memory_space<vmem>>
      %dma_start3A_18 = arith.constant 9000 : i32
      %dma_start3A_19 = tpu.memref_slice %arg5[%dma_start3A_18] : memref<10000xi32, #tpu.memory_space<vmem>> -> memref<1000xi32, #tpu.memory_space<vmem>>
      %dma_start3A_20 = arith.constant 0 : i32
      %dma_start3A_21 = tpu.memref_slice %arg7[%dma_start3A_20] : memref<10000xf32, #tpu.memory_space<vmem_shared>> -> memref<10000xf32, #tpu.memory_space<vmem_shared>>
      tpu.enqueue_indirect_dma source(%dma_start3A_17 : memref<1000xf32, #tpu.memory_space<vmem>>) target(%dma_start3A_21 : memref<10000xf32, #tpu.memory_space<vmem_shared>>) offsets(%dma_start3A_19 : memref<1000xi32, #tpu.memory_space<vmem>>) semaphore(%run_scoped3A_16 : memref<!tpu.dma_semaphore, #tpu.memory_space<semaphore_mem>>) {add = true}
      %dma_wait3A = arith.constant 0 : i32
      %dma_wait3A_22 = tpu.memref_slice %arg6[%dma_wait3A] : memref<1008xf32, #tpu.memory_space<vmem>> -> memref<1000xf32, #tpu.memory_space<vmem>>
      %dma_wait3A_23 = arith.constant 9000 : i32
      %dma_wait3A_24 = tpu.memref_slice %arg5[%dma_wait3A_23] : memref<10000xi32, #tpu.memory_space<vmem>> -> memref<1000xi32, #tpu.memory_space<vmem>>
      %dma_wait3A_25 = arith.constant 0 : i32
      %dma_wait3A_26 = tpu.memref_slice %arg7[%dma_wait3A_25] : memref<10000xf32, #tpu.memory_space<vmem_shared>> -> memref<10000xf32, #tpu.memory_space<vmem_shared>>
      tpu.wait_indirect_dma semaphore(%run_scoped3A_16 : memref<!tpu.dma_semaphore, #tpu.memory_space<semaphore_mem>>) src(%dma_wait3A_22 : memref<1000xf32, #tpu.memory_space<vmem>>) dst(%dma_wait3A_26 : memref<10000xf32, #tpu.memory_space<vmem_shared>>)
      tpu.yield
    }) : () -> ()
    %barrier3A_10 = arith.constant 0 : index
    tpu.barrier barrier_id(%barrier3A_10)
    %eq3A_11 = arith.constant 0 : i32
    %eq3A_12 = arith.cmpi eq, %arg1, %eq3A_11 : i32
    %convert_element_type3A_13 = arith.extui %eq3A_12 : i1 to i32
    %cond3A_14 = arith.constant 0 : i32
    %cond3A_15 = arith.cmpi ne, %convert_element_type3A_13, %cond3A_14 : i32
    scf.if %cond3A_15 {
      "tpu.region"() ({
        %run_scoped3A_16 = tpu.sem_alloc : memref<!tpu.dma_semaphore, #tpu.memory_space<semaphore_mem>>
        %dma_start3A = arith.constant 0 : i32
        %dma_start3A_17 = tpu.memref_slice %arg4[%arg0, %dma_start3A] : memref<2x10000xf32, #tpu.memory_space<hbm>> -> memref<1x10000xf32, #tpu.memory_space<hbm>>
        %dma_start3A_18 = tpu.memref_squeeze %dma_start3A_17 : memref<1x10000xf32, #tpu.memory_space<hbm>> -> memref<10000xf32, #tpu.memory_space<hbm>>
        tpu.enqueue_dma source(%arg7 : memref<10000xf32, #tpu.memory_space<vmem_shared>>) target(%dma_start3A_18 : memref<10000xf32, #tpu.memory_space<hbm>>) target_semaphore(%run_scoped3A_16 : memref<!tpu.dma_semaphore, #tpu.memory_space<semaphore_mem>>)
        %dma_wait3A = arith.constant 0 : i32
        %dma_wait3A_19 = tpu.memref_slice %arg4[%arg0, %dma_wait3A] : memref<2x10000xf32, #tpu.memory_space<hbm>> -> memref<1x10000xf32, #tpu.memory_space<hbm>>
        %dma_wait3A_20 = tpu.memref_squeeze %dma_wait3A_19 : memref<1x10000xf32, #tpu.memory_space<hbm>> -> memref<10000xf32, #tpu.memory_space<hbm>>
        tpu.wait_dma2 semaphore(%run_scoped3A_16 : memref<!tpu.dma_semaphore, #tpu.memory_space<semaphore_mem>>) src(%arg7 : memref<10000xf32, #tpu.memory_space<vmem_shared>>) dst(%dma_wait3A_20 : memref<10000xf32, #tpu.memory_space<hbm>>)
        tpu.yield
      }) : () -> ()
    } else {
    }
    return
  }
}

module attributes {stable_mosaic.version = 14 : i64} {
  func.func @_mm_body(%arg0: memref<1250x1024xf32, #tpu.memory_space<vmem>>, %arg1: memref<1024x128xf32, #tpu.memory_space<vmem>>, %arg2: memref<1250x128xf32, #tpu.memory_space<vmem>>) attributes {dimension_semantics = [], scalar_prefetch = 0 : i64, scratch_operands = 0 : i64, tpu.core_type = #tpu.core_type<tc>} {
    %get3A = arith.constant 0 : index
    %get3A_0 = arith.constant 0 : index
    %get3A_1 = vector.load %arg0[%get3A, %get3A_0] : memref<1250x1024xf32, #tpu.memory_space<vmem>>, vector<1250x1024xf32>
    %get3A_2 = arith.constant 0 : index
    %get3A_3 = arith.constant 0 : index
    %get3A_4 = vector.load %arg1[%get3A_2, %get3A_3] : memref<1024x128xf32, #tpu.memory_space<vmem>>, vector<1024x128xf32>
    %dot_general3A = arith.constant dense<0.000000e+00> : vector<1250x128xf32>
    %dot_general3A_5 = tpu.matmul %get3A_1, %get3A_4, %dot_general3A {dimension_numbers = #tpu.dot_dimension_numbers<[1], [0], [0], [1], [0, 0, 1, 1], [], []>, transpose_lhs_hint = false} : vector<1250x1024xf32>, vector<1024x128xf32>, vector<1250x128xf32> -> vector<1250x128xf32>
    %swap3A = arith.constant 0 : index
    %swap3A_6 = arith.constant 0 : index
    %swap3A_7 = vector.load %arg2[%swap3A, %swap3A_6] : memref<1250x128xf32, #tpu.memory_space<vmem>>, vector<1250x128xf32>
    tpu.vector_store %arg2[%swap3A, %swap3A_6], %dot_general3A_5 {strides = array<i32>} : memref<1250x128xf32, #tpu.memory_space<vmem>>, vector<1250x128xf32>,
    return
  }
}

module attributes {stable_mosaic.version = 14 : i64} {
  func.func @_mid_body(%arg0: memref<1250x128xf32, #tpu.memory_space<vmem>>, %arg1: memref<1250x128xf32, #tpu.memory_space<vmem>>, %arg2: memref<1250x128xf32, #tpu.memory_space<vmem>>, %arg3: memref<1250x128xf32, #tpu.memory_space<vmem>>, %arg4: memref<1x128xf32, #tpu.memory_space<vmem>>, %arg5: memref<1250x128xf32, #tpu.memory_space<vmem>>) attributes {dimension_semantics = [], scalar_prefetch = 0 : i64, scratch_operands = 0 : i64, tpu.core_type = #tpu.core_type<tc>} {
    %get3A = arith.constant 0 : index
    %get3A_0 = arith.constant 0 : index
    %get3A_1 = vector.load %arg3[%get3A, %get3A_0] : memref<1250x128xf32, #tpu.memory_space<vmem>>, vector<1250x128xf32>
    %get3A_2 = arith.constant 0 : index
    %get3A_3 = arith.constant 0 : index
    %get3A_4 = vector.load %arg0[%get3A_2, %get3A_3] : memref<1250x128xf32, #tpu.memory_space<vmem>>, vector<1250x128xf32>
    %get3A_5 = arith.constant 0 : index
    %get3A_6 = arith.constant 0 : index
    %get3A_7 = vector.load %arg1[%get3A_5, %get3A_6] : memref<1250x128xf32, #tpu.memory_space<vmem>>, vector<1250x128xf32>
    %add3A = arith.addf %get3A_4, %get3A_7 : vector<1250x128xf32>
    %get3A_8 = arith.constant 0 : index
    %get3A_9 = arith.constant 0 : index
    %get3A_10 = vector.load %arg2[%get3A_8, %get3A_9] : memref<1250x128xf32, #tpu.memory_space<vmem>>, vector<1250x128xf32>
    %sub3A = arith.subf %add3A, %get3A_10 : vector<1250x128xf32>
    %mul3A = arith.mulf %get3A_1, %sub3A : vector<1250x128xf32>
    %get3A_11 = arith.constant 0 : index
    %get3A_12 = arith.constant 0 : index
    %get3A_13 = vector.load %arg3[%get3A_11, %get3A_12] : memref<1250x128xf32, #tpu.memory_space<vmem>>, vector<1250x128xf32>
    %get3A_14 = arith.constant 0 : index
    %get3A_15 = arith.constant 0 : index
    %get3A_16 = vector.load %arg4[%get3A_14, %get3A_15] : memref<1x128xf32, #tpu.memory_space<vmem>>, vector<1x128xf32>
    %add3A_17 = vector.broadcast %get3A_16 : vector<1x128xf32> to vector<1250x128xf32>
    %add3A_18 = arith.addf %mul3A, %add3A_17 : vector<1250x128xf32>
    %max3A = arith.constant 0.000000e+00 : f32
    %max3A_19 = vector.broadcast %max3A : f32 to vector<1250x128xf32>
    %max3A_20 = arith.maximumf %add3A_18, %max3A_19 : vector<1250x128xf32>
    %mul3A_21 = arith.mulf %get3A_13, %max3A_20 : vector<1250x128xf32>
    %swap3A = arith.constant 0 : index
    %swap3A_22 = arith.constant 0 : index
    %swap3A_23 = vector.load %arg5[%swap3A, %swap3A_22] : memref<1250x128xf32, #tpu.memory_space<vmem>>, vector<1250x128xf32>
    tpu.vector_store %arg5[%swap3A, %swap3A_22], %mul3A_21 {strides = array<i32>} : memref<1250x128xf32, #tpu.memory_space<vmem>>, vector<1250x128xf32>,
    return
  }
}

module attributes {stable_mosaic.version = 14 : i64} {
  func.func @_scale_body(%arg0: memref<1250x128xf32, #tpu.memory_space<vmem>>, %arg1: memref<1250x128xf32, #tpu.memory_space<vmem>>, %arg2: memref<1250x128xf32, #tpu.memory_space<vmem>>, %arg3: memref<1250x128xf32, #tpu.memory_space<vmem>>, %arg4: memref<1250x128xf32, #tpu.memory_space<vmem>>) attributes {dimension_semantics = [], scalar_prefetch = 0 : i64, scratch_operands = 0 : i64, tpu.core_type = #tpu.core_type<tc>} {
    %get3A = arith.constant 0 : index
    %get3A_0 = arith.constant 0 : index
    %get3A_1 = vector.load %arg1[%get3A, %get3A_0] : memref<1250x128xf32, #tpu.memory_space<vmem>>, vector<1250x128xf32>
    %get3A_2 = arith.constant 0 : index
    %get3A_3 = arith.constant 0 : index
    %get3A_4 = vector.load %arg2[%get3A_2, %get3A_3] : memref<1250x128xf32, #tpu.memory_space<vmem>>, vector<1250x128xf32>
    %add3A = arith.addf %get3A_1, %get3A_4 : vector<1250x128xf32>
    %sub3A = arith.constant 1.000000e+00 : f32
    %sub3A_5 = vector.broadcast %sub3A : f32 to vector<1250x128xf32>
    %sub3A_6 = arith.subf %add3A, %sub3A_5 : vector<1250x128xf32>
    %rsqrt3A = math.rsqrt %sub3A_6 : vector<1250x128xf32>
    %get3A_7 = arith.constant 0 : index
    %get3A_8 = arith.constant 0 : index
    %get3A_9 = vector.load %arg0[%get3A_7, %get3A_8] : memref<1250x128xf32, #tpu.memory_space<vmem>>, vector<1250x128xf32>
    %mul3A = arith.mulf %get3A_9, %rsqrt3A : vector<1250x128xf32>
    %swap3A = arith.constant 0 : index
    %swap3A_10 = arith.constant 0 : index
    %swap3A_11 = vector.load %arg3[%swap3A, %swap3A_10] : memref<1250x128xf32, #tpu.memory_space<vmem>>, vector<1250x128xf32>
    tpu.vector_store %arg3[%swap3A, %swap3A_10], %mul3A {strides = array<i32>} : memref<1250x128xf32, #tpu.memory_space<vmem>>, vector<1250x128xf32>,
    %swap3A_12 = arith.constant 0 : index
    %swap3A_13 = arith.constant 0 : index
    %swap3A_14 = vector.load %arg4[%swap3A_12, %swap3A_13] : memref<1250x128xf32, #tpu.memory_space<vmem>>, vector<1250x128xf32>
    tpu.vector_store %arg4[%swap3A_12, %swap3A_13], %rsqrt3A {strides = array<i32>} : memref<1250x128xf32, #tpu.memory_space<vmem>>, vector<1250x128xf32>,
    return
  }
}

module attributes {stable_mosaic.version = 14 : i64} {
  func.func @_fin_body(%arg0: memref<1250x128xf32, #tpu.memory_space<vmem>>, %arg1: memref<1250x128xf32, #tpu.memory_space<vmem>>, %arg2: memref<1250x128xf32, #tpu.memory_space<vmem>>, %arg3: memref<1250x128xf32, #tpu.memory_space<vmem>>, %arg4: memref<128x320xf32, #tpu.memory_space<vmem>>, %arg5: memref<1x320xf32, #tpu.memory_space<vmem>>, %arg6: memref<1250x320xf32, #tpu.memory_space<vmem>>) attributes {dimension_semantics = [], scalar_prefetch = 0 : i64, scratch_operands = 0 : i64, tpu.core_type = #tpu.core_type<tc>} {
    %get3A = arith.constant 0 : index
    %get3A_0 = arith.constant 0 : index
    %get3A_1 = vector.load %arg3[%get3A, %get3A_0] : memref<1250x128xf32, #tpu.memory_space<vmem>>, vector<1250x128xf32>
    %get3A_2 = arith.constant 0 : index
    %get3A_3 = arith.constant 0 : index
    %get3A_4 = vector.load %arg0[%get3A_2, %get3A_3] : memref<1250x128xf32, #tpu.memory_space<vmem>>, vector<1250x128xf32>
    %get3A_5 = arith.constant 0 : index
    %get3A_6 = arith.constant 0 : index
    %get3A_7 = vector.load %arg1[%get3A_5, %get3A_6] : memref<1250x128xf32, #tpu.memory_space<vmem>>, vector<1250x128xf32>
    %add3A = arith.addf %get3A_4, %get3A_7 : vector<1250x128xf32>
    %get3A_8 = arith.constant 0 : index
    %get3A_9 = arith.constant 0 : index
    %get3A_10 = vector.load %arg2[%get3A_8, %get3A_9] : memref<1250x128xf32, #tpu.memory_space<vmem>>, vector<1250x128xf32>
    %sub3A = arith.subf %add3A, %get3A_10 : vector<1250x128xf32>
    %mul3A = arith.mulf %get3A_1, %sub3A : vector<1250x128xf32>
    %get3A_11 = arith.constant 0 : index
    %get3A_12 = arith.constant 0 : index
    %get3A_13 = vector.load %arg4[%get3A_11, %get3A_12] : memref<128x320xf32, #tpu.memory_space<vmem>>, vector<128x320xf32>
    %dot_general3A = arith.constant dense<0.000000e+00> : vector<1250x320xf32>
    %dot_general3A_14 = tpu.matmul %mul3A, %get3A_13, %dot_general3A {dimension_numbers = #tpu.dot_dimension_numbers<[1], [0], [0], [1], [0, 0, 1, 1], [], []>, transpose_lhs_hint = false} : vector<1250x128xf32>, vector<128x320xf32>, vector<1250x320xf32> -> vector<1250x320xf32>
    %get3A_15 = arith.constant 0 : index
    %get3A_16 = arith.constant 0 : index
    %get3A_17 = vector.load %arg5[%get3A_15, %get3A_16] : memref<1x320xf32, #tpu.memory_space<vmem>>, vector<1x320xf32>
    %add3A_18 = vector.broadcast %get3A_17 : vector<1x320xf32> to vector<1250x320xf32>
    %add3A_19 = arith.addf %dot_general3A_14, %add3A_18 : vector<1250x320xf32>
    %swap3A = arith.constant 0 : index
    %swap3A_20 = arith.constant 0 : index
    %swap3A_21 = vector.load %arg6[%swap3A, %swap3A_20] : memref<1250x320xf32, #tpu.memory_space<vmem>>, vector<1250x320xf32>
    tpu.vector_store %arg6[%swap3A, %swap3A_20], %add3A_19 {strides = array<i32>} : memref<1250x320xf32, #tpu.memory_space<vmem>>, vector<1250x320xf32>,
    return
  }
}

</mosaic_0001>

<sc_bundles>
// kernel: kernel.12.cloned.1.call-start
scs
__scs_entry_jumppad:
0x0: {  	(pc) =	sbr.rel $0x88, $3  }
0x1: {  	(tag) =	ssettag $0x0;
	lr =	simm.s32 $0x1  }
0x2: {  	[smem:$0x3F9B] =	sst lr;
	_ =	strace $0xD0000000  }
0x3: {  	_ = 	snop  }
0x4: {  	_ = 	snop  }
0x5: {  	_ = 	snop  }
0x6: {  	_ = 	snop  }
0x7: {  	_ = 	snop  }
__scs_overlays_trampoline_lowered:
0x8: {  	[smem:$0x3FAA] =	sst s0  }
0x9: {  	[smem:$0x3FAB] =	sst s1  }
0xa: {  	[smem:$0x3FAC] =	sst s2  }
0xb: {  	[smem:$0x3FAD] =	sst s3  }
0xc: {  	[smem:$0x3FAE] =	sst s4  }
0xd: {  	[smem:$0x3FAF] =	sst s5  }
0xe: {  	[smem:$0x3FB0] =	sst s6  }
0xf: {  	[smem:$0x3FB1] =	sst s7  }
0x10: {  	[smem:$0x3FB2] =	sst s8  }
0x11: {  	[smem:$0x3FB3] =	sst s9;
	s0 =	simm.s32 @!p0 $0x0  }
0x12: {  	s1 =	sld [smem:$0x3F99];
	s0 =	simm.s32 @p0 $0x1  }
0x13: {  	[smem:$0x3FB4] =	sst s0;
	s0 =	simm.s32 @!p1 $0x0  }
0x14: {  	s2 =	sld [smem:$0x3F98];
	s0 =	simm.s32 @p1 $0x1  }
0x15: {  	[smem:$0x3FB5] =	sst s0;
	s0 =	simm.s32 @!p2 $0x0  }
0x16: {  	s3 =	sld [smem:$0x3FDB];
	s0 =	simm.s32 @p2 $0x1  }
0x17: {  	s4 =	simm.s32 $0x1BF5;
	[smem:$0x3FB7] =	sst s0  }
0x18: {  	s0 =	sld [smem:$0x3F9A];
	_ =	swait.ge [sflag:s4], $0x0  }
0x19: {  	s7 =	sld [smem:$0x3F9B]  }
0x1a: {  	s8 =	sadd.s32 $0xFFFFE003, lr  }
0x1b: {  	s9 =	sadd.s32 $0xFFFFFEF7, lr;
	s5 =	simm.s32 $0xFFFFFFFF;
	p2 =	slt.u32 s8, $0xFFFFF086  }
0x1c: {  	p1 =	slt.u32 s9, $0xF7A;
	s5 =	simm.s32 @!p2 $0x0  }
0x1d: {  	s5 =	simm.s32 @p1 $0x1;
	p0 =	seq.s32 s7, s2  }
0x1e: {  	s7 =	smul.u32 @!p0 $0xF7A, s2;
	p2 =	seq.s32 @!p0 s5, $0x0  }
0x1f: {  	s9 =	smul.u32 $0xF7A, s1;
	s8 =	simm.s32 @!p0 $0x1BF5;
	p2 =	por !p2, p0  }
0x20: {  	[sflag:s8] =	ssyncset.s32 @!p0 $0xFFFFF086;
	s6 =	sadd.s32 @!p0 s3, s7;
	s7 =	simm.s32 @!p0 $0x108  }
0x21: {  	s3 =	sadd.s32 s3, s9;
	s6 =	sadd.s32 @!p0 $0x88, s6;
	s7 =	simm.s32 @p2 $0x1082  }
0x22: {  	[simem:s7], [sflag:s8] =	dma.local @!p0 [hbm:s6], $0xF7A  }
0x23: {  	s9 =	sor.u32 $0xD0000000, s2;
	s6 =	simm.s32 $0x108;
	_ =	swait.ge @!p0 [sflag:s8], $0x0  }
0x24: {  	s3 =	sadd.s32 $0x88, s3;
	s6 =	simm.s32 @!p1 $0x1082;
	[sflag:s4] =	ssyncset.s32 $0xFFFFF086  }
0x25: {  	[simem:s6], [sflag:s4] =	dma.local [hbm:s3], $0xF7A  }
0x26: {  	[smem:$0x3F9B] =	sst s1;
	(tag) =	ssettag s2;
	_ =	strace s9  }
0x27: {  	s1 =	sld [smem:$0x3FAB]  }
0x28: {  	s2 =	sld [smem:$0x3FAC]  }
0x29: {  	s4 =	sld [smem:$0x3FAE]  }
0x2a: {  	p0 =	seq.s32 s5, $0x0;
	s5 =	sld [smem:$0x3FAF]  }
0x2b: {  	s6 =	sld [smem:$0x3FB0]  }
0x2c: {  	s7 =	sld [smem:$0x3FB1]  }
0x2d: {  	s3 =	simm.s32 $0x108;
	s8 =	sld [smem:$0x3FB2]  }
0x2e: {  	s3 =	simm.s32 @!p0 $0x1082;
	s9 =	sld [smem:$0x3FB3]  }
0x2f: {  	lr =	sadd.s32 s0, s3;
	s0 =	sld [smem:$0x3FAA]  }
0x30: {  	s3 =	sld [smem:$0x3FAD]  }
0x31: {  	[smem:$0x3FB6] =	sst s10  }
0x32: {  	s10 =	sld [smem:$0x3FB4];
	_ =	sdelay $0x3  }
0x33: {  	p0 =	seq.s32 s10, $0x1;
	s10 =	sld [smem:$0x3FB6];
	_ =	sdelay $0x3  }
0x34: {  	[smem:$0x3FB6] =	sst s10  }
0x35: {  	s10 =	sld [smem:$0x3FB5];
	_ =	sdelay $0x3  }
0x36: {  	p1 =	seq.s32 s10, $0x1;
	s10 =	sld [smem:$0x3FB6];
	_ =	sdelay $0x3  }
0x37: {  	[smem:$0x3FB6] =	sst s10  }
0x38: {  	s10 =	sld [smem:$0x3FB7]  }
0x39: {  	_ = 	snop;
	(pc) =	sbr.ind lr, $3  }
0x3a: {  	_ = 	snop  }
0x3b: {  	_ = 	snop  }
0x3c: {  	p2 =	seq.s32 s10, $0x1;
	s10 =	sld [smem:$0x3FB6]  }
0x3d: {  	_ =	shalt  }
0x3e: {  	_ =	shalt  }
0x3f: {  	_ =	shalt  }
0x40: {  	_ =	shalt  }
0x41: {  	_ =	shalt  }
0x42: {  	_ =	shalt  }
0x43: {  	_ =	shalt  }
0x44: {  	_ =	shalt  }
0x45: {  	_ =	shalt  }
0x46: {  	_ =	shalt  }
0x47: {  	_ =	shalt  }
0x48: {  	_ =	shalt  }
0x49: {  	_ =	shalt  }
0x4a: {  	_ =	shalt  }
0x4b: {  	_ =	shalt  }
0x4c: {  	_ =	shalt  }
0x4d: {  	_ =	shalt  }
0x4e: {  	_ =	shalt  }
0x4f: {  	_ =	shalt  }
0x50: {  	_ =	shalt  }
0x51: {  	_ =	shalt  }
0x52: {  	_ =	shalt  }
0x53: {  	_ =	shalt  }
0x54: {  	_ =	shalt  }
0x55: {  	_ =	shalt  }
0x56: {  	_ =	shalt  }
0x57: {  	_ =	shalt  }
0x58: {  	_ =	shalt  }
0x59: {  	_ =	shalt  }
0x5a: {  	_ =	shalt  }
0x5b: {  	_ =	shalt  }
0x5c: {  	_ =	shalt  }
0x5d: {  	_ =	shalt  }
0x5e: {  	_ =	shalt  }
0x5f: {  	_ =	shalt  }
0x60: {  	_ =	shalt  }
0x61: {  	_ =	shalt  }
0x62: {  	_ =	shalt  }
0x63: {  	_ =	shalt  }
0x64: {  	_ =	shalt  }
0x65: {  	_ =	shalt  }
0x66: {  	_ =	shalt  }
0x67: {  	_ =	shalt  }
0x68: {  	_ =	shalt  }
0x69: {  	_ =	shalt  }
0x6a: {  	_ =	shalt  }
0x6b: {  	_ =	shalt  }
0x6c: {  	_ =	shalt  }
0x6d: {  	_ =	shalt  }
0x6e: {  	_ =	shalt  }
0x6f: {  	_ =	shalt  }
0x70: {  	_ =	shalt  }
0x71: {  	_ =	shalt  }
0x72: {  	_ =	shalt  }
0x73: {  	_ =	shalt  }
0x74: {  	_ =	shalt  }
0x75: {  	_ =	shalt  }
0x76: {  	_ =	shalt  }
0x77: {  	_ =	shalt  }
0x78: {  	_ =	shalt  }
0x79: {  	_ =	shalt  }
0x7a: {  	_ =	shalt  }
0x7b: {  	_ =	shalt  }
0x7c: {  	_ =	shalt  }
0x7d: {  	_ =	shalt  }
0x7e: {  	_ =	shalt  }
0x7f: {  	_ =	shalt  }
0x80: {  	_ =	shalt  }
0x81: {  	_ =	shalt  }
0x82: {  	_ =	shalt  }
0x83: {  	_ =	shalt  }
0x84: {  	_ =	shalt  }
0x85: {  	_ =	shalt  }
0x86: {  	_ =	shalt  }
0x87: {  	_ =	shalt  }
.Lfunc_end0:
.L_simem_size_0:
called_computation.1_lowered:
.L_overlay_start_0:
0x88: {  	s2 =	sld [smem:$0x3FD9]  }
0x89: {  	s3 =	sld [smem:$0x3FFE];
	_ =	sdelay $0x1  }
0x8a: {  	s1 =	srdreg.scid  }
0x8b: {  	s0 =	sand.u32 $0x1, s1  }
0x8c: {  	s17 =	sshll.u32 s0, $0xA;
	s2 =	sadd.s32 s3, s2  }
0x8d: {  	s2 =	sadd.s32 s2, s17  }
0x8e: {  	[smem:$0x3FC2] =	sst s2  }
0x8f: {  	_ = 	snop  }
0x90: {  	s2 =	sld [smem:$0x3FD0];
	(tm) =	ssettm $0x1  }
0x91: {  	s18 =	sld [smem:$0x3FFB];
	_ =	sdelay $0x3  }
0x92: {  	_ =	strace s18  }
0x93: {  	s3 =	sld [smem:$0x3FFC];
	_ =	sdelay $0x3  }
0x94: {  	_ =	strace s3  }
0x95: {  	s3 =	sld [smem:$0x3FFD];
	_ =	sdelay $0x3  }
0x96: {  	_ =	strace s3  }
0x97: {  	_ =	strace $0x8FFFFFFF  }
0x98: {  	s19 =	sld [smem:$0x3FDB];
	_ =	sdelay $0x1  }
0x99: {  	s4 =	simm.s32 $_scs_section_size  }
0x9a: {  	s5 =	simm.s32 $_size__tile_overlayer_lowered;
	s6 =	simm.s32 $_tile_overlayer_lowered  }
0x9b: {  	s22 =	simm.s32 $0x1BFF;
	s21 =	sshll.u32 s6, $0x1;
	s3 =	sadd.s32 s4, s19  }
0x9c: {  	s7 =	simm.s32 $0x0;
	s20 =	sshll.u32 s5, $0x1;
	s5 =	sadd.s32 s21, s3  }
0x9d: {  	[timem:s7], [sflag:s22] =	dma.local [hbm:s5], s20  }
0x9e: {  	_ =	swait.ge [sflag:s22], s20  }
0x9f: {  	s4 =	ssub.s32 $0x0, s20;
	[sflag:s22] =	ssyncset.done $0x0  }
0xa0: {  	[sflag:s22] =	ssyncadd.s32 s4;
	_ =	sdelay $0x1  }
0xa1: {  	s23 =	simm.s32 $0x1B8B  }
0xa2: {  	_ =	swait.ge [sflag:s23], $0x1  }
0xa3: {  	[sflag:s23] =	ssyncset.done $0x0  }
0xa4: {  	s25 =	simm.s32 $0x1B8E;
	s24 =	sld [smem:$0x3FFE];
	[sflag:s23] =	ssyncadd.s32 $0xFFFFFFFF  }
0xa5: {  	s26 =	simm.s32 $execute0_lowered;
	[smem:$0x3FD2] =	sst s25  }
0xa6: {  	s5 =	sshll.u32 s26, $0x1;
	_ =	strace $0x80000049;
	[dreg:$0x1] =	wrdreg $0xFFFFFFFF  }
0xa7: {  	s28 =	simm.s32 $_size_execute0_lowered;
	s3 =	sadd.s32 s3, s5;
	[dreg:$0x0] =	wrdreg $0x0  }
0xa8: {  	s5 =	sshll.u32 s28, $0x1;
	[dreg:$0x2] =	wrdreg s3  }
0xa9: {  	[dreg:$0x3] =	wrdreg s5  }
0xaa: {  	[dreg:$0x4] =	wrdreg $0xC0  }
0xab: {  	_ =	task [dreg:s7], $0x5FFFF  }
0xac: {  	[dreg:$0x1] =	wrdreg $0xFFFFFFFF  }
0xad: {  	[dreg:$0x0] =	wrdreg $0x60  }
0xae: {  	[dreg:$0x2] =	wrdreg s2  }
0xaf: {  	[dreg:$0x3] =	wrdreg s24  }
0xb0: {  	[dreg:$0x4] =	wrdreg $0x148200  }
0xb1: {  	[dreg:$0x5] =	wrdreg $0x9  }
0xb2: {  	_ =	task.clear_ibuf [dreg:s7], $0x6FFFF;
	_ =	strace $0x90000049  }
0xb3: {  	s29 =	simm.s32 $0x9;
	_ =	strace $0x8000004B  }
0xb4: {  	_ =	swait.ge [sflag:s29], $0x1  }
0xb5: {  	[sflag:s29] =	ssyncadd.s32 $0xFFFFFFFF  }
0xb6: {  	_ =	strace $0x9000004B  }
0xb7: {  	_ =	sfence  }
0xb8: {  	s30 =	sld [smem:$0x0];
	_ =	sdelay $0x2  }
0xb9: {  	s31 =	sshll.u32 s1, $0xD;
	s1 =	sshrl.u32 s1, $0x2  }
0xba: {  	s3 =	sand.u32 $0x4000, s31;
	s1 =	sadd.s32 s1, s30  }
0xbb: {  	s0 =	sor.u32 s3, s0;
	s1 =	sshll.u32 s1, $0x11  }
0xbc: {  	s0 =	sor.u32 s1, s0  }
0xbd: {  	s0 =	sadd.s32 $0x8F2B, s0  }
0xbe: {  	[sflag:s0] =	ssyncadd.remote.s32 $0x1  }
0xbf: {  	_ =	sfence.sel $0xFFFF  }
0xc0: {  	[dreg:$0x0] =	wrdreg $0xFFFFFFFF;
	(pc) =	sbr.abs _section_cstart, $3  }
0xc1: {  	[dreg:$0x1] =	wrdreg $0xFFFFFFFF  }
0xc2: {  	_ =	task.clear_ibuf [dreg:s7], $0x2FFFF;
	_ =	strace $0x9FFFFFFF  }
0xc3: {  	(tm) =	ssettm $0x7FFFFFFF  }
tec
execute0_lowered:
.L_overlay_start_1:
0x0: {  	(tag) =	ssettag $0x1  }
0x1: {  	s3 =	rddreg [dreg:$0x0]  }
0x2: {  	s0 =	srdreg.scid;
	s1 =	rddreg [dreg:$0x1]  }
0x3: {  	s14 =	stileid.u32;
	s2 =	rddreg [dreg:$0x2];
	s19 =	simm.s32 $0x0  }
0x4: {  	s29 =	simm.s32 $0x2710;
	s23 =	simm.s32 $0x7D0;
	s13 =	simm.s32 $0xCB20  }
0x5: {  	s24 =	simm.s32 $0xBB8;
	s12 =	simm.s32 $0x109A0;
	s25 =	simm.s32 $0xFA0  }
0x6: {  	s11 =	simm.s32 $0x1;
	s26 =	simm.s32 $0x2AF8;
	s10 =	simm.s32 $0x2  }
0x7: {  	s16 =	simm.s32 $0x3;
	s31 =	simm.s32 $0x2EE0;
	s30 =	simm.s32 $0x1770  }
0x8: {  	s15 =	simm.s32 $0x4;
	s28 =	simm.s32 $0x32C8;
	s17 =	simm.s32 $0x4A38  }
0x9: {  	s0 =	sand.u32 $0x1, s0;
	s4 =	sshll.u32 s14, $0x1;
	[smem:$0x7FF] =	sst s19  }
0xa: {  	s5 =	smul.u32 $0x2710, s14;
	_ =	strace $0x8000004A;
	[dreg:$0x8] =	wrdreg s23  }
0xb: {  	s20 =	sshll.u32 s14, $0x6;
	s4 =	sor.u32 s0, s4;
	[dreg:$0x9] =	wrdreg s24  }
0xc: {  	s6 =	ssub.s32 $0x2, s0;
	p0 =	seq.s32 s0, $0x1;
	[dreg:$0xa] =	wrdreg s25  }
0xd: {  	s0 =	simm.s32 $0x1B800;
	[dreg:$0xb] =	wrdreg s26;
	s26 =	simm.s32 $0x1B58  }
0xe: {  	s25 =	simm.s32 $0x36B0;
	s23 =	simm.s32 $0x1F40;
	s24 =	simm.s32 $0x3A98  }
0xf: {  	s4 =	smul.u32 $0x2710, s4;
	s7 =	sshrl.u32 s6, $0x1;
	s8 =	sshrl.u32 s5, $0x3  }
0x10: {  	s5 =	sadd.s32 s5, s2;
	s0 =	simm.s32 @!p0 $0x16800;
	p0 =	por $0x0, $0x0  }
0x11: {  	s6 =	ssub.s32 s6, s7;
	s18 =	sadd.s32 s3, s8;
	s0 =	sadd.s32 s0, s1  }
0x12: {  	s7 =	simm.s32 $0x3E8;
	s4 =	sshrl.u32 s4, $0x3;
	[dreg:$0x4] =	wrdreg s18  }
0x13: {  	s0 =	sadd.s32 s0, s8;
	s22 =	smax.u32 s6, $0x1;
	s6 =	sshrl.u32 s5, $0x3  }
0x14: {  	s5 =	simm.s32 $0x5;
	s8 =	simm.s32 $0x8CA0;
	p1 =	sne.s32 s22, $0x1  }
.Ltmp0:
0x15: {  	s18 =	simm.s32 $0x4650;
	s4 =	sadd.s32 s4, s1;
	(pc) =	sbr.rel @!p1 .LBB2_1-.Ltmp0, $4  }
0x16: {  	[dreg:$0x7] =	wrdreg s0;
	s1 =	sadd.s32 $0xFFFFFFFF, s22;
	s22 =	simm.s32 $0x2328  }
0x17: {  	s0 =	rddreg [dreg:$0x4];
	s9 =	sadd.s32 $0x2E00, s4;
	s21 =	sadd.s32 $0xCA40, s4  }
0x18: {  	s4 =	sor.u32 $0x1C05, s20;
	s20 =	simm.s32 $0x4268;
	[dreg:$0x5] =	wrdreg s9  }
0x19: {  	[dreg:$0x6] =	wrdreg s21;
	s9 =	simm.s32 $0x4E20;
	s21 =	simm.s32 $0x3E80  }
0x1a: {  	[spmem:s6], [sflag:s4] =	dma.local [hbm:s0], $0x4E2  }
0x1b: {  	_ =	swait.ge [sflag:s5], $0x4E2  }
0x1c: {  	[sflag:s5] =	ssyncset.done $0x0  }
0x1d: {  	s14 =	rddreg [dreg:$0x5];
	[sflag:s5] =	ssyncadd.s32 $0xFFFFFB1E  }
0x1e: {  	[tilespmem:s19], [sflag:$0x5] =	stream.linear.gather [hbm4b:s14+s19], $0x2710, $0x38;
	[tilespmem:$0x16F30] =	vst v63  }
0x1f: {  	_ =	swait.ge [sflag:s5], $0x2710  }
0x20: {  	[sflag:s5] =	ssyncset.done $0x0  }
0x21: {  	s14 =	rddreg [dreg:$0x6];
	[sflag:s5] =	ssyncadd.s32 $0xFFFFD8F0  }
0x22: {  	[tilespmem:s29], [sflag:$0x5] =	stream.linear.gather [hbm4b:s14+s19], $0x2710, $0x38;
	[tilespmem:$0x16F30] =	vst v63  }
0x23: {  	_ =	swait.ge [sflag:s5], $0x2710  }
0x24: {  	[sflag:s5] =	ssyncset.done $0x0  }
0x25: {  	[sflag:s5] =	ssyncadd.s32 $0xFFFFD8F0  }
0x26: {  	[bflag:$0x0] =	sbarrier.arrive $0xFFFF  }
0x27: {  	[tilespmem:s9], [sflag:$0x1] =	stream.indirect.gather [hbm4b:s3+s7], $0x10, s19, s7, $0xb8;
	[tilespmem:$0x16F30] =	vst v63  }
0x28: {  	_ = 	snop  }
0x29: {  	[tilespmem:s8], [sflag:$0x2] =	stream.indirect.gather [hbm4b:s3+s7], $0x10, s7, s7, $0xb8;
	[tilespmem:$0x16F30] =	vst v63  }
0x2a: {  	s0 =	rddreg [dreg:$0x8]  }
0x2b: {  	[tilespmem:s13], [sflag:$0x3] =	stream.indirect.gather [hbm4b:s3+s7], $0x10, s0, s7, $0xb8;
	[tilespmem:$0x16F30] =	vst v63  }
0x2c: {  	s14 =	smov.u32 s1;
	s1 =	rddreg [dreg:$0x9]  }
0x2d: {  	[tilespmem:s12], [sflag:$0x4] =	stream.indirect.gather [hbm4b:s3+s7], $0x10, s1, s7, $0xb8;
	[tilespmem:$0x16F30] =	vst v63  }
0x2e: {  	_ =	swait.ge [sflag:s11], $0x3E80  }
0x2f: {  	[sflag:s11] =	ssyncset.done $0x0  }
0x30: {  	[sflag:s11] =	ssyncadd.s32 $0xFFFFC180  }
0x31: {  	[spmem:s2] =	stream.indirect.scatter.add.f32 [tilespmem:s9], [sflag:$0x5], $0x10, s29, s7, $0xb8;
	[tilespmem:$0x16F30] =	vst v63  }
0x32: {  	_ =	swait.ge [sflag:s5], $0x3E80  }
0x33: {  	[sflag:s5] =	ssyncset.done $0x0  }
0x34: {  	s1 =	rddreg [dreg:$0xa];
	[sflag:s5] =	ssyncadd.s32 $0xFFFFC180  }
0x35: {  	[tilespmem:s9], [sflag:$0x1] =	stream.indirect.gather [hbm4b:s3+s7], $0x10, s1, s7, $0xb8;
	[tilespmem:$0x16F30] =	vst v63  }
0x36: {  	_ =	swait.ge [sflag:s10], $0x3E80  }
0x37: {  	[sflag:s10] =	ssyncset.done $0x0  }
0x38: {  	s1 =	rddreg [dreg:$0xb];
	[sflag:s10] =	ssyncadd.s32 $0xFFFFC180  }
0x39: {  	[spmem:s2] =	stream.indirect.scatter.add.f32 [tilespmem:s8], [sflag:$0x5], $0x10, s1, s7, $0xb8;
	[tilespmem:$0x16F30] =	vst v63  }
0x3a: {  	_ =	swait.ge [sflag:s5], $0x3E80  }
0x3b: {  	[sflag:s5] =	ssyncset.done $0x0  }
0x3c: {  	s1 =	simm.s32 $0x1388;
	[sflag:s5] =	ssyncadd.s32 $0xFFFFC180  }
0x3d: {  	[tilespmem:s8], [sflag:$0x2] =	stream.indirect.gather [hbm4b:s3+s7], $0x10, s1, s7, $0xb8;
	[tilespmem:$0x16F30] =	vst v63  }
0x3e: {  	_ =	swait.ge [sflag:s16], $0x3E80  }
0x3f: {  	[sflag:s16] =	ssyncset.done $0x0  }
0x40: {  	[sflag:s16] =	ssyncadd.s32 $0xFFFFC180  }
0x41: {  	[spmem:s2] =	stream.indirect.scatter.add.f32 [tilespmem:s13], [sflag:$0x5], $0x10, s31, s7, $0xb8;
	[tilespmem:$0x16F30] =	vst v63  }
0x42: {  	_ =	swait.ge [sflag:s5], $0x3E80  }
0x43: {  	[sflag:s5] =	ssyncset.done $0x0  }
0x44: {  	[sflag:s5] =	ssyncadd.s32 $0xFFFFC180  }
0x45: {  	[tilespmem:s13], [sflag:$0x3] =	stream.indirect.gather [hbm4b:s3+s7], $0x10, s30, s7, $0xb8;
	[tilespmem:$0x16F30] =	vst v63  }
0x46: {  	_ =	swait.ge [sflag:s15], $0x3E80  }
0x47: {  	[sflag:s15] =	ssyncset.done $0x0  }
0x48: {  	[sflag:s15] =	ssyncadd.s32 $0xFFFFC180  }
0x49: {  	[spmem:s2] =	stream.indirect.scatter.add.f32 [tilespmem:s12], [sflag:$0x5], $0x10, s28, s7, $0xb8;
	[tilespmem:$0x16F30] =	vst v63  }
0x4a: {  	_ =	swait.ge [sflag:s5], $0x3E80  }
0x4b: {  	[sflag:s5] =	ssyncset.done $0x0  }
0x4c: {  	[sflag:s5] =	ssyncadd.s32 $0xFFFFC180  }
0x4d: {  	[tilespmem:s12], [sflag:$0x4] =	stream.indirect.gather [hbm4b:s3+s7], $0x10, s26, s7, $0xb8;
	[tilespmem:$0x16F30] =	vst v63  }
0x4e: {  	_ =	swait.ge [sflag:s11], $0x3E80  }
0x4f: {  	[sflag:s11] =	ssyncset.done $0x0  }
0x50: {  	[sflag:s11] =	ssyncadd.s32 $0xFFFFC180  }
0x51: {  	[spmem:s2] =	stream.indirect.scatter.add.f32 [tilespmem:s9], [sflag:$0x5], $0x10, s25, s7, $0xb8;
	[tilespmem:$0x16F30] =	vst v63  }
0x52: {  	_ =	swait.ge [sflag:s5], $0x3E80  }
0x53: {  	[sflag:s5] =	ssyncset.done $0x0  }
0x54: {  	[sflag:s5] =	ssyncadd.s32 $0xFFFFC180  }
0x55: {  	[tilespmem:s9], [sflag:$0x1] =	stream.indirect.gather [hbm4b:s3+s7], $0x10, s23, s7, $0xb8;
	[tilespmem:$0x16F30] =	vst v63  }
0x56: {  	_ =	swait.ge [sflag:s10], $0x3E80  }
0x57: {  	[sflag:s10] =	ssyncset.done $0x0  }
0x58: {  	[sflag:s10] =	ssyncadd.s32 $0xFFFFC180  }
0x59: {  	[spmem:s2] =	stream.indirect.scatter.add.f32 [tilespmem:s8], [sflag:$0x5], $0x10, s24, s7, $0xb8;
	[tilespmem:$0x16F30] =	vst v63  }
0x5a: {  	_ =	swait.ge [sflag:s5], $0x3E80  }
0x5b: {  	[sflag:s5] =	ssyncset.done $0x0  }
0x5c: {  	[sflag:s5] =	ssyncadd.s32 $0xFFFFC180  }
0x5d: {  	[tilespmem:s8], [sflag:$0x2] =	stream.indirect.gather [hbm4b:s3+s7], $0x10, s22, s7, $0xb8;
	[tilespmem:$0x16F30] =	vst v63  }
0x5e: {  	_ =	swait.ge [sflag:s16], $0x3E80  }
0x5f: {  	[sflag:s16] =	ssyncset.done $0x0  }
0x60: {  	[sflag:s16] =	ssyncadd.s32 $0xFFFFC180  }
0x61: {  	[spmem:s2] =	stream.indirect.scatter.add.f32 [tilespmem:s13], [sflag:$0x5], $0x10, s21, s7, $0xb8;
	[tilespmem:$0x16F30] =	vst v63  }
0x62: {  	_ =	swait.ge [sflag:s5], $0x3E80  }
0x63: {  	[sflag:s5] =	ssyncset.done $0x0  }
0x64: {  	[sflag:s5] =	ssyncadd.s32 $0xFFFFC180  }
0x65: {  	_ =	swait.ge [sflag:s15], $0x3E80  }
0x66: {  	[sflag:s15] =	ssyncset.done $0x0  }
0x67: {  	[sflag:s15] =	ssyncadd.s32 $0xFFFFC180  }
0x68: {  	[spmem:s2] =	stream.indirect.scatter.add.f32 [tilespmem:s12], [sflag:$0x5], $0x10, s20, s7, $0xb8;
	[tilespmem:$0x16F30] =	vst v63  }
0x69: {  	_ =	swait.ge [sflag:s5], $0x3E80  }
0x6a: {  	[sflag:s5] =	ssyncset.done $0x0  }
0x6b: {  	[sflag:s5] =	ssyncadd.s32 $0xFFFFC180  }
0x6c: {  	_ =	swait.ge [sflag:s11], $0x3E80  }
0x6d: {  	[sflag:s11] =	ssyncset.done $0x0  }
0x6e: {  	[sflag:s11] =	ssyncadd.s32 $0xFFFFC180  }
0x6f: {  	[spmem:s2] =	stream.indirect.scatter.add.f32 [tilespmem:s9], [sflag:$0x5], $0x10, s18, s7, $0xb8;
	[tilespmem:$0x16F30] =	vst v63  }
0x70: {  	_ =	swait.ge [sflag:s5], $0x3E80  }
0x71: {  	[sflag:s5] =	ssyncset.done $0x0  }
0x72: {  	[sflag:s5] =	ssyncadd.s32 $0xFFFFC180  }
0x73: {  	_ =	swait.ge [sflag:s10], $0x3E80  }
0x74: {  	[sflag:s10] =	ssyncset.done $0x0  }
0x75: {  	[sflag:s10] =	ssyncadd.s32 $0xFFFFC180  }
0x76: {  	[spmem:s2] =	stream.indirect.scatter.add.f32 [tilespmem:s8], [sflag:$0x5], $0x10, s17, s7, $0xb8;
	[tilespmem:$0x16F30] =	vst v63  }
0x77: {  	_ =	swait.ge [sflag:s5], $0x3E80  }
0x78: {  	[sflag:s5] =	ssyncset.done $0x0  }
0x79: {  	p1 =	sne.s32 s14, $0x1;
	[sflag:s5] =	ssyncadd.s32 $0xFFFFC180  }
.Ltmp1:
0x7a: {  	[bflag:$0x0] =	sbarrier.arrive $0xFFFF;
	(pc) =	sbr.rel @!p1 .LBB2_3-.Ltmp1, $4  }
0x7b: {  	s1 =	rddreg [dreg:$0x7]  }
0x7c: {  	[hbm:s1], [sflag:s4] =	dma.local [spmem:s6], $0x4E2  }
0x7d: {  	p0 =	por $0x1, $0x1;
	_ =	swait.ge [sflag:s5], $0x4E2  }
0x7e: {  	s1 =	sadd.s32 $0xFFFFFFFF, s14;
	s0 =	rddreg [dreg:$0x4];
	[sflag:s5] =	ssyncset.done $0x0  }
.LBB2_4:
0x7f: {  	[sflag:s5] =	ssyncadd.s32 $0xFFFFFB1E  }
0x80: {  	[spmem:s6], [sflag:s4] =	dma.local [hbm:s0], $0x4E2  }
0x81: {  	_ =	swait.ge [sflag:s5], $0x4E2  }
0x82: {  	[sflag:s5] =	ssyncset.done $0x0  }
0x83: {  	s14 =	rddreg [dreg:$0x5];
	[sflag:s5] =	ssyncadd.s32 $0xFFFFFB1E  }
0x84: {  	[tilespmem:s19], [sflag:$0x5] =	stream.linear.gather [hbm4b:s14+s19], $0x2710, $0x38;
	[tilespmem:$0x16F30] =	vst v63  }
0x85: {  	_ =	swait.ge [sflag:s5], $0x2710  }
0x86: {  	[sflag:s5] =	ssyncset.done $0x0  }
0x87: {  	s14 =	rddreg [dreg:$0x6];
	[sflag:s5] =	ssyncadd.s32 $0xFFFFD8F0  }
0x88: {  	[tilespmem:s29], [sflag:$0x5] =	stream.linear.gather [hbm4b:s14+s19], $0x2710, $0x38;
	[tilespmem:$0x16F30] =	vst v63  }
0x89: {  	_ =	swait.ge [sflag:s5], $0x2710  }
0x8a: {  	[sflag:s5] =	ssyncset.done $0x0  }
0x8b: {  	[sflag:s5] =	ssyncadd.s32 $0xFFFFD8F0  }
0x8c: {  	[bflag:$0x0] =	sbarrier.arrive $0xFFFF  }
0x8d: {  	[tilespmem:s9], [sflag:$0x1] =	stream.indirect.gather [hbm4b:s3+s7], $0x10, s19, s7, $0xb8;
	[tilespmem:$0x16F30] =	vst v63  }
0x8e: {  	_ = 	snop  }
0x8f: {  	[tilespmem:s8], [sflag:$0x2] =	stream.indirect.gather [hbm4b:s3+s7], $0x10, s7, s7, $0xb8;
	[tilespmem:$0x16F30] =	vst v63  }
0x90: {  	s0 =	rddreg [dreg:$0x8]  }
0x91: {  	[tilespmem:s13], [sflag:$0x3] =	stream.indirect.gather [hbm4b:s3+s7], $0x10, s0, s7, $0xb8;
	[tilespmem:$0x16F30] =	vst v63  }
0x92: {  	s14 =	rddreg [dreg:$0x9]  }
0x93: {  	[tilespmem:s12], [sflag:$0x4] =	stream.indirect.gather [hbm4b:s3+s7], $0x10, s14, s7, $0xb8;
	[tilespmem:$0x16F30] =	vst v63  }
0x94: {  	_ =	swait.ge [sflag:s11], $0x3E80  }
0x95: {  	[sflag:s11] =	ssyncset.done $0x0  }
0x96: {  	[sflag:s11] =	ssyncadd.s32 $0xFFFFC180  }
0x97: {  	[spmem:s2] =	stream.indirect.scatter.add.f32 [tilespmem:s9], [sflag:$0x5], $0x10, s29, s7, $0xb8;
	[tilespmem:$0x16F30] =	vst v63  }
0x98: {  	_ =	swait.ge [sflag:s5], $0x3E80  }
0x99: {  	[sflag:s5] =	ssyncset.done $0x0  }
0x9a: {  	s14 =	rddreg [dreg:$0xa];
	[sflag:s5] =	ssyncadd.s32 $0xFFFFC180  }
0x9b: {  	[tilespmem:s9], [sflag:$0x1] =	stream.indirect.gather [hbm4b:s3+s7], $0x10, s14, s7, $0xb8;
	[tilespmem:$0x16F30] =	vst v63  }
0x9c: {  	_ =	swait.ge [sflag:s10], $0x3E80  }
0x9d: {  	[sflag:s10] =	ssyncset.done $0x0  }
0x9e: {  	s14 =	rddreg [dreg:$0xb];
	[sflag:s10] =	ssyncadd.s32 $0xFFFFC180  }
0x9f: {  	[spmem:s2] =	stream.indirect.scatter.add.f32 [tilespmem:s8], [sflag:$0x5], $0x10, s14, s7, $0xb8;
	[tilespmem:$0x16F30] =	vst v63  }
0xa0: {  	_ =	swait.ge [sflag:s5], $0x3E80  }
0xa1: {  	[sflag:s5] =	ssyncset.done $0x0  }
0xa2: {  	s14 =	simm.s32 $0x1388;
	[sflag:s5] =	ssyncadd.s32 $0xFFFFC180  }
0xa3: {  	[tilespmem:s8], [sflag:$0x2] =	stream.indirect.gather [hbm4b:s3+s7], $0x10, s14, s7, $0xb8;
	[tilespmem:$0x16F30] =	vst v63  }
0xa4: {  	_ =	swait.ge [sflag:s16], $0x3E80  }
0xa5: {  	[sflag:s16] =	ssyncset.done $0x0  }
0xa6: {  	[sflag:s16] =	ssyncadd.s32 $0xFFFFC180  }
0xa7: {  	[spmem:s2] =	stream.indirect.scatter.add.f32 [tilespmem:s13], [sflag:$0x5], $0x10, s31, s7, $0xb8;
	[tilespmem:$0x16F30] =	vst v63  }
0xa8: {  	_ =	swait.ge [sflag:s5], $0x3E80  }
0xa9: {  	[sflag:s5] =	ssyncset.done $0x0  }
0xaa: {  	[sflag:s5] =	ssyncadd.s32 $0xFFFFC180  }
0xab: {  	[tilespmem:s13], [sflag:$0x3] =	stream.indirect.gather [hbm4b:s3+s7], $0x10, s30, s7, $0xb8;
	[tilespmem:$0x16F30] =	vst v63  }
0xac: {  	_ =	swait.ge [sflag:s15], $0x3E80  }
0xad: {  	[sflag:s15] =	ssyncset.done $0x0  }
0xae: {  	[sflag:s15] =	ssyncadd.s32 $0xFFFFC180  }
0xaf: {  	[spmem:s2] =	stream.indirect.scatter.add.f32 [tilespmem:s12], [sflag:$0x5], $0x10, s28, s7, $0xb8;
	[tilespmem:$0x16F30] =	vst v63  }
0xb0: {  	_ =	swait.ge [sflag:s5], $0x3E80  }
0xb1: {  	[sflag:s5] =	ssyncset.done $0x0  }
0xb2: {  	[sflag:s5] =	ssyncadd.s32 $0xFFFFC180  }
0xb3: {  	[tilespmem:s12], [sflag:$0x4] =	stream.indirect.gather [hbm4b:s3+s7], $0x10, s26, s7, $0xb8;
	[tilespmem:$0x16F30] =	vst v63  }
0xb4: {  	_ =	swait.ge [sflag:s11], $0x3E80  }
0xb5: {  	[sflag:s11] =	ssyncset.done $0x0  }
0xb6: {  	[sflag:s11] =	ssyncadd.s32 $0xFFFFC180  }
0xb7: {  	[spmem:s2] =	stream.indirect.scatter.add.f32 [tilespmem:s9], [sflag:$0x5], $0x10, s25, s7, $0xb8;
	[tilespmem:$0x16F30] =	vst v63  }
0xb8: {  	_ =	swait.ge [sflag:s5], $0x3E80  }
0xb9: {  	[sflag:s5] =	ssyncset.done $0x0  }
0xba: {  	[sflag:s5] =	ssyncadd.s32 $0xFFFFC180  }
0xbb: {  	[tilespmem:s9], [sflag:$0x1] =	stream.indirect.gather [hbm4b:s3+s7], $0x10, s23, s7, $0xb8;
	[tilespmem:$0x16F30] =	vst v63  }
0xbc: {  	_ =	swait.ge [sflag:s10], $0x3E80  }
0xbd: {  	[sflag:s10] =	ssyncset.done $0x0  }
0xbe: {  	[sflag:s10] =	ssyncadd.s32 $0xFFFFC180  }
0xbf: {  	[spmem:s2] =	stream.indirect.scatter.add.f32 [tilespmem:s8], [sflag:$0x5], $0x10, s24, s7, $0xb8;
	[tilespmem:$0x16F30] =	vst v63  }
0xc0: {  	_ =	swait.ge [sflag:s5], $0x3E80  }
0xc1: {  	[sflag:s5] =	ssyncset.done $0x0  }
0xc2: {  	[sflag:s5] =	ssyncadd.s32 $0xFFFFC180  }
0xc3: {  	[tilespmem:s8], [sflag:$0x2] =	stream.indirect.gather [hbm4b:s3+s7], $0x10, s22, s7, $0xb8;
	[tilespmem:$0x16F30] =	vst v63  }
0xc4: {  	_ =	swait.ge [sflag:s16], $0x3E80  }
0xc5: {  	[sflag:s16] =	ssyncset.done $0x0  }
0xc6: {  	[sflag:s16] =	ssyncadd.s32 $0xFFFFC180  }
0xc7: {  	[spmem:s2] =	stream.indirect.scatter.add.f32 [tilespmem:s13], [sflag:$0x5], $0x10, s21, s7, $0xb8;
	[tilespmem:$0x16F30] =	vst v63  }
0xc8: {  	_ =	swait.ge [sflag:s5], $0x3E80  }
0xc9: {  	[sflag:s5] =	ssyncset.done $0x0  }
0xca: {  	[sflag:s5] =	ssyncadd.s32 $0xFFFFC180  }
0xcb: {  	_ =	swait.ge [sflag:s15], $0x3E80  }
0xcc: {  	[sflag:s15] =	ssyncset.done $0x0  }
0xcd: {  	[sflag:s15] =	ssyncadd.s32 $0xFFFFC180  }
0xce: {  	[spmem:s2] =	stream.indirect.scatter.add.f32 [tilespmem:s12], [sflag:$0x5], $0x10, s20, s7, $0xb8;
	[tilespmem:$0x16F30] =	vst v63  }
0xcf: {  	_ =	swait.ge [sflag:s5], $0x3E80  }
0xd0: {  	[sflag:s5] =	ssyncset.done $0x0  }
0xd1: {  	[sflag:s5] =	ssyncadd.s32 $0xFFFFC180  }
0xd2: {  	_ =	swait.ge [sflag:s11], $0x3E80  }
0xd3: {  	[sflag:s11] =	ssyncset.done $0x0  }
0xd4: {  	[sflag:s11] =	ssyncadd.s32 $0xFFFFC180  }
0xd5: {  	[spmem:s2] =	stream.indirect.scatter.add.f32 [tilespmem:s9], [sflag:$0x5], $0x10, s18, s7, $0xb8;
	[tilespmem:$0x16F30] =	vst v63  }
0xd6: {  	_ =	swait.ge [sflag:s5], $0x3E80  }
0xd7: {  	[sflag:s5] =	ssyncset.done $0x0  }
0xd8: {  	[sflag:s5] =	ssyncadd.s32 $0xFFFFC180  }
0xd9: {  	_ =	swait.ge [sflag:s10], $0x3E80  }
0xda: {  	[sflag:s10] =	ssyncset.done $0x0  }
0xdb: {  	[sflag:s10] =	ssyncadd.s32 $0xFFFFC180  }
0xdc: {  	[spmem:s2] =	stream.indirect.scatter.add.f32 [tilespmem:s8], [sflag:$0x5], $0x10, s17, s7, $0xb8;
	[tilespmem:$0x16F30] =	vst v63  }
0xdd: {  	_ =	swait.ge [sflag:s5], $0x3E80  }
0xde: {  	[sflag:s5] =	ssyncset.done $0x0  }
0xdf: {  	p1 =	sne.s32 s1, $0x1;
	[sflag:s5] =	ssyncadd.s32 $0xFFFFC180  }
.Ltmp2:
0xe0: {  	[bflag:$0x0] =	sbarrier.arrive $0xFFFF;
	(pc) =	sbr.rel @p1 .LBB2_4-.Ltmp2, $4  }
0xe1: {  	s14 =	rddreg [dreg:$0x7]  }
0xe2: {  	[hbm:s14], [sflag:s4] =	dma.local [spmem:s6], $0x4E2  }
0xe3: {  	_ =	swait.ge [sflag:s5], $0x4E2  }
0xe4: {  	s1 =	sadd.s32 $0xFFFFFFFF, s1;
	s0 =	rddreg [dreg:$0x4];
	[sflag:s5] =	ssyncset.done $0x0  }
0xe5: {  	s17 =	simm.s32 $0x1388  }
0xe6: {  	s31 =	simm.s32 $0x2EE0;
	s30 =	simm.s32 $0x1770;
	s28 =	simm.s32 $0x32C8  }
0xe7: {  	s26 =	simm.s32 $0x1B58;
	s25 =	simm.s32 $0x36B0;
	s24 =	simm.s32 $0x3A98  }
0xe8: {  	s23 =	simm.s32 $0x1F40;
	s22 =	simm.s32 $0x2328;
	s21 =	simm.s32 $0x3E80  }
0xe9: {  	s20 =	simm.s32 $0x4268;
	s18 =	simm.s32 $0x4650;
	s14 =	stileid.u32  }
.LBB2_6:
0xea: {  	[sflag:s5] =	ssyncadd.s32 @p0 $0xFFFFFB1E  }
0xeb: {  	[spmem:s6], [sflag:s4] =	dma.local [hbm:s0], $0x4E2  }
0xec: {  	_ =	swait.ge [sflag:s5], $0x4E2  }
0xed: {  	[sflag:s5] =	ssyncset.done $0x0  }
0xee: {  	s1 =	rddreg [dreg:$0x5];
	[sflag:s5] =	ssyncadd.s32 $0xFFFFFB1E  }
0xef: {  	[tilespmem:s19], [sflag:$0x5] =	stream.linear.gather [hbm4b:s1+s19], $0x2710, $0x38;
	[tilespmem:$0x16F30] =	vst v63  }
0xf0: {  	_ =	swait.ge [sflag:s5], $0x2710  }
0xf1: {  	[sflag:s5] =	ssyncset.done $0x0  }
0xf2: {  	s1 =	rddreg [dreg:$0x6];
	[sflag:s5] =	ssyncadd.s32 $0xFFFFD8F0  }
0xf3: {  	[tilespmem:s29], [sflag:$0x5] =	stream.linear.gather [hbm4b:s1+s19], $0x2710, $0x38;
	[tilespmem:$0x16F30] =	vst v63  }
0xf4: {  	_ =	swait.ge [sflag:s5], $0x2710  }
0xf5: {  	[sflag:s5] =	ssyncset.done $0x0  }
0xf6: {  	[sflag:s5] =	ssyncadd.s32 $0xFFFFD8F0  }
0xf7: {  	[bflag:$0x0] =	sbarrier.arrive $0xFFFF  }
0xf8: {  	[tilespmem:s9], [sflag:$0x1] =	stream.indirect.gather [hbm4b:s3+s7], $0x10, s19, s7, $0xb8;
	[tilespmem:$0x16F30] =	vst v63  }
0xf9: {  	_ = 	snop  }
0xfa: {  	[tilespmem:s8], [sflag:$0x2] =	stream.indirect.gather [hbm4b:s3+s7], $0x10, s7, s7, $0xb8;
	[tilespmem:$0x16F30] =	vst v63  }
0xfb: {  	s19 =	rddreg [dreg:$0x8]  }
0xfc: {  	[tilespmem:s13], [sflag:$0x3] =	stream.indirect.gather [hbm4b:s3+s7], $0x10, s19, s7, $0xb8;
	[tilespmem:$0x16F30] =	vst v63  }
0xfd: {  	s1 =	rddreg [dreg:$0x9]  }
0xfe: {  	[tilespmem:s12], [sflag:$0x4] =	stream.indirect.gather [hbm4b:s3+s7], $0x10, s1, s7, $0xb8;
	[tilespmem:$0x16F30] =	vst v63  }
0xff: {  	_ =	swait.ge [sflag:s11], $0x3E80  }
0x100: {  	[sflag:s11] =	ssyncset.done $0x0  }
0x101: {  	[sflag:s11] =	ssyncadd.s32 $0xFFFFC180  }
0x102: {  	[spmem:s2] =	stream.indirect.scatter.add.f32 [tilespmem:s9], [sflag:$0x5], $0x10, s29, s7, $0xb8;
	[tilespmem:$0x16F30] =	vst v63  }
0x103: {  	_ =	swait.ge [sflag:s5], $0x3E80  }
0x104: {  	[sflag:s5] =	ssyncset.done $0x0  }
0x105: {  	s19 =	rddreg [dreg:$0xa];
	[sflag:s5] =	ssyncadd.s32 $0xFFFFC180  }
0x106: {  	[tilespmem:s9], [sflag:$0x1] =	stream.indirect.gather [hbm4b:s3+s7], $0x10, s19, s7, $0xb8;
	[tilespmem:$0x16F30] =	vst v63  }
0x107: {  	_ =	swait.ge [sflag:s10], $0x3E80  }
0x108: {  	[sflag:s10] =	ssyncset.done $0x0  }
0x109: {  	s29 =	rddreg [dreg:$0xb];
	[sflag:s10] =	ssyncadd.s32 $0xFFFFC180  }
0x10a: {  	[spmem:s2] =	stream.indirect.scatter.add.f32 [tilespmem:s8], [sflag:$0x5], $0x10, s29, s7, $0xb8;
	[tilespmem:$0x16F30] =	vst v63  }
0x10b: {  	_ =	swait.ge [sflag:s5], $0x3E80  }
0x10c: {  	[sflag:s5] =	ssyncset.done $0x0  }
0x10d: {  	[sflag:s5] =	ssyncadd.s32 $0xFFFFC180  }
0x10e: {  	[tilespmem:s8], [sflag:$0x2] =	stream.indirect.gather [hbm4b:s3+s7], $0x10, s17, s7, $0xb8;
	[tilespmem:$0x16F30] =	vst v63  }
0x10f: {  	_ =	swait.ge [sflag:s16], $0x3E80  }
0x110: {  	[sflag:s16] =	ssyncset.done $0x0  }
0x111: {  	[sflag:s16] =	ssyncadd.s32 $0xFFFFC180  }
0x112: {  	[spmem:s2] =	stream.indirect.scatter.add.f32 [tilespmem:s13], [sflag:$0x5], $0x10, s31, s7, $0xb8;
	[tilespmem:$0x16F30] =	vst v63  }
0x113: {  	_ =	swait.ge [sflag:s5], $0x3E80  }
0x114: {  	[sflag:s5] =	ssyncset.done $0x0  }
0x115: {  	[sflag:s5] =	ssyncadd.s32 $0xFFFFC180  }
0x116: {  	[tilespmem:s13], [sflag:$0x3] =	stream.indirect.gather [hbm4b:s3+s7], $0x10, s30, s7, $0xb8;
	[tilespmem:$0x16F30] =	vst v63  }
0x117: {  	_ =	swait.ge [sflag:s15], $0x3E80  }
0x118: {  	[sflag:s15] =	ssyncset.done $0x0  }
0x119: {  	[sflag:s15] =	ssyncadd.s32 $0xFFFFC180  }
0x11a: {  	[spmem:s2] =	stream.indirect.scatter.add.f32 [tilespmem:s12], [sflag:$0x5], $0x10, s28, s7, $0xb8;
	[tilespmem:$0x16F30] =	vst v63  }
0x11b: {  	_ =	swait.ge [sflag:s5], $0x3E80  }
0x11c: {  	[sflag:s5] =	ssyncset.done $0x0  }
0x11d: {  	[sflag:s5] =	ssyncadd.s32 $0xFFFFC180  }
0x11e: {  	[tilespmem:s12], [sflag:$0x4] =	stream.indirect.gather [hbm4b:s3+s7], $0x10, s26, s7, $0xb8;
	[tilespmem:$0x16F30] =	vst v63  }
0x11f: {  	_ =	swait.ge [sflag:s11], $0x3E80  }
0x120: {  	[sflag:s11] =	ssyncset.done $0x0  }
0x121: {  	[sflag:s11] =	ssyncadd.s32 $0xFFFFC180  }
0x122: {  	[spmem:s2] =	stream.indirect.scatter.add.f32 [tilespmem:s9], [sflag:$0x5], $0x10, s25, s7, $0xb8;
	[tilespmem:$0x16F30] =	vst v63  }
0x123: {  	_ =	swait.ge [sflag:s5], $0x3E80  }
0x124: {  	[sflag:s5] =	ssyncset.done $0x0  }
0x125: {  	[sflag:s5] =	ssyncadd.s32 $0xFFFFC180  }
0x126: {  	[tilespmem:s9], [sflag:$0x1] =	stream.indirect.gather [hbm4b:s3+s7], $0x10, s23, s7, $0xb8;
	[tilespmem:$0x16F30] =	vst v63  }
0x127: {  	_ =	swait.ge [sflag:s10], $0x3E80  }
0x128: {  	[sflag:s10] =	ssyncset.done $0x0  }
0x129: {  	[sflag:s10] =	ssyncadd.s32 $0xFFFFC180  }
0x12a: {  	[spmem:s2] =	stream.indirect.scatter.add.f32 [tilespmem:s8], [sflag:$0x5], $0x10, s24, s7, $0xb8;
	[tilespmem:$0x16F30] =	vst v63  }
0x12b: {  	_ =	swait.ge [sflag:s5], $0x3E80  }
0x12c: {  	[sflag:s5] =	ssyncset.done $0x0  }
0x12d: {  	[sflag:s5] =	ssyncadd.s32 $0xFFFFC180  }
0x12e: {  	[tilespmem:s8], [sflag:$0x2] =	stream.indirect.gather [hbm4b:s3+s7], $0x10, s22, s7, $0xb8;
	[tilespmem:$0x16F30] =	vst v63  }
0x12f: {  	_ =	swait.ge [sflag:s16], $0x3E80  }
0x130: {  	[sflag:s16] =	ssyncset.done $0x0  }
0x131: {  	[sflag:s16] =	ssyncadd.s32 $0xFFFFC180  }
0x132: {  	[spmem:s2] =	stream.indirect.scatter.add.f32 [tilespmem:s13], [sflag:$0x5], $0x10, s21, s7, $0xb8;
	[tilespmem:$0x16F30] =	vst v63  }
0x133: {  	_ =	swait.ge [sflag:s5], $0x3E80  }
0x134: {  	[sflag:s5] =	ssyncset.done $0x0  }
0x135: {  	[sflag:s5] =	ssyncadd.s32 $0xFFFFC180  }
0x136: {  	_ =	swait.ge [sflag:s15], $0x3E80  }
0x137: {  	[sflag:s15] =	ssyncset.done $0x0  }
0x138: {  	[sflag:s15] =	ssyncadd.s32 $0xFFFFC180  }
0x139: {  	[spmem:s2] =	stream.indirect.scatter.add.f32 [tilespmem:s12], [sflag:$0x5], $0x10, s20, s7, $0xb8;
	[tilespmem:$0x16F30] =	vst v63  }
0x13a: {  	_ =	swait.ge [sflag:s5], $0x3E80  }
0x13b: {  	[sflag:s5] =	ssyncset.done $0x0  }
0x13c: {  	[sflag:s5] =	ssyncadd.s32 $0xFFFFC180  }
0x13d: {  	_ =	swait.ge [sflag:s11], $0x3E80  }
0x13e: {  	[sflag:s11] =	ssyncset.done $0x0  }
0x13f: {  	[sflag:s11] =	ssyncadd.s32 $0xFFFFC180  }
0x140: {  	[spmem:s2] =	stream.indirect.scatter.add.f32 [tilespmem:s9], [sflag:$0x5], $0x10, s18, s7, $0xb8;
	[tilespmem:$0x16F30] =	vst v63  }
0x141: {  	_ =	swait.ge [sflag:s5], $0x3E80  }
0x142: {  	[sflag:s5] =	ssyncset.done $0x0  }
0x143: {  	[sflag:s5] =	ssyncadd.s32 $0xFFFFC180  }
0x144: {  	_ =	swait.ge [sflag:s10], $0x3E80  }
0x145: {  	[sflag:s10] =	ssyncset.done $0x0  }
0x146: {  	s30 =	simm.s32 $0x4A38;
	[sflag:s10] =	ssyncadd.s32 $0xFFFFC180  }
0x147: {  	[spmem:s2] =	stream.indirect.scatter.add.f32 [tilespmem:s8], [sflag:$0x5], $0x10, s30, s7, $0xb8;
	[tilespmem:$0x16F30] =	vst v63  }
0x148: {  	_ =	swait.ge [sflag:s5], $0x3E80  }
0x149: {  	[sflag:s5] =	ssyncset.done $0x0  }
0x14a: {  	[sflag:s5] =	ssyncadd.s32 $0xFFFFC180  }
0x14b: {  	[bflag:$0x0] =	sbarrier.arrive $0xFFFF  }
0x14c: {  	s31 =	rddreg [dreg:$0x7]  }
0x14d: {  	[hbm:s31], [sflag:s4] =	dma.local [spmem:s6], $0x4E2  }
0x14e: {  	_ =	swait.ge [sflag:s5], $0x4E2  }
0x14f: {  	[sflag:s5] =	ssyncset.done $0x0  }
0x150: {  	[sflag:s5] =	ssyncadd.s32 $0xFFFFFB1E  }
0x151: {  	_ =	sfence.sel $0x180000  }
0x152: {  	[bflag:$0x0] =	sbarrier.arrive $0xFFFF  }
0x153: {  	_ =	strace $0x9000004A  }
0x154: {  	[bflag:$0x2] =	sbarrier.arrive $0xFFFF  }
0x155: {  	p0 =	sne.s32 s14, $0x0;
	s0 =	rddreg [dreg:$0x3]  }
0x156: {  	s0 =	sadd.s32 @!p0 $0x100000, s0  }
0x157: {  	[sflag:s0] =	ssyncadd.tile.s32 @!p0 $0x1;
	_ =	shalt  }
.LBB2_1:
.Ltmp3:
0x158: {  	(pc) =	sbr.rel .LBB2_6-.Ltmp3, $4  }
0x159: {  	s17 =	simm.s32 $0x1388;
	s31 =	simm.s32 $0x2EE0;
	s30 =	simm.s32 $0x1770  }
0x15a: {  	s28 =	simm.s32 $0x32C8;
	s26 =	simm.s32 $0x1B58;
	s25 =	simm.s32 $0x36B0  }
0x15b: {  	s24 =	simm.s32 $0x3A98;
	s23 =	simm.s32 $0x1F40;
	s22 =	simm.s32 $0x2328  }
0x15c: {  	s21 =	simm.s32 $0x3E80;
	s20 =	simm.s32 $0x4268;
	s18 =	simm.s32 $0x4650  }
.LBB2_3:
.Ltmp4:
0x15d: {  	s17 =	simm.s32 $0x1388;
	(pc) =	sbr.rel .LBB2_6-.Ltmp4, $4  }
0x15e: {  	s31 =	simm.s32 $0x2EE0;
	s30 =	simm.s32 $0x1770;
	s28 =	simm.s32 $0x32C8  }
0x15f: {  	s26 =	simm.s32 $0x1B58;
	s25 =	simm.s32 $0x36B0;
	s24 =	simm.s32 $0x3A98  }
0x160: {  	s23 =	simm.s32 $0x1F40;
	s22 =	simm.s32 $0x2328;
	s21 =	simm.s32 $0x3E80  }
0x161: {  	s20 =	simm.s32 $0x4268;
	s18 =	simm.s32 $0x4650;
	s14 =	stileid.u32  }
.Lfunc_end2:
_tile_overlayer_lowered:
.L_overlay_start_2:
0x162: {  	(tag) =	ssettag $0x2  }
0x163: {  	s0 =	rddreg [dreg:$0x0];
	s2 =	stileid.u32  }
0x164: {  	s1 =	rddreg [dreg:$0x1];
	p0 =	sne.s32 s2, $0x0  }
0x165: {  	s3 =	rddreg [dreg:$0x2];
	[bflag:$0x3] =	sbarrier.arrive $0xFFFF;
	s2 =	simm.s32 @!p0 $0x1C05  }
0x166: {  	[timem:s3], [sflag:s2] =	dma.local @!p0 [hbm:s0], s1  }
0x167: {  	s0 =	simm.s32 @!p0 $0x5  }
0x168: {  	_ =	swait.ge @!p0 [sflag:s0], s1  }
0x169: {  	s1 =	ssub.s32 @!p0 $0x0, s1;
	[sflag:s0] =	ssyncset.done @!p0 $0x0  }
0x16a: {  	[sflag:s0] =	ssyncadd.s32 @!p0 s1  }
0x16b: {  	[bflag:$0x3] =	sbarrier.arrive $0xFFFF  }
0x16c: {  	_ =	shalt  }

// kernel: kernel.15.cloned.1.call-start
scs
__scs_entry_jumppad:
0x0: {  	(pc) =	sbr.rel $0x88, $3  }
0x1: {  	(tag) =	ssettag $0x0;
	lr =	simm.s32 $0x1  }
0x2: {  	[smem:$0x3F9B] =	sst lr;
	_ =	strace $0xD0000000  }
0x3: {  	_ = 	snop  }
0x4: {  	_ = 	snop  }
0x5: {  	_ = 	snop  }
0x6: {  	_ = 	snop  }
0x7: {  	_ = 	snop  }
__scs_overlays_trampoline_lowered:
0x8: {  	[smem:$0x3FAA] =	sst s0  }
0x9: {  	[smem:$0x3FAB] =	sst s1  }
0xa: {  	[smem:$0x3FAC] =	sst s2  }
0xb: {  	[smem:$0x3FAD] =	sst s3  }
0xc: {  	[smem:$0x3FAE] =	sst s4  }
0xd: {  	[smem:$0x3FAF] =	sst s5  }
0xe: {  	[smem:$0x3FB0] =	sst s6  }
0xf: {  	[smem:$0x3FB1] =	sst s7  }
0x10: {  	[smem:$0x3FB2] =	sst s8  }
0x11: {  	[smem:$0x3FB3] =	sst s9;
	s0 =	simm.s32 @!p0 $0x0  }
0x12: {  	s1 =	sld [smem:$0x3F99];
	s0 =	simm.s32 @p0 $0x1  }
0x13: {  	[smem:$0x3FB4] =	sst s0;
	s0 =	simm.s32 @!p1 $0x0  }
0x14: {  	s2 =	sld [smem:$0x3F98];
	s0 =	simm.s32 @p1 $0x1  }
0x15: {  	[smem:$0x3FB5] =	sst s0;
	s0 =	simm.s32 @!p2 $0x0  }
0x16: {  	s3 =	sld [smem:$0x3FDB];
	s0 =	simm.s32 @p2 $0x1  }
0x17: {  	s4 =	simm.s32 $0x1BF5;
	[smem:$0x3FB7] =	sst s0  }
0x18: {  	s0 =	sld [smem:$0x3F9A];
	_ =	swait.ge [sflag:s4], $0x0  }
0x19: {  	s7 =	sld [smem:$0x3F9B]  }
0x1a: {  	s8 =	sadd.s32 $0xFFFFE003, lr  }
0x1b: {  	s9 =	sadd.s32 $0xFFFFFEF7, lr;
	s5 =	simm.s32 $0xFFFFFFFF;
	p2 =	slt.u32 s8, $0xFFFFF086  }
0x1c: {  	p1 =	slt.u32 s9, $0xF7A;
	s5 =	simm.s32 @!p2 $0x0  }
0x1d: {  	s5 =	simm.s32 @p1 $0x1;
	p0 =	seq.s32 s7, s2  }
0x1e: {  	s7 =	smul.u32 @!p0 $0xF7A, s2;
	p2 =	seq.s32 @!p0 s5, $0x0  }
0x1f: {  	s9 =	smul.u32 $0xF7A, s1;
	s8 =	simm.s32 @!p0 $0x1BF5;
	p2 =	por !p2, p0  }
0x20: {  	[sflag:s8] =	ssyncset.s32 @!p0 $0xFFFFF086;
	s6 =	sadd.s32 @!p0 s3, s7;
	s7 =	simm.s32 @!p0 $0x108  }
0x21: {  	s3 =	sadd.s32 s3, s9;
	s6 =	sadd.s32 @!p0 $0x88, s6;
	s7 =	simm.s32 @p2 $0x1082  }
0x22: {  	[simem:s7], [sflag:s8] =	dma.local @!p0 [hbm:s6], $0xF7A  }
0x23: {  	s9 =	sor.u32 $0xD0000000, s2;
	s6 =	simm.s32 $0x108;
	_ =	swait.ge @!p0 [sflag:s8], $0x0  }
0x24: {  	s3 =	sadd.s32 $0x88, s3;
	s6 =	simm.s32 @!p1 $0x1082;
	[sflag:s4] =	ssyncset.s32 $0xFFFFF086  }
0x25: {  	[simem:s6], [sflag:s4] =	dma.local [hbm:s3], $0xF7A  }
0x26: {  	[smem:$0x3F9B] =	sst s1;
	(tag) =	ssettag s2;
	_ =	strace s9  }
0x27: {  	s1 =	sld [smem:$0x3FAB]  }
0x28: {  	s2 =	sld [smem:$0x3FAC]  }
0x29: {  	s4 =	sld [smem:$0x3FAE]  }
0x2a: {  	p0 =	seq.s32 s5, $0x0;
	s5 =	sld [smem:$0x3FAF]  }
0x2b: {  	s6 =	sld [smem:$0x3FB0]  }
0x2c: {  	s7 =	sld [smem:$0x3FB1]  }
0x2d: {  	s3 =	simm.s32 $0x108;
	s8 =	sld [smem:$0x3FB2]  }
0x2e: {  	s3 =	simm.s32 @!p0 $0x1082;
	s9 =	sld [smem:$0x3FB3]  }
0x2f: {  	lr =	sadd.s32 s0, s3;
	s0 =	sld [smem:$0x3FAA]  }
0x30: {  	s3 =	sld [smem:$0x3FAD]  }
0x31: {  	[smem:$0x3FB6] =	sst s10  }
0x32: {  	s10 =	sld [smem:$0x3FB4];
	_ =	sdelay $0x3  }
0x33: {  	p0 =	seq.s32 s10, $0x1;
	s10 =	sld [smem:$0x3FB6];
	_ =	sdelay $0x3  }
0x34: {  	[smem:$0x3FB6] =	sst s10  }
0x35: {  	s10 =	sld [smem:$0x3FB5];
	_ =	sdelay $0x3  }
0x36: {  	p1 =	seq.s32 s10, $0x1;
	s10 =	sld [smem:$0x3FB6];
	_ =	sdelay $0x3  }
0x37: {  	[smem:$0x3FB6] =	sst s10  }
0x38: {  	s10 =	sld [smem:$0x3FB7]  }
0x39: {  	_ = 	snop;
	(pc) =	sbr.ind lr, $3  }
0x3a: {  	_ = 	snop  }
0x3b: {  	_ = 	snop  }
0x3c: {  	p2 =	seq.s32 s10, $0x1;
	s10 =	sld [smem:$0x3FB6]  }
0x3d: {  	_ =	shalt  }
0x3e: {  	_ =	shalt  }
0x3f: {  	_ =	shalt  }
0x40: {  	_ =	shalt  }
0x41: {  	_ =	shalt  }
0x42: {  	_ =	shalt  }
0x43: {  	_ =	shalt  }
0x44: {  	_ =	shalt  }
0x45: {  	_ =	shalt  }
0x46: {  	_ =	shalt  }
0x47: {  	_ =	shalt  }
0x48: {  	_ =	shalt  }
0x49: {  	_ =	shalt  }
0x4a: {  	_ =	shalt  }
0x4b: {  	_ =	shalt  }
0x4c: {  	_ =	shalt  }
0x4d: {  	_ =	shalt  }
0x4e: {  	_ =	shalt  }
0x4f: {  	_ =	shalt  }
0x50: {  	_ =	shalt  }
0x51: {  	_ =	shalt  }
0x52: {  	_ =	shalt  }
0x53: {  	_ =	shalt  }
0x54: {  	_ =	shalt  }
0x55: {  	_ =	shalt  }
0x56: {  	_ =	shalt  }
0x57: {  	_ =	shalt  }
0x58: {  	_ =	shalt  }
0x59: {  	_ =	shalt  }
0x5a: {  	_ =	shalt  }
0x5b: {  	_ =	shalt  }
0x5c: {  	_ =	shalt  }
0x5d: {  	_ =	shalt  }
0x5e: {  	_ =	shalt  }
0x5f: {  	_ =	shalt  }
0x60: {  	_ =	shalt  }
0x61: {  	_ =	shalt  }
0x62: {  	_ =	shalt  }
0x63: {  	_ =	shalt  }
0x64: {  	_ =	shalt  }
0x65: {  	_ =	shalt  }
0x66: {  	_ =	shalt  }
0x67: {  	_ =	shalt  }
0x68: {  	_ =	shalt  }
0x69: {  	_ =	shalt  }
0x6a: {  	_ =	shalt  }
0x6b: {  	_ =	shalt  }
0x6c: {  	_ =	shalt  }
0x6d: {  	_ =	shalt  }
0x6e: {  	_ =	shalt  }
0x6f: {  	_ =	shalt  }
0x70: {  	_ =	shalt  }
0x71: {  	_ =	shalt  }
0x72: {  	_ =	shalt  }
0x73: {  	_ =	shalt  }
0x74: {  	_ =	shalt  }
0x75: {  	_ =	shalt  }
0x76: {  	_ =	shalt  }
0x77: {  	_ =	shalt  }
0x78: {  	_ =	shalt  }
0x79: {  	_ =	shalt  }
0x7a: {  	_ =	shalt  }
0x7b: {  	_ =	shalt  }
0x7c: {  	_ =	shalt  }
0x7d: {  	_ =	shalt  }
0x7e: {  	_ =	shalt  }
0x7f: {  	_ =	shalt  }
0x80: {  	_ =	shalt  }
0x81: {  	_ =	shalt  }
0x82: {  	_ =	shalt  }
0x83: {  	_ =	shalt  }
0x84: {  	_ =	shalt  }
0x85: {  	_ =	shalt  }
0x86: {  	_ =	shalt  }
0x87: {  	_ =	shalt  }
.Lfunc_end0:
.L_simem_size_0:
called_computation.2_lowered:
.L_overlay_start_0:
0x88: {  	s2 =	sld [smem:$0x3FD9]  }
0x89: {  	s3 =	sld [smem:$0x3FFE];
	_ =	sdelay $0x1  }
0x8a: {  	s1 =	srdreg.scid  }
0x8b: {  	s0 =	sand.u32 $0x1, s1  }
0x8c: {  	s17 =	sshll.u32 s0, $0xA;
	s2 =	sadd.s32 s3, s2  }
0x8d: {  	s2 =	sadd.s32 s2, s17  }
0x8e: {  	[smem:$0x3FC2] =	sst s2  }
0x8f: {  	_ = 	snop  }
0x90: {  	s2 =	sld [smem:$0x3FD0];
	(tm) =	ssettm $0x1  }
0x91: {  	s18 =	sld [smem:$0x3FFB];
	_ =	sdelay $0x3  }
0x92: {  	_ =	strace s18  }
0x93: {  	s3 =	sld [smem:$0x3FFC];
	_ =	sdelay $0x3  }
0x94: {  	_ =	strace s3  }
0x95: {  	s3 =	sld [smem:$0x3FFD];
	_ =	sdelay $0x3  }
0x96: {  	_ =	strace s3  }
0x97: {  	_ =	strace $0x8FFFFFFF  }
0x98: {  	s19 =	sld [smem:$0x3FDB];
	_ =	sdelay $0x1  }
0x99: {  	s4 =	simm.s32 $_scs_section_size  }
0x9a: {  	s5 =	simm.s32 $_size__tile_overlayer_lowered;
	s6 =	simm.s32 $_tile_overlayer_lowered  }
0x9b: {  	s22 =	simm.s32 $0x1BFF;
	s21 =	sshll.u32 s6, $0x1;
	s3 =	sadd.s32 s4, s19  }
0x9c: {  	s7 =	simm.s32 $0x0;
	s20 =	sshll.u32 s5, $0x1;
	s5 =	sadd.s32 s21, s3  }
0x9d: {  	[timem:s7], [sflag:s22] =	dma.local [hbm:s5], s20  }
0x9e: {  	_ =	swait.ge [sflag:s22], s20  }
0x9f: {  	s4 =	ssub.s32 $0x0, s20;
	[sflag:s22] =	ssyncset.done $0x0  }
0xa0: {  	[sflag:s22] =	ssyncadd.s32 s4;
	_ =	sdelay $0x1  }
0xa1: {  	s23 =	simm.s32 $0x1B8B  }
0xa2: {  	_ =	swait.ge [sflag:s23], $0x1  }
0xa3: {  	[sflag:s23] =	ssyncset.done $0x0  }
0xa4: {  	s25 =	simm.s32 $0x1B8E;
	s24 =	sld [smem:$0x3FFE];
	[sflag:s23] =	ssyncadd.s32 $0xFFFFFFFF  }
0xa5: {  	s26 =	simm.s32 $execute0_lowered;
	[smem:$0x3FD2] =	sst s25  }
0xa6: {  	s5 =	sshll.u32 s26, $0x1;
	_ =	strace $0x8000004C;
	[dreg:$0x1] =	wrdreg $0xFFFFFFFF  }
0xa7: {  	s28 =	simm.s32 $_size_execute0_lowered;
	s3 =	sadd.s32 s3, s5;
	[dreg:$0x0] =	wrdreg $0x0  }
0xa8: {  	s5 =	sshll.u32 s28, $0x1;
	[dreg:$0x2] =	wrdreg s3  }
0xa9: {  	[dreg:$0x3] =	wrdreg s5  }
0xaa: {  	[dreg:$0x4] =	wrdreg $0xC0  }
0xab: {  	_ =	task [dreg:s7], $0x5FFFF  }
0xac: {  	[dreg:$0x1] =	wrdreg $0xFFFFFFFF  }
0xad: {  	[dreg:$0x0] =	wrdreg $0x60  }
0xae: {  	[dreg:$0x2] =	wrdreg s2  }
0xaf: {  	[dreg:$0x3] =	wrdreg s24  }
0xb0: {  	[dreg:$0x4] =	wrdreg $0x148200  }
0xb1: {  	[dreg:$0x5] =	wrdreg $0x9  }
0xb2: {  	_ =	task.clear_ibuf [dreg:s7], $0x6FFFF;
	_ =	strace $0x9000004C  }
0xb3: {  	s29 =	simm.s32 $0x9;
	_ =	strace $0x8000004E  }
0xb4: {  	_ =	swait.ge [sflag:s29], $0x1  }
0xb5: {  	[sflag:s29] =	ssyncadd.s32 $0xFFFFFFFF  }
0xb6: {  	_ =	strace $0x9000004E  }
0xb7: {  	_ =	sfence  }
0xb8: {  	s30 =	sld [smem:$0x0];
	_ =	sdelay $0x2  }
0xb9: {  	s31 =	sshll.u32 s1, $0xD;
	s1 =	sshrl.u32 s1, $0x2  }
0xba: {  	s3 =	sand.u32 $0x4000, s31;
	s1 =	sadd.s32 s1, s30  }
0xbb: {  	s0 =	sor.u32 s3, s0;
	s1 =	sshll.u32 s1, $0x11  }
0xbc: {  	s0 =	sor.u32 s1, s0  }
0xbd: {  	s0 =	sadd.s32 $0x8F2B, s0  }
0xbe: {  	[sflag:s0] =	ssyncadd.remote.s32 $0x1  }
0xbf: {  	_ =	sfence.sel $0xFFFF  }
0xc0: {  	[dreg:$0x0] =	wrdreg $0xFFFFFFFF;
	(pc) =	sbr.abs _section_cstart, $3  }
0xc1: {  	[dreg:$0x1] =	wrdreg $0xFFFFFFFF  }
0xc2: {  	_ =	task.clear_ibuf [dreg:s7], $0x2FFFF;
	_ =	strace $0x9FFFFFFF  }
0xc3: {  	(tm) =	ssettm $0x7FFFFFFF  }
tec
execute0_lowered:
.L_overlay_start_1:
0x0: {  	(tag) =	ssettag $0x1  }
0x1: {  	s3 =	rddreg [dreg:$0x0]  }
0x2: {  	s0 =	srdreg.scid;
	s1 =	rddreg [dreg:$0x1]  }
0x3: {  	s14 =	stileid.u32;
	s2 =	rddreg [dreg:$0x2];
	s19 =	simm.s32 $0x0  }
0x4: {  	s29 =	simm.s32 $0x2710;
	s23 =	simm.s32 $0x7D0;
	s13 =	simm.s32 $0xCB20  }
0x5: {  	s24 =	simm.s32 $0xBB8;
	s12 =	simm.s32 $0x109A0;
	s25 =	simm.s32 $0xFA0  }
0x6: {  	s11 =	simm.s32 $0x1;
	s26 =	simm.s32 $0x2AF8;
	s10 =	simm.s32 $0x2  }
0x7: {  	s16 =	simm.s32 $0x3;
	s31 =	simm.s32 $0x2EE0;
	s30 =	simm.s32 $0x1770  }
0x8: {  	s15 =	simm.s32 $0x4;
	s28 =	simm.s32 $0x32C8;
	s17 =	simm.s32 $0x4A38  }
0x9: {  	s0 =	sand.u32 $0x1, s0;
	s4 =	sshll.u32 s14, $0x1;
	[smem:$0x7FF] =	sst s19  }
0xa: {  	s5 =	smul.u32 $0x2710, s14;
	_ =	strace $0x8000004D;
	[dreg:$0x8] =	wrdreg s23  }
0xb: {  	s20 =	sshll.u32 s14, $0x6;
	s4 =	sor.u32 s0, s4;
	[dreg:$0x9] =	wrdreg s24  }
0xc: {  	s6 =	ssub.s32 $0x2, s0;
	p0 =	seq.s32 s0, $0x1;
	[dreg:$0xa] =	wrdreg s25  }
0xd: {  	s0 =	simm.s32 $0x1B800;
	[dreg:$0xb] =	wrdreg s26;
	s26 =	simm.s32 $0x1B58  }
0xe: {  	s25 =	simm.s32 $0x36B0;
	s23 =	simm.s32 $0x1F40;
	s24 =	simm.s32 $0x3A98  }
0xf: {  	s4 =	smul.u32 $0x2710, s4;
	s7 =	sshrl.u32 s6, $0x1;
	s8 =	sshrl.u32 s5, $0x3  }
0x10: {  	s5 =	sadd.s32 s5, s2;
	s0 =	simm.s32 @!p0 $0x16800;
	p0 =	por $0x0, $0x0  }
0x11: {  	s6 =	ssub.s32 s6, s7;
	s18 =	sadd.s32 s3, s8;
	s0 =	sadd.s32 s0, s1  }
0x12: {  	s7 =	simm.s32 $0x3E8;
	s4 =	sshrl.u32 s4, $0x3;
	[dreg:$0x4] =	wrdreg s18  }
0x13: {  	s0 =	sadd.s32 s0, s8;
	s22 =	smax.u32 s6, $0x1;
	s6 =	sshrl.u32 s5, $0x3  }
0x14: {  	s5 =	simm.s32 $0x5;
	s8 =	simm.s32 $0x8CA0;
	p1 =	sne.s32 s22, $0x1  }
.Ltmp0:
0x15: {  	s18 =	simm.s32 $0x4650;
	s4 =	sadd.s32 s4, s1;
	(pc) =	sbr.rel @!p1 .LBB2_1-.Ltmp0, $4  }
0x16: {  	[dreg:$0x7] =	wrdreg s0;
	s1 =	sadd.s32 $0xFFFFFFFF, s22;
	s22 =	simm.s32 $0x2328  }
0x17: {  	s0 =	rddreg [dreg:$0x4];
	s9 =	sadd.s32 $0x2E00, s4;
	s21 =	sadd.s32 $0xCA40, s4  }
0x18: {  	s4 =	sor.u32 $0x1C05, s20;
	s20 =	simm.s32 $0x4268;
	[dreg:$0x5] =	wrdreg s9  }
0x19: {  	[dreg:$0x6] =	wrdreg s21;
	s9 =	simm.s32 $0x4E20;
	s21 =	simm.s32 $0x3E80  }
0x1a: {  	[spmem:s6], [sflag:s4] =	dma.local [hbm:s0], $0x4E2  }
0x1b: {  	_ =	swait.ge [sflag:s5], $0x4E2  }
0x1c: {  	[sflag:s5] =	ssyncset.done $0x0  }
0x1d: {  	s14 =	rddreg [dreg:$0x5];
	[sflag:s5] =	ssyncadd.s32 $0xFFFFFB1E  }
0x1e: {  	[tilespmem:s19], [sflag:$0x5] =	stream.linear.gather [hbm4b:s14+s19], $0x2710, $0x38;
	[tilespmem:$0x16F30] =	vst v63  }
0x1f: {  	_ =	swait.ge [sflag:s5], $0x2710  }
0x20: {  	[sflag:s5] =	ssyncset.done $0x0  }
0x21: {  	s14 =	rddreg [dreg:$0x6];
	[sflag:s5] =	ssyncadd.s32 $0xFFFFD8F0  }
0x22: {  	[tilespmem:s29], [sflag:$0x5] =	stream.linear.gather [hbm4b:s14+s19], $0x2710, $0x38;
	[tilespmem:$0x16F30] =	vst v63  }
0x23: {  	_ =	swait.ge [sflag:s5], $0x2710  }
0x24: {  	[sflag:s5] =	ssyncset.done $0x0  }
0x25: {  	[sflag:s5] =	ssyncadd.s32 $0xFFFFD8F0  }
0x26: {  	[bflag:$0x0] =	sbarrier.arrive $0xFFFF  }
0x27: {  	[tilespmem:s9], [sflag:$0x1] =	stream.indirect.gather [hbm4b:s3+s7], $0x10, s19, s7, $0xb8;
	[tilespmem:$0x16F30] =	vst v63  }
0x28: {  	_ = 	snop  }
0x29: {  	[tilespmem:s8], [sflag:$0x2] =	stream.indirect.gather [hbm4b:s3+s7], $0x10, s7, s7, $0xb8;
	[tilespmem:$0x16F30] =	vst v63  }
0x2a: {  	s0 =	rddreg [dreg:$0x8]  }
0x2b: {  	[tilespmem:s13], [sflag:$0x3] =	stream.indirect.gather [hbm4b:s3+s7], $0x10, s0, s7, $0xb8;
	[tilespmem:$0x16F30] =	vst v63  }
0x2c: {  	s14 =	smov.u32 s1;
	s1 =	rddreg [dreg:$0x9]  }
0x2d: {  	[tilespmem:s12], [sflag:$0x4] =	stream.indirect.gather [hbm4b:s3+s7], $0x10, s1, s7, $0xb8;
	[tilespmem:$0x16F30] =	vst v63  }
0x2e: {  	_ =	swait.ge [sflag:s11], $0x3E80  }
0x2f: {  	[sflag:s11] =	ssyncset.done $0x0  }
0x30: {  	[sflag:s11] =	ssyncadd.s32 $0xFFFFC180  }
0x31: {  	[spmem:s2] =	stream.indirect.scatter.add.f32 [tilespmem:s9], [sflag:$0x5], $0x10, s29, s7, $0xb8;
	[tilespmem:$0x16F30] =	vst v63  }
0x32: {  	_ =	swait.ge [sflag:s5], $0x3E80  }
0x33: {  	[sflag:s5] =	ssyncset.done $0x0  }
0x34: {  	s1 =	rddreg [dreg:$0xa];
	[sflag:s5] =	ssyncadd.s32 $0xFFFFC180  }
0x35: {  	[tilespmem:s9], [sflag:$0x1] =	stream.indirect.gather [hbm4b:s3+s7], $0x10, s1, s7, $0xb8;
	[tilespmem:$0x16F30] =	vst v63  }
0x36: {  	_ =	swait.ge [sflag:s10], $0x3E80  }
0x37: {  	[sflag:s10] =	ssyncset.done $0x0  }
0x38: {  	s1 =	rddreg [dreg:$0xb];
	[sflag:s10] =	ssyncadd.s32 $0xFFFFC180  }
0x39: {  	[spmem:s2] =	stream.indirect.scatter.add.f32 [tilespmem:s8], [sflag:$0x5], $0x10, s1, s7, $0xb8;
	[tilespmem:$0x16F30] =	vst v63  }
0x3a: {  	_ =	swait.ge [sflag:s5], $0x3E80  }
0x3b: {  	[sflag:s5] =	ssyncset.done $0x0  }
0x3c: {  	s1 =	simm.s32 $0x1388;
	[sflag:s5] =	ssyncadd.s32 $0xFFFFC180  }
0x3d: {  	[tilespmem:s8], [sflag:$0x2] =	stream.indirect.gather [hbm4b:s3+s7], $0x10, s1, s7, $0xb8;
	[tilespmem:$0x16F30] =	vst v63  }
0x3e: {  	_ =	swait.ge [sflag:s16], $0x3E80  }
0x3f: {  	[sflag:s16] =	ssyncset.done $0x0  }
0x40: {  	[sflag:s16] =	ssyncadd.s32 $0xFFFFC180  }
0x41: {  	[spmem:s2] =	stream.indirect.scatter.add.f32 [tilespmem:s13], [sflag:$0x5], $0x10, s31, s7, $0xb8;
	[tilespmem:$0x16F30] =	vst v63  }
0x42: {  	_ =	swait.ge [sflag:s5], $0x3E80  }
0x43: {  	[sflag:s5] =	ssyncset.done $0x0  }
0x44: {  	[sflag:s5] =	ssyncadd.s32 $0xFFFFC180  }
0x45: {  	[tilespmem:s13], [sflag:$0x3] =	stream.indirect.gather [hbm4b:s3+s7], $0x10, s30, s7, $0xb8;
	[tilespmem:$0x16F30] =	vst v63  }
0x46: {  	_ =	swait.ge [sflag:s15], $0x3E80  }
0x47: {  	[sflag:s15] =	ssyncset.done $0x0  }
0x48: {  	[sflag:s15] =	ssyncadd.s32 $0xFFFFC180  }
0x49: {  	[spmem:s2] =	stream.indirect.scatter.add.f32 [tilespmem:s12], [sflag:$0x5], $0x10, s28, s7, $0xb8;
	[tilespmem:$0x16F30] =	vst v63  }
0x4a: {  	_ =	swait.ge [sflag:s5], $0x3E80  }
0x4b: {  	[sflag:s5] =	ssyncset.done $0x0  }
0x4c: {  	[sflag:s5] =	ssyncadd.s32 $0xFFFFC180  }
0x4d: {  	[tilespmem:s12], [sflag:$0x4] =	stream.indirect.gather [hbm4b:s3+s7], $0x10, s26, s7, $0xb8;
	[tilespmem:$0x16F30] =	vst v63  }
0x4e: {  	_ =	swait.ge [sflag:s11], $0x3E80  }
0x4f: {  	[sflag:s11] =	ssyncset.done $0x0  }
0x50: {  	[sflag:s11] =	ssyncadd.s32 $0xFFFFC180  }
0x51: {  	[spmem:s2] =	stream.indirect.scatter.add.f32 [tilespmem:s9], [sflag:$0x5], $0x10, s25, s7, $0xb8;
	[tilespmem:$0x16F30] =	vst v63  }
0x52: {  	_ =	swait.ge [sflag:s5], $0x3E80  }
0x53: {  	[sflag:s5] =	ssyncset.done $0x0  }
0x54: {  	[sflag:s5] =	ssyncadd.s32 $0xFFFFC180  }
0x55: {  	[tilespmem:s9], [sflag:$0x1] =	stream.indirect.gather [hbm4b:s3+s7], $0x10, s23, s7, $0xb8;
	[tilespmem:$0x16F30] =	vst v63  }
0x56: {  	_ =	swait.ge [sflag:s10], $0x3E80  }
0x57: {  	[sflag:s10] =	ssyncset.done $0x0  }
0x58: {  	[sflag:s10] =	ssyncadd.s32 $0xFFFFC180  }
0x59: {  	[spmem:s2] =	stream.indirect.scatter.add.f32 [tilespmem:s8], [sflag:$0x5], $0x10, s24, s7, $0xb8;
	[tilespmem:$0x16F30] =	vst v63  }
0x5a: {  	_ =	swait.ge [sflag:s5], $0x3E80  }
0x5b: {  	[sflag:s5] =	ssyncset.done $0x0  }
0x5c: {  	[sflag:s5] =	ssyncadd.s32 $0xFFFFC180  }
0x5d: {  	[tilespmem:s8], [sflag:$0x2] =	stream.indirect.gather [hbm4b:s3+s7], $0x10, s22, s7, $0xb8;
	[tilespmem:$0x16F30] =	vst v63  }
0x5e: {  	_ =	swait.ge [sflag:s16], $0x3E80  }
0x5f: {  	[sflag:s16] =	ssyncset.done $0x0  }
0x60: {  	[sflag:s16] =	ssyncadd.s32 $0xFFFFC180  }
0x61: {  	[spmem:s2] =	stream.indirect.scatter.add.f32 [tilespmem:s13], [sflag:$0x5], $0x10, s21, s7, $0xb8;
	[tilespmem:$0x16F30] =	vst v63  }
0x62: {  	_ =	swait.ge [sflag:s5], $0x3E80  }
0x63: {  	[sflag:s5] =	ssyncset.done $0x0  }
0x64: {  	[sflag:s5] =	ssyncadd.s32 $0xFFFFC180  }
0x65: {  	_ =	swait.ge [sflag:s15], $0x3E80  }
0x66: {  	[sflag:s15] =	ssyncset.done $0x0  }
0x67: {  	[sflag:s15] =	ssyncadd.s32 $0xFFFFC180  }
0x68: {  	[spmem:s2] =	stream.indirect.scatter.add.f32 [tilespmem:s12], [sflag:$0x5], $0x10, s20, s7, $0xb8;
	[tilespmem:$0x16F30] =	vst v63  }
0x69: {  	_ =	swait.ge [sflag:s5], $0x3E80  }
0x6a: {  	[sflag:s5] =	ssyncset.done $0x0  }
0x6b: {  	[sflag:s5] =	ssyncadd.s32 $0xFFFFC180  }
0x6c: {  	_ =	swait.ge [sflag:s11], $0x3E80  }
0x6d: {  	[sflag:s11] =	ssyncset.done $0x0  }
0x6e: {  	[sflag:s11] =	ssyncadd.s32 $0xFFFFC180  }
0x6f: {  	[spmem:s2] =	stream.indirect.scatter.add.f32 [tilespmem:s9], [sflag:$0x5], $0x10, s18, s7, $0xb8;
	[tilespmem:$0x16F30] =	vst v63  }
0x70: {  	_ =	swait.ge [sflag:s5], $0x3E80  }
0x71: {  	[sflag:s5] =	ssyncset.done $0x0  }
0x72: {  	[sflag:s5] =	ssyncadd.s32 $0xFFFFC180  }
0x73: {  	_ =	swait.ge [sflag:s10], $0x3E80  }
0x74: {  	[sflag:s10] =	ssyncset.done $0x0  }
0x75: {  	[sflag:s10] =	ssyncadd.s32 $0xFFFFC180  }
0x76: {  	[spmem:s2] =	stream.indirect.scatter.add.f32 [tilespmem:s8], [sflag:$0x5], $0x10, s17, s7, $0xb8;
	[tilespmem:$0x16F30] =	vst v63  }
0x77: {  	_ =	swait.ge [sflag:s5], $0x3E80  }
0x78: {  	[sflag:s5] =	ssyncset.done $0x0  }
0x79: {  	p1 =	sne.s32 s14, $0x1;
	[sflag:s5] =	ssyncadd.s32 $0xFFFFC180  }
.Ltmp1:
0x7a: {  	[bflag:$0x0] =	sbarrier.arrive $0xFFFF;
	(pc) =	sbr.rel @!p1 .LBB2_3-.Ltmp1, $4  }
0x7b: {  	s1 =	rddreg [dreg:$0x7]  }
0x7c: {  	[hbm:s1], [sflag:s4] =	dma.local [spmem:s6], $0x4E2  }
0x7d: {  	p0 =	por $0x1, $0x1;
	_ =	swait.ge [sflag:s5], $0x4E2  }
0x7e: {  	s1 =	sadd.s32 $0xFFFFFFFF, s14;
	s0 =	rddreg [dreg:$0x4];
	[sflag:s5] =	ssyncset.done $0x0  }
.LBB2_4:
0x7f: {  	[sflag:s5] =	ssyncadd.s32 $0xFFFFFB1E  }
0x80: {  	[spmem:s6], [sflag:s4] =	dma.local [hbm:s0], $0x4E2  }
0x81: {  	_ =	swait.ge [sflag:s5], $0x4E2  }
0x82: {  	[sflag:s5] =	ssyncset.done $0x0  }
0x83: {  	s14 =	rddreg [dreg:$0x5];
	[sflag:s5] =	ssyncadd.s32 $0xFFFFFB1E  }
0x84: {  	[tilespmem:s19], [sflag:$0x5] =	stream.linear.gather [hbm4b:s14+s19], $0x2710, $0x38;
	[tilespmem:$0x16F30] =	vst v63  }
0x85: {  	_ =	swait.ge [sflag:s5], $0x2710  }
0x86: {  	[sflag:s5] =	ssyncset.done $0x0  }
0x87: {  	s14 =	rddreg [dreg:$0x6];
	[sflag:s5] =	ssyncadd.s32 $0xFFFFD8F0  }
0x88: {  	[tilespmem:s29], [sflag:$0x5] =	stream.linear.gather [hbm4b:s14+s19], $0x2710, $0x38;
	[tilespmem:$0x16F30] =	vst v63  }
0x89: {  	_ =	swait.ge [sflag:s5], $0x2710  }
0x8a: {  	[sflag:s5] =	ssyncset.done $0x0  }
0x8b: {  	[sflag:s5] =	ssyncadd.s32 $0xFFFFD8F0  }
0x8c: {  	[bflag:$0x0] =	sbarrier.arrive $0xFFFF  }
0x8d: {  	[tilespmem:s9], [sflag:$0x1] =	stream.indirect.gather [hbm4b:s3+s7], $0x10, s19, s7, $0xb8;
	[tilespmem:$0x16F30] =	vst v63  }
0x8e: {  	_ = 	snop  }
0x8f: {  	[tilespmem:s8], [sflag:$0x2] =	stream.indirect.gather [hbm4b:s3+s7], $0x10, s7, s7, $0xb8;
	[tilespmem:$0x16F30] =	vst v63  }
0x90: {  	s0 =	rddreg [dreg:$0x8]  }
0x91: {  	[tilespmem:s13], [sflag:$0x3] =	stream.indirect.gather [hbm4b:s3+s7], $0x10, s0, s7, $0xb8;
	[tilespmem:$0x16F30] =	vst v63  }
0x92: {  	s14 =	rddreg [dreg:$0x9]  }
0x93: {  	[tilespmem:s12], [sflag:$0x4] =	stream.indirect.gather [hbm4b:s3+s7], $0x10, s14, s7, $0xb8;
	[tilespmem:$0x16F30] =	vst v63  }
0x94: {  	_ =	swait.ge [sflag:s11], $0x3E80  }
0x95: {  	[sflag:s11] =	ssyncset.done $0x0  }
0x96: {  	[sflag:s11] =	ssyncadd.s32 $0xFFFFC180  }
0x97: {  	[spmem:s2] =	stream.indirect.scatter.add.f32 [tilespmem:s9], [sflag:$0x5], $0x10, s29, s7, $0xb8;
	[tilespmem:$0x16F30] =	vst v63  }
0x98: {  	_ =	swait.ge [sflag:s5], $0x3E80  }
0x99: {  	[sflag:s5] =	ssyncset.done $0x0  }
0x9a: {  	s14 =	rddreg [dreg:$0xa];
	[sflag:s5] =	ssyncadd.s32 $0xFFFFC180  }
0x9b: {  	[tilespmem:s9], [sflag:$0x1] =	stream.indirect.gather [hbm4b:s3+s7], $0x10, s14, s7, $0xb8;
	[tilespmem:$0x16F30] =	vst v63  }
0x9c: {  	_ =	swait.ge [sflag:s10], $0x3E80  }
0x9d: {  	[sflag:s10] =	ssyncset.done $0x0  }
0x9e: {  	s14 =	rddreg [dreg:$0xb];
	[sflag:s10] =	ssyncadd.s32 $0xFFFFC180  }
0x9f: {  	[spmem:s2] =	stream.indirect.scatter.add.f32 [tilespmem:s8], [sflag:$0x5], $0x10, s14, s7, $0xb8;
	[tilespmem:$0x16F30] =	vst v63  }
0xa0: {  	_ =	swait.ge [sflag:s5], $0x3E80  }
0xa1: {  	[sflag:s5] =	ssyncset.done $0x0  }
0xa2: {  	s14 =	simm.s32 $0x1388;
	[sflag:s5] =	ssyncadd.s32 $0xFFFFC180  }
0xa3: {  	[tilespmem:s8], [sflag:$0x2] =	stream.indirect.gather [hbm4b:s3+s7], $0x10, s14, s7, $0xb8;
	[tilespmem:$0x16F30] =	vst v63  }
0xa4: {  	_ =	swait.ge [sflag:s16], $0x3E80  }
0xa5: {  	[sflag:s16] =	ssyncset.done $0x0  }
0xa6: {  	[sflag:s16] =	ssyncadd.s32 $0xFFFFC180  }
0xa7: {  	[spmem:s2] =	stream.indirect.scatter.add.f32 [tilespmem:s13], [sflag:$0x5], $0x10, s31, s7, $0xb8;
	[tilespmem:$0x16F30] =	vst v63  }
0xa8: {  	_ =	swait.ge [sflag:s5], $0x3E80  }
0xa9: {  	[sflag:s5] =	ssyncset.done $0x0  }
0xaa: {  	[sflag:s5] =	ssyncadd.s32 $0xFFFFC180  }
0xab: {  	[tilespmem:s13], [sflag:$0x3] =	stream.indirect.gather [hbm4b:s3+s7], $0x10, s30, s7, $0xb8;
	[tilespmem:$0x16F30] =	vst v63  }
0xac: {  	_ =	swait.ge [sflag:s15], $0x3E80  }
0xad: {  	[sflag:s15] =	ssyncset.done $0x0  }
0xae: {  	[sflag:s15] =	ssyncadd.s32 $0xFFFFC180  }
0xaf: {  	[spmem:s2] =	stream.indirect.scatter.add.f32 [tilespmem:s12], [sflag:$0x5], $0x10, s28, s7, $0xb8;
	[tilespmem:$0x16F30] =	vst v63  }
0xb0: {  	_ =	swait.ge [sflag:s5], $0x3E80  }
0xb1: {  	[sflag:s5] =	ssyncset.done $0x0  }
0xb2: {  	[sflag:s5] =	ssyncadd.s32 $0xFFFFC180  }
0xb3: {  	[tilespmem:s12], [sflag:$0x4] =	stream.indirect.gather [hbm4b:s3+s7], $0x10, s26, s7, $0xb8;
	[tilespmem:$0x16F30] =	vst v63  }
0xb4: {  	_ =	swait.ge [sflag:s11], $0x3E80  }
0xb5: {  	[sflag:s11] =	ssyncset.done $0x0  }
0xb6: {  	[sflag:s11] =	ssyncadd.s32 $0xFFFFC180  }
0xb7: {  	[spmem:s2] =	stream.indirect.scatter.add.f32 [tilespmem:s9], [sflag:$0x5], $0x10, s25, s7, $0xb8;
	[tilespmem:$0x16F30] =	vst v63  }
0xb8: {  	_ =	swait.ge [sflag:s5], $0x3E80  }
0xb9: {  	[sflag:s5] =	ssyncset.done $0x0  }
0xba: {  	[sflag:s5] =	ssyncadd.s32 $0xFFFFC180  }
0xbb: {  	[tilespmem:s9], [sflag:$0x1] =	stream.indirect.gather [hbm4b:s3+s7], $0x10, s23, s7, $0xb8;
	[tilespmem:$0x16F30] =	vst v63  }
0xbc: {  	_ =	swait.ge [sflag:s10], $0x3E80  }
0xbd: {  	[sflag:s10] =	ssyncset.done $0x0  }
0xbe: {  	[sflag:s10] =	ssyncadd.s32 $0xFFFFC180  }
0xbf: {  	[spmem:s2] =	stream.indirect.scatter.add.f32 [tilespmem:s8], [sflag:$0x5], $0x10, s24, s7, $0xb8;
	[tilespmem:$0x16F30] =	vst v63  }
0xc0: {  	_ =	swait.ge [sflag:s5], $0x3E80  }
0xc1: {  	[sflag:s5] =	ssyncset.done $0x0  }
0xc2: {  	[sflag:s5] =	ssyncadd.s32 $0xFFFFC180  }
0xc3: {  	[tilespmem:s8], [sflag:$0x2] =	stream.indirect.gather [hbm4b:s3+s7], $0x10, s22, s7, $0xb8;
	[tilespmem:$0x16F30] =	vst v63  }
0xc4: {  	_ =	swait.ge [sflag:s16], $0x3E80  }
0xc5: {  	[sflag:s16] =	ssyncset.done $0x0  }
0xc6: {  	[sflag:s16] =	ssyncadd.s32 $0xFFFFC180  }
0xc7: {  	[spmem:s2] =	stream.indirect.scatter.add.f32 [tilespmem:s13], [sflag:$0x5], $0x10, s21, s7, $0xb8;
	[tilespmem:$0x16F30] =	vst v63  }
0xc8: {  	_ =	swait.ge [sflag:s5], $0x3E80  }
0xc9: {  	[sflag:s5] =	ssyncset.done $0x0  }
0xca: {  	[sflag:s5] =	ssyncadd.s32 $0xFFFFC180  }
0xcb: {  	_ =	swait.ge [sflag:s15], $0x3E80  }
0xcc: {  	[sflag:s15] =	ssyncset.done $0x0  }
0xcd: {  	[sflag:s15] =	ssyncadd.s32 $0xFFFFC180  }
0xce: {  	[spmem:s2] =	stream.indirect.scatter.add.f32 [tilespmem:s12], [sflag:$0x5], $0x10, s20, s7, $0xb8;
	[tilespmem:$0x16F30] =	vst v63  }
0xcf: {  	_ =	swait.ge [sflag:s5], $0x3E80  }
0xd0: {  	[sflag:s5] =	ssyncset.done $0x0  }
0xd1: {  	[sflag:s5] =	ssyncadd.s32 $0xFFFFC180  }
0xd2: {  	_ =	swait.ge [sflag:s11], $0x3E80  }
0xd3: {  	[sflag:s11] =	ssyncset.done $0x0  }
0xd4: {  	[sflag:s11] =	ssyncadd.s32 $0xFFFFC180  }
0xd5: {  	[spmem:s2] =	stream.indirect.scatter.add.f32 [tilespmem:s9], [sflag:$0x5], $0x10, s18, s7, $0xb8;
	[tilespmem:$0x16F30] =	vst v63  }
0xd6: {  	_ =	swait.ge [sflag:s5], $0x3E80  }
0xd7: {  	[sflag:s5] =	ssyncset.done $0x0  }
0xd8: {  	[sflag:s5] =	ssyncadd.s32 $0xFFFFC180  }
0xd9: {  	_ =	swait.ge [sflag:s10], $0x3E80  }
0xda: {  	[sflag:s10] =	ssyncset.done $0x0  }
0xdb: {  	[sflag:s10] =	ssyncadd.s32 $0xFFFFC180  }
0xdc: {  	[spmem:s2] =	stream.indirect.scatter.add.f32 [tilespmem:s8], [sflag:$0x5], $0x10, s17, s7, $0xb8;
	[tilespmem:$0x16F30] =	vst v63  }
0xdd: {  	_ =	swait.ge [sflag:s5], $0x3E80  }
0xde: {  	[sflag:s5] =	ssyncset.done $0x0  }
0xdf: {  	p1 =	sne.s32 s1, $0x1;
	[sflag:s5] =	ssyncadd.s32 $0xFFFFC180  }
.Ltmp2:
0xe0: {  	[bflag:$0x0] =	sbarrier.arrive $0xFFFF;
	(pc) =	sbr.rel @p1 .LBB2_4-.Ltmp2, $4  }
0xe1: {  	s14 =	rddreg [dreg:$0x7]  }
0xe2: {  	[hbm:s14], [sflag:s4] =	dma.local [spmem:s6], $0x4E2  }
0xe3: {  	_ =	swait.ge [sflag:s5], $0x4E2  }
0xe4: {  	s1 =	sadd.s32 $0xFFFFFFFF, s1;
	s0 =	rddreg [dreg:$0x4];
	[sflag:s5] =	ssyncset.done $0x0  }
0xe5: {  	s17 =	simm.s32 $0x1388  }
0xe6: {  	s31 =	simm.s32 $0x2EE0;
	s30 =	simm.s32 $0x1770;
	s28 =	simm.s32 $0x32C8  }
0xe7: {  	s26 =	simm.s32 $0x1B58;
	s25 =	simm.s32 $0x36B0;
	s24 =	simm.s32 $0x3A98  }
0xe8: {  	s23 =	simm.s32 $0x1F40;
	s22 =	simm.s32 $0x2328;
	s21 =	simm.s32 $0x3E80  }
0xe9: {  	s20 =	simm.s32 $0x4268;
	s18 =	simm.s32 $0x4650;
	s14 =	stileid.u32  }
.LBB2_6:
0xea: {  	[sflag:s5] =	ssyncadd.s32 @p0 $0xFFFFFB1E  }
0xeb: {  	[spmem:s6], [sflag:s4] =	dma.local [hbm:s0], $0x4E2  }
0xec: {  	_ =	swait.ge [sflag:s5], $0x4E2  }
0xed: {  	[sflag:s5] =	ssyncset.done $0x0  }
0xee: {  	s1 =	rddreg [dreg:$0x5];
	[sflag:s5] =	ssyncadd.s32 $0xFFFFFB1E  }
0xef: {  	[tilespmem:s19], [sflag:$0x5] =	stream.linear.gather [hbm4b:s1+s19], $0x2710, $0x38;
	[tilespmem:$0x16F30] =	vst v63  }
0xf0: {  	_ =	swait.ge [sflag:s5], $0x2710  }
0xf1: {  	[sflag:s5] =	ssyncset.done $0x0  }
0xf2: {  	s1 =	rddreg [dreg:$0x6];
	[sflag:s5] =	ssyncadd.s32 $0xFFFFD8F0  }
0xf3: {  	[tilespmem:s29], [sflag:$0x5] =	stream.linear.gather [hbm4b:s1+s19], $0x2710, $0x38;
	[tilespmem:$0x16F30] =	vst v63  }
0xf4: {  	_ =	swait.ge [sflag:s5], $0x2710  }
0xf5: {  	[sflag:s5] =	ssyncset.done $0x0  }
0xf6: {  	[sflag:s5] =	ssyncadd.s32 $0xFFFFD8F0  }
0xf7: {  	[bflag:$0x0] =	sbarrier.arrive $0xFFFF  }
0xf8: {  	[tilespmem:s9], [sflag:$0x1] =	stream.indirect.gather [hbm4b:s3+s7], $0x10, s19, s7, $0xb8;
	[tilespmem:$0x16F30] =	vst v63  }
0xf9: {  	_ = 	snop  }
0xfa: {  	[tilespmem:s8], [sflag:$0x2] =	stream.indirect.gather [hbm4b:s3+s7], $0x10, s7, s7, $0xb8;
	[tilespmem:$0x16F30] =	vst v63  }
0xfb: {  	s19 =	rddreg [dreg:$0x8]  }
0xfc: {  	[tilespmem:s13], [sflag:$0x3] =	stream.indirect.gather [hbm4b:s3+s7], $0x10, s19, s7, $0xb8;
	[tilespmem:$0x16F30] =	vst v63  }
0xfd: {  	s1 =	rddreg [dreg:$0x9]  }
0xfe: {  	[tilespmem:s12], [sflag:$0x4] =	stream.indirect.gather [hbm4b:s3+s7], $0x10, s1, s7, $0xb8;
	[tilespmem:$0x16F30] =	vst v63  }
0xff: {  	_ =	swait.ge [sflag:s11], $0x3E80  }
0x100: {  	[sflag:s11] =	ssyncset.done $0x0  }
0x101: {  	[sflag:s11] =	ssyncadd.s32 $0xFFFFC180  }
0x102: {  	[spmem:s2] =	stream.indirect.scatter.add.f32 [tilespmem:s9], [sflag:$0x5], $0x10, s29, s7, $0xb8;
	[tilespmem:$0x16F30] =	vst v63  }
0x103: {  	_ =	swait.ge [sflag:s5], $0x3E80  }
0x104: {  	[sflag:s5] =	ssyncset.done $0x0  }
0x105: {  	s19 =	rddreg [dreg:$0xa];
	[sflag:s5] =	ssyncadd.s32 $0xFFFFC180  }
0x106: {  	[tilespmem:s9], [sflag:$0x1] =	stream.indirect.gather [hbm4b:s3+s7], $0x10, s19, s7, $0xb8;
	[tilespmem:$0x16F30] =	vst v63  }
0x107: {  	_ =	swait.ge [sflag:s10], $0x3E80  }
0x108: {  	[sflag:s10] =	ssyncset.done $0x0  }
0x109: {  	s29 =	rddreg [dreg:$0xb];
	[sflag:s10] =	ssyncadd.s32 $0xFFFFC180  }
0x10a: {  	[spmem:s2] =	stream.indirect.scatter.add.f32 [tilespmem:s8], [sflag:$0x5], $0x10, s29, s7, $0xb8;
	[tilespmem:$0x16F30] =	vst v63  }
0x10b: {  	_ =	swait.ge [sflag:s5], $0x3E80  }
0x10c: {  	[sflag:s5] =	ssyncset.done $0x0  }
0x10d: {  	[sflag:s5] =	ssyncadd.s32 $0xFFFFC180  }
0x10e: {  	[tilespmem:s8], [sflag:$0x2] =	stream.indirect.gather [hbm4b:s3+s7], $0x10, s17, s7, $0xb8;
	[tilespmem:$0x16F30] =	vst v63  }
0x10f: {  	_ =	swait.ge [sflag:s16], $0x3E80  }
0x110: {  	[sflag:s16] =	ssyncset.done $0x0  }
0x111: {  	[sflag:s16] =	ssyncadd.s32 $0xFFFFC180  }
0x112: {  	[spmem:s2] =	stream.indirect.scatter.add.f32 [tilespmem:s13], [sflag:$0x5], $0x10, s31, s7, $0xb8;
	[tilespmem:$0x16F30] =	vst v63  }
0x113: {  	_ =	swait.ge [sflag:s5], $0x3E80  }
0x114: {  	[sflag:s5] =	ssyncset.done $0x0  }
0x115: {  	[sflag:s5] =	ssyncadd.s32 $0xFFFFC180  }
0x116: {  	[tilespmem:s13], [sflag:$0x3] =	stream.indirect.gather [hbm4b:s3+s7], $0x10, s30, s7, $0xb8;
	[tilespmem:$0x16F30] =	vst v63  }
0x117: {  	_ =	swait.ge [sflag:s15], $0x3E80  }
0x118: {  	[sflag:s15] =	ssyncset.done $0x0  }
0x119: {  	[sflag:s15] =	ssyncadd.s32 $0xFFFFC180  }
0x11a: {  	[spmem:s2] =	stream.indirect.scatter.add.f32 [tilespmem:s12], [sflag:$0x5], $0x10, s28, s7, $0xb8;
	[tilespmem:$0x16F30] =	vst v63  }
0x11b: {  	_ =	swait.ge [sflag:s5], $0x3E80  }
0x11c: {  	[sflag:s5] =	ssyncset.done $0x0  }
0x11d: {  	[sflag:s5] =	ssyncadd.s32 $0xFFFFC180  }
0x11e: {  	[tilespmem:s12], [sflag:$0x4] =	stream.indirect.gather [hbm4b:s3+s7], $0x10, s26, s7, $0xb8;
	[tilespmem:$0x16F30] =	vst v63  }
0x11f: {  	_ =	swait.ge [sflag:s11], $0x3E80  }
0x120: {  	[sflag:s11] =	ssyncset.done $0x0  }
0x121: {  	[sflag:s11] =	ssyncadd.s32 $0xFFFFC180  }
0x122: {  	[spmem:s2] =	stream.indirect.scatter.add.f32 [tilespmem:s9], [sflag:$0x5], $0x10, s25, s7, $0xb8;
	[tilespmem:$0x16F30] =	vst v63  }
0x123: {  	_ =	swait.ge [sflag:s5], $0x3E80  }
0x124: {  	[sflag:s5] =	ssyncset.done $0x0  }
0x125: {  	[sflag:s5] =	ssyncadd.s32 $0xFFFFC180  }
0x126: {  	[tilespmem:s9], [sflag:$0x1] =	stream.indirect.gather [hbm4b:s3+s7], $0x10, s23, s7, $0xb8;
	[tilespmem:$0x16F30] =	vst v63  }
0x127: {  	_ =	swait.ge [sflag:s10], $0x3E80  }
0x128: {  	[sflag:s10] =	ssyncset.done $0x0  }
0x129: {  	[sflag:s10] =	ssyncadd.s32 $0xFFFFC180  }
0x12a: {  	[spmem:s2] =	stream.indirect.scatter.add.f32 [tilespmem:s8], [sflag:$0x5], $0x10, s24, s7, $0xb8;
	[tilespmem:$0x16F30] =	vst v63  }
0x12b: {  	_ =	swait.ge [sflag:s5], $0x3E80  }
0x12c: {  	[sflag:s5] =	ssyncset.done $0x0  }
0x12d: {  	[sflag:s5] =	ssyncadd.s32 $0xFFFFC180  }
0x12e: {  	[tilespmem:s8], [sflag:$0x2] =	stream.indirect.gather [hbm4b:s3+s7], $0x10, s22, s7, $0xb8;
	[tilespmem:$0x16F30] =	vst v63  }
0x12f: {  	_ =	swait.ge [sflag:s16], $0x3E80  }
0x130: {  	[sflag:s16] =	ssyncset.done $0x0  }
0x131: {  	[sflag:s16] =	ssyncadd.s32 $0xFFFFC180  }
0x132: {  	[spmem:s2] =	stream.indirect.scatter.add.f32 [tilespmem:s13], [sflag:$0x5], $0x10, s21, s7, $0xb8;
	[tilespmem:$0x16F30] =	vst v63  }
0x133: {  	_ =	swait.ge [sflag:s5], $0x3E80  }
0x134: {  	[sflag:s5] =	ssyncset.done $0x0  }
0x135: {  	[sflag:s5] =	ssyncadd.s32 $0xFFFFC180  }
0x136: {  	_ =	swait.ge [sflag:s15], $0x3E80  }
0x137: {  	[sflag:s15] =	ssyncset.done $0x0  }
0x138: {  	[sflag:s15] =	ssyncadd.s32 $0xFFFFC180  }
0x139: {  	[spmem:s2] =	stream.indirect.scatter.add.f32 [tilespmem:s12], [sflag:$0x5], $0x10, s20, s7, $0xb8;
	[tilespmem:$0x16F30] =	vst v63  }
0x13a: {  	_ =	swait.ge [sflag:s5], $0x3E80  }
0x13b: {  	[sflag:s5] =	ssyncset.done $0x0  }
0x13c: {  	[sflag:s5] =	ssyncadd.s32 $0xFFFFC180  }
0x13d: {  	_ =	swait.ge [sflag:s11], $0x3E80  }
0x13e: {  	[sflag:s11] =	ssyncset.done $0x0  }
0x13f: {  	[sflag:s11] =	ssyncadd.s32 $0xFFFFC180  }
0x140: {  	[spmem:s2] =	stream.indirect.scatter.add.f32 [tilespmem:s9], [sflag:$0x5], $0x10, s18, s7, $0xb8;
	[tilespmem:$0x16F30] =	vst v63  }
0x141: {  	_ =	swait.ge [sflag:s5], $0x3E80  }
0x142: {  	[sflag:s5] =	ssyncset.done $0x0  }
0x143: {  	[sflag:s5] =	ssyncadd.s32 $0xFFFFC180  }
0x144: {  	_ =	swait.ge [sflag:s10], $0x3E80  }
0x145: {  	[sflag:s10] =	ssyncset.done $0x0  }
0x146: {  	s30 =	simm.s32 $0x4A38;
	[sflag:s10] =	ssyncadd.s32 $0xFFFFC180  }
0x147: {  	[spmem:s2] =	stream.indirect.scatter.add.f32 [tilespmem:s8], [sflag:$0x5], $0x10, s30, s7, $0xb8;
	[tilespmem:$0x16F30] =	vst v63  }
0x148: {  	_ =	swait.ge [sflag:s5], $0x3E80  }
0x149: {  	[sflag:s5] =	ssyncset.done $0x0  }
0x14a: {  	[sflag:s5] =	ssyncadd.s32 $0xFFFFC180  }
0x14b: {  	[bflag:$0x0] =	sbarrier.arrive $0xFFFF  }
0x14c: {  	s31 =	rddreg [dreg:$0x7]  }
0x14d: {  	[hbm:s31], [sflag:s4] =	dma.local [spmem:s6], $0x4E2  }
0x14e: {  	_ =	swait.ge [sflag:s5], $0x4E2  }
0x14f: {  	[sflag:s5] =	ssyncset.done $0x0  }
0x150: {  	[sflag:s5] =	ssyncadd.s32 $0xFFFFFB1E  }
0x151: {  	_ =	sfence.sel $0x180000  }
0x152: {  	[bflag:$0x0] =	sbarrier.arrive $0xFFFF  }
0x153: {  	_ =	strace $0x9000004D  }
0x154: {  	[bflag:$0x2] =	sbarrier.arrive $0xFFFF  }
0x155: {  	p0 =	sne.s32 s14, $0x0;
	s0 =	rddreg [dreg:$0x3]  }
0x156: {  	s0 =	sadd.s32 @!p0 $0x100000, s0  }
0x157: {  	[sflag:s0] =	ssyncadd.tile.s32 @!p0 $0x1;
	_ =	shalt  }
.LBB2_1:
.Ltmp3:
0x158: {  	(pc) =	sbr.rel .LBB2_6-.Ltmp3, $4  }
0x159: {  	s17 =	simm.s32 $0x1388;
	s31 =	simm.s32 $0x2EE0;
	s30 =	simm.s32 $0x1770  }
0x15a: {  	s28 =	simm.s32 $0x32C8;
	s26 =	simm.s32 $0x1B58;
	s25 =	simm.s32 $0x36B0  }
0x15b: {  	s24 =	simm.s32 $0x3A98;
	s23 =	simm.s32 $0x1F40;
	s22 =	simm.s32 $0x2328  }
0x15c: {  	s21 =	simm.s32 $0x3E80;
	s20 =	simm.s32 $0x4268;
	s18 =	simm.s32 $0x4650  }
.LBB2_3:
.Ltmp4:
0x15d: {  	s17 =	simm.s32 $0x1388;
	(pc) =	sbr.rel .LBB2_6-.Ltmp4, $4  }
0x15e: {  	s31 =	simm.s32 $0x2EE0;
	s30 =	simm.s32 $0x1770;
	s28 =	simm.s32 $0x32C8  }
0x15f: {  	s26 =	simm.s32 $0x1B58;
	s25 =	simm.s32 $0x36B0;
	s24 =	simm.s32 $0x3A98  }
0x160: {  	s23 =	simm.s32 $0x1F40;
	s22 =	simm.s32 $0x2328;
	s21 =	simm.s32 $0x3E80  }
0x161: {  	s20 =	simm.s32 $0x4268;
	s18 =	simm.s32 $0x4650;
	s14 =	stileid.u32  }
.Lfunc_end2:
_tile_overlayer_lowered:
.L_overlay_start_2:
0x162: {  	(tag) =	ssettag $0x2  }
0x163: {  	s0 =	rddreg [dreg:$0x0];
	s2 =	stileid.u32  }
0x164: {  	s1 =	rddreg [dreg:$0x1];
	p0 =	sne.s32 s2, $0x0  }
0x165: {  	s3 =	rddreg [dreg:$0x2];
	[bflag:$0x3] =	sbarrier.arrive $0xFFFF;
	s2 =	simm.s32 @!p0 $0x1C05  }
0x166: {  	[timem:s3], [sflag:s2] =	dma.local @!p0 [hbm:s0], s1  }
0x167: {  	s0 =	simm.s32 @!p0 $0x5  }
0x168: {  	_ =	swait.ge @!p0 [sflag:s0], s1  }
0x169: {  	s1 =	ssub.s32 @!p0 $0x0, s1;
	[sflag:s0] =	ssyncset.done @!p0 $0x0  }
0x16a: {  	[sflag:s0] =	ssyncadd.s32 @!p0 s1  }
0x16b: {  	[bflag:$0x3] =	sbarrier.arrive $0xFFFF  }
0x16c: {  	_ =	shalt  }

// kernel: kernel.9.cloned.1.call-start
scs
__scs_entry_jumppad:
0x0: {  	(pc) =	sbr.rel $0x88, $3  }
0x1: {  	(tag) =	ssettag $0x0;
	lr =	simm.s32 $0x1  }
0x2: {  	[smem:$0x3F9B] =	sst lr;
	_ =	strace $0xD0000000  }
0x3: {  	_ = 	snop  }
0x4: {  	_ = 	snop  }
0x5: {  	_ = 	snop  }
0x6: {  	_ = 	snop  }
0x7: {  	_ = 	snop  }
__scs_overlays_trampoline_lowered:
0x8: {  	[smem:$0x3FAA] =	sst s0  }
0x9: {  	[smem:$0x3FAB] =	sst s1  }
0xa: {  	[smem:$0x3FAC] =	sst s2  }
0xb: {  	[smem:$0x3FAD] =	sst s3  }
0xc: {  	[smem:$0x3FAE] =	sst s4  }
0xd: {  	[smem:$0x3FAF] =	sst s5  }
0xe: {  	[smem:$0x3FB0] =	sst s6  }
0xf: {  	[smem:$0x3FB1] =	sst s7  }
0x10: {  	[smem:$0x3FB2] =	sst s8  }
0x11: {  	[smem:$0x3FB3] =	sst s9;
	s0 =	simm.s32 @!p0 $0x0  }
0x12: {  	s1 =	sld [smem:$0x3F99];
	s0 =	simm.s32 @p0 $0x1  }
0x13: {  	[smem:$0x3FB4] =	sst s0;
	s0 =	simm.s32 @!p1 $0x0  }
0x14: {  	s2 =	sld [smem:$0x3F98];
	s0 =	simm.s32 @p1 $0x1  }
0x15: {  	[smem:$0x3FB5] =	sst s0;
	s0 =	simm.s32 @!p2 $0x0  }
0x16: {  	s3 =	sld [smem:$0x3FDB];
	s0 =	simm.s32 @p2 $0x1  }
0x17: {  	s4 =	simm.s32 $0x1BF5;
	[smem:$0x3FB7] =	sst s0  }
0x18: {  	s0 =	sld [smem:$0x3F9A];
	_ =	swait.ge [sflag:s4], $0x0  }
0x19: {  	s7 =	sld [smem:$0x3F9B]  }
0x1a: {  	s8 =	sadd.s32 $0xFFFFE003, lr  }
0x1b: {  	s9 =	sadd.s32 $0xFFFFFEF7, lr;
	s5 =	simm.s32 $0xFFFFFFFF;
	p2 =	slt.u32 s8, $0xFFFFF086  }
0x1c: {  	p1 =	slt.u32 s9, $0xF7A;
	s5 =	simm.s32 @!p2 $0x0  }
0x1d: {  	s5 =	simm.s32 @p1 $0x1;
	p0 =	seq.s32 s7, s2  }
0x1e: {  	s7 =	smul.u32 @!p0 $0xF7A, s2;
	p2 =	seq.s32 @!p0 s5, $0x0  }
0x1f: {  	s9 =	smul.u32 $0xF7A, s1;
	s8 =	simm.s32 @!p0 $0x1BF5;
	p2 =	por !p2, p0  }
0x20: {  	[sflag:s8] =	ssyncset.s32 @!p0 $0xFFFFF086;
	s6 =	sadd.s32 @!p0 s3, s7;
	s7 =	simm.s32 @!p0 $0x108  }
0x21: {  	s3 =	sadd.s32 s3, s9;
	s6 =	sadd.s32 @!p0 $0x88, s6;
	s7 =	simm.s32 @p2 $0x1082  }
0x22: {  	[simem:s7], [sflag:s8] =	dma.local @!p0 [hbm:s6], $0xF7A  }
0x23: {  	s9 =	sor.u32 $0xD0000000, s2;
	s6 =	simm.s32 $0x108;
	_ =	swait.ge @!p0 [sflag:s8], $0x0  }
0x24: {  	s3 =	sadd.s32 $0x88, s3;
	s6 =	simm.s32 @!p1 $0x1082;
	[sflag:s4] =	ssyncset.s32 $0xFFFFF086  }
0x25: {  	[simem:s6], [sflag:s4] =	dma.local [hbm:s3], $0xF7A  }
0x26: {  	[smem:$0x3F9B] =	sst s1;
	(tag) =	ssettag s2;
	_ =	strace s9  }
0x27: {  	s1 =	sld [smem:$0x3FAB]  }
0x28: {  	s2 =	sld [smem:$0x3FAC]  }
0x29: {  	s4 =	sld [smem:$0x3FAE]  }
0x2a: {  	p0 =	seq.s32 s5, $0x0;
	s5 =	sld [smem:$0x3FAF]  }
0x2b: {  	s6 =	sld [smem:$0x3FB0]  }
0x2c: {  	s7 =	sld [smem:$0x3FB1]  }
0x2d: {  	s3 =	simm.s32 $0x108;
	s8 =	sld [smem:$0x3FB2]  }
0x2e: {  	s3 =	simm.s32 @!p0 $0x1082;
	s9 =	sld [smem:$0x3FB3]  }
0x2f: {  	lr =	sadd.s32 s0, s3;
	s0 =	sld [smem:$0x3FAA]  }
0x30: {  	s3 =	sld [smem:$0x3FAD]  }
0x31: {  	[smem:$0x3FB6] =	sst s10  }
0x32: {  	s10 =	sld [smem:$0x3FB4];
	_ =	sdelay $0x3  }
0x33: {  	p0 =	seq.s32 s10, $0x1;
	s10 =	sld [smem:$0x3FB6];
	_ =	sdelay $0x3  }
0x34: {  	[smem:$0x3FB6] =	sst s10  }
0x35: {  	s10 =	sld [smem:$0x3FB5];
	_ =	sdelay $0x3  }
0x36: {  	p1 =	seq.s32 s10, $0x1;
	s10 =	sld [smem:$0x3FB6];
	_ =	sdelay $0x3  }
0x37: {  	[smem:$0x3FB6] =	sst s10  }
0x38: {  	s10 =	sld [smem:$0x3FB7]  }
0x39: {  	_ = 	snop;
	(pc) =	sbr.ind lr, $3  }
0x3a: {  	_ = 	snop  }
0x3b: {  	_ = 	snop  }
0x3c: {  	p2 =	seq.s32 s10, $0x1;
	s10 =	sld [smem:$0x3FB6]  }
0x3d: {  	_ =	shalt  }
0x3e: {  	_ =	shalt  }
0x3f: {  	_ =	shalt  }
0x40: {  	_ =	shalt  }
0x41: {  	_ =	shalt  }
0x42: {  	_ =	shalt  }
0x43: {  	_ =	shalt  }
0x44: {  	_ =	shalt  }
0x45: {  	_ =	shalt  }
0x46: {  	_ =	shalt  }
0x47: {  	_ =	shalt  }
0x48: {  	_ =	shalt  }
0x49: {  	_ =	shalt  }
0x4a: {  	_ =	shalt  }
0x4b: {  	_ =	shalt  }
0x4c: {  	_ =	shalt  }
0x4d: {  	_ =	shalt  }
0x4e: {  	_ =	shalt  }
0x4f: {  	_ =	shalt  }
0x50: {  	_ =	shalt  }
0x51: {  	_ =	shalt  }
0x52: {  	_ =	shalt  }
0x53: {  	_ =	shalt  }
0x54: {  	_ =	shalt  }
0x55: {  	_ =	shalt  }
0x56: {  	_ =	shalt  }
0x57: {  	_ =	shalt  }
0x58: {  	_ =	shalt  }
0x59: {  	_ =	shalt  }
0x5a: {  	_ =	shalt  }
0x5b: {  	_ =	shalt  }
0x5c: {  	_ =	shalt  }
0x5d: {  	_ =	shalt  }
0x5e: {  	_ =	shalt  }
0x5f: {  	_ =	shalt  }
0x60: {  	_ =	shalt  }
0x61: {  	_ =	shalt  }
0x62: {  	_ =	shalt  }
0x63: {  	_ =	shalt  }
0x64: {  	_ =	shalt  }
0x65: {  	_ =	shalt  }
0x66: {  	_ =	shalt  }
0x67: {  	_ =	shalt  }
0x68: {  	_ =	shalt  }
0x69: {  	_ =	shalt  }
0x6a: {  	_ =	shalt  }
0x6b: {  	_ =	shalt  }
0x6c: {  	_ =	shalt  }
0x6d: {  	_ =	shalt  }
0x6e: {  	_ =	shalt  }
0x6f: {  	_ =	shalt  }
0x70: {  	_ =	shalt  }
0x71: {  	_ =	shalt  }
0x72: {  	_ =	shalt  }
0x73: {  	_ =	shalt  }
0x74: {  	_ =	shalt  }
0x75: {  	_ =	shalt  }
0x76: {  	_ =	shalt  }
0x77: {  	_ =	shalt  }
0x78: {  	_ =	shalt  }
0x79: {  	_ =	shalt  }
0x7a: {  	_ =	shalt  }
0x7b: {  	_ =	shalt  }
0x7c: {  	_ =	shalt  }
0x7d: {  	_ =	shalt  }
0x7e: {  	_ =	shalt  }
0x7f: {  	_ =	shalt  }
0x80: {  	_ =	shalt  }
0x81: {  	_ =	shalt  }
0x82: {  	_ =	shalt  }
0x83: {  	_ =	shalt  }
0x84: {  	_ =	shalt  }
0x85: {  	_ =	shalt  }
0x86: {  	_ =	shalt  }
0x87: {  	_ =	shalt  }
.Lfunc_end0:
.L_simem_size_0:
called_computation_lowered:
.L_overlay_start_0:
0x88: {  	s2 =	sld [smem:$0x3FD9]  }
0x89: {  	s3 =	sld [smem:$0x3FFE];
	_ =	sdelay $0x1  }
0x8a: {  	s1 =	srdreg.scid  }
0x8b: {  	s0 =	sand.u32 $0x1, s1  }
0x8c: {  	s17 =	sshll.u32 s0, $0xA;
	s2 =	sadd.s32 s3, s2  }
0x8d: {  	s2 =	sadd.s32 s2, s17  }
0x8e: {  	[smem:$0x3FC2] =	sst s2  }
0x8f: {  	_ = 	snop  }
0x90: {  	s2 =	sld [smem:$0x3FD0];
	(tm) =	ssettm $0x1  }
0x91: {  	s18 =	sld [smem:$0x3FFB];
	_ =	sdelay $0x3  }
0x92: {  	_ =	strace s18  }
0x93: {  	s3 =	sld [smem:$0x3FFC];
	_ =	sdelay $0x3  }
0x94: {  	_ =	strace s3  }
0x95: {  	s3 =	sld [smem:$0x3FFD];
	_ =	sdelay $0x3  }
0x96: {  	_ =	strace s3  }
0x97: {  	_ =	strace $0x8FFFFFFF  }
0x98: {  	s19 =	sld [smem:$0x3FDB];
	_ =	sdelay $0x1  }
0x99: {  	s4 =	simm.s32 $_scs_section_size  }
0x9a: {  	s5 =	simm.s32 $_size__tile_overlayer_lowered;
	s6 =	simm.s32 $_tile_overlayer_lowered  }
0x9b: {  	s22 =	simm.s32 $0x1BFF;
	s21 =	sshll.u32 s6, $0x1;
	s3 =	sadd.s32 s4, s19  }
0x9c: {  	s7 =	simm.s32 $0x0;
	s20 =	sshll.u32 s5, $0x1;
	s5 =	sadd.s32 s21, s3  }
0x9d: {  	[timem:s7], [sflag:s22] =	dma.local [hbm:s5], s20  }
0x9e: {  	_ =	swait.ge [sflag:s22], s20  }
0x9f: {  	s4 =	ssub.s32 $0x0, s20;
	[sflag:s22] =	ssyncset.done $0x0  }
0xa0: {  	[sflag:s22] =	ssyncadd.s32 s4;
	_ =	sdelay $0x1  }
0xa1: {  	s23 =	simm.s32 $0x1B8B  }
0xa2: {  	_ =	swait.ge [sflag:s23], $0x1  }
0xa3: {  	[sflag:s23] =	ssyncset.done $0x0  }
0xa4: {  	s25 =	simm.s32 $0x1B8E;
	s24 =	sld [smem:$0x3FFE];
	[sflag:s23] =	ssyncadd.s32 $0xFFFFFFFF  }
0xa5: {  	s26 =	simm.s32 $execute0_lowered;
	[smem:$0x3FD2] =	sst s25  }
0xa6: {  	s5 =	sshll.u32 s26, $0x1;
	_ =	strace $0x80000046;
	[dreg:$0x1] =	wrdreg $0xFFFFFFFF  }
0xa7: {  	s28 =	simm.s32 $_size_execute0_lowered;
	s3 =	sadd.s32 s3, s5;
	[dreg:$0x0] =	wrdreg $0x0  }
0xa8: {  	s5 =	sshll.u32 s28, $0x1;
	[dreg:$0x2] =	wrdreg s3  }
0xa9: {  	[dreg:$0x3] =	wrdreg s5  }
0xaa: {  	[dreg:$0x4] =	wrdreg $0xC0  }
0xab: {  	_ =	task [dreg:s7], $0x5FFFF  }
0xac: {  	[dreg:$0x1] =	wrdreg $0xFFFFFFFF  }
0xad: {  	[dreg:$0x0] =	wrdreg $0x60  }
0xae: {  	[dreg:$0x2] =	wrdreg s24  }
0xaf: {  	[dreg:$0x3] =	wrdreg s2  }
0xb0: {  	[dreg:$0x4] =	wrdreg $0x2B000  }
0xb1: {  	[dreg:$0x5] =	wrdreg $0x9  }
0xb2: {  	_ =	task.clear_ibuf [dreg:s7], $0x6FFFF;
	_ =	strace $0x90000046  }
0xb3: {  	s29 =	simm.s32 $0x9;
	_ =	strace $0x80000048  }
0xb4: {  	_ =	swait.ge [sflag:s29], $0x1  }
0xb5: {  	[sflag:s29] =	ssyncadd.s32 $0xFFFFFFFF  }
0xb6: {  	_ =	strace $0x90000048  }
0xb7: {  	_ =	sfence  }
0xb8: {  	s30 =	sld [smem:$0x0];
	_ =	sdelay $0x2  }
0xb9: {  	s31 =	sshll.u32 s1, $0xD;
	s1 =	sshrl.u32 s1, $0x2  }
0xba: {  	s3 =	sand.u32 $0x4000, s31;
	s1 =	sadd.s32 s1, s30  }
0xbb: {  	s0 =	sor.u32 s3, s0;
	s1 =	sshll.u32 s1, $0x11  }
0xbc: {  	s0 =	sor.u32 s1, s0  }
0xbd: {  	s0 =	sadd.s32 $0x8F2B, s0  }
0xbe: {  	[sflag:s0] =	ssyncadd.remote.s32 $0x1  }
0xbf: {  	_ =	sfence.sel $0xFFFF  }
0xc0: {  	[dreg:$0x0] =	wrdreg $0xFFFFFFFF;
	(pc) =	sbr.abs _section_cstart, $3  }
0xc1: {  	[dreg:$0x1] =	wrdreg $0xFFFFFFFF  }
0xc2: {  	_ =	task.clear_ibuf [dreg:s7], $0x2FFFF;
	_ =	strace $0x9FFFFFFF  }
0xc3: {  	(tm) =	ssettm $0x7FFFFFFF  }
tec
execute0_lowered:
.L_overlay_start_1:
0x0: {  	(tag) =	ssettag $0x1  }
0x1: {  	s4 =	rddreg [dreg:$0x0]  }
0x2: {  	s5 =	rddreg [dreg:$0x1]  }
0x3: {  	s0 =	srdreg.scid;
	s6 =	stileid.u32  }
0x4: {  	s1 =	rddreg [dreg:$0x2];
	s2 =	simm.s32 $0x0;
	s11 =	simm.s32 $0x7D0  }
0x5: {  	s12 =	simm.s32 $0xBB8;
	s13 =	simm.s32 $0xFA0;
	s14 =	simm.s32 $0x1388  }
0x6: {  	s15 =	simm.s32 $0x1770;
	s16 =	simm.s32 $0x1B58;
	s17 =	simm.s32 $0x1F40  }
0x7: {  	s18 =	simm.s32 $0x2328;
	s7 =	sand.u32 $0x1, s0;
	s0 =	rddreg [dreg:$0x3]  }
0x8: {  	s19 =	simm.s32 $0x0;
	s3 =	sshll.u32 s6, $0x1;
	[smem:$0x7FF] =	sst s2  }
0x9: {  	s3 =	sor.u32 s7, s3;
	s9 =	ssub.s32 $0x2, s7;
	s7 =	smul.u32 $0x4E2, s7  }
0xa: {  	p0 =	sne.s32 s6, $0x0;
	s8 =	smul.u32 $0x2710, s3;
	s10 =	sshrl.u32 s9, $0x1  }
0xb: {  	_ =	strace $0x80000047;
	s3 =	sadd.s32 $0x16800, s4;
	s31 =	ssub.s32 s9, s10  }
0xc: {  	s5 =	sadd.s32 s5, s7;
	s7 =	sshrl.u32 @!p0 s1, $0x3;
	s8 =	sshrl.u32 s8, $0x3  }
0xd: {  	s9 =	simm.s32 $0x3E8;
	s10 =	simm.s32 $0x2710;
	s4 =	sadd.s32 s4, s8  }
0xe: {  	v0 =	vimm.f32 $1.000000000e+00;
	s6 =	smax.u32 s31, $0x1;
	s8 =	simm.s32 $0x1;
	s4 =	sadd.s32 $0xCA40, s4  }
.LBB2_1:
0xf: {  	s20 =	simm.s32 @!p0 $0x1C01  }
0x10: {  	[spmem:s7], [sflag:s20] =	dma.local @!p0 [hbm:s3], $0x4E2  }
0x11: {  	s20 =	simm.s32 @!p0 $0x1  }
0x12: {  	_ =	swait.ge @!p0 [sflag:s20], $0x4E2  }
0x13: {  	[sflag:s20] =	ssyncset.done @!p0 $0x0  }
0x14: {  	s21 =	simm.s32 $0x0;
	[sflag:s20] =	ssyncadd.s32 @!p0 $0xFFFFFB1E;
	s20 =	simm.s32 $0x40  }
.LBB2_2:
0x15: {  	p1 =	sne.s32 s20, $0xF80;
	[tilespmem:s21+$0x2710] =	vst v0;
	s21 =	smov.u32 s20;
	s20 =	sadd.s32 $0x40, s20  }
.Ltmp0:
0x16: {  	(pc) =	sbr.rel @p1 .LBB2_2-.Ltmp0, $2  }
0x17: {  	_ =	sdelay $0x2  }
0x18: {  	s21 =	sshra.s32 s21, $0x2  }
0x19: {  	[tilespmem:s21+$0x2710] =	vst v0  }
0x1a: {  	[tilespmem:s2], [sflag:$0x1] =	stream.linear.gather [hbm4b:s4+s2], $0x2710, $0x38;
	[tilespmem:$0x2D78] =	vst v63  }
0x1b: {  	_ =	swait.ge [sflag:s8], $0x2710  }
0x1c: {  	[sflag:s8] =	ssyncset.done $0x0  }
0x1d: {  	[sflag:s8] =	ssyncadd.s32 $0xFFFFD8F0  }
0x1e: {  	[bflag:$0x0] =	sbarrier.arrive $0xFFFF  }
0x1f: {  	[spmem:s1] =	stream.indirect.scatter.add.f32 [tilespmem:s10], [sflag:$0x1], $0x1, s2, s9, $0xb8;
	[tilespmem:$0x2D78] =	vst v63  }
0x20: {  	_ =	swait.ge [sflag:s8], $0x3E8  }
0x21: {  	[sflag:s8] =	ssyncset.done $0x0  }
0x22: {  	[sflag:s8] =	ssyncadd.s32 $0xFFFFFC18  }
0x23: {  	[spmem:s1] =	stream.indirect.scatter.add.f32 [tilespmem:s10], [sflag:$0x1], $0x1, s9, s9, $0xb8;
	[tilespmem:$0x2D78] =	vst v63  }
0x24: {  	_ =	swait.ge [sflag:s8], $0x3E8  }
0x25: {  	[sflag:s8] =	ssyncset.done $0x0  }
0x26: {  	[sflag:s8] =	ssyncadd.s32 $0xFFFFFC18  }
0x27: {  	[spmem:s1] =	stream.indirect.scatter.add.f32 [tilespmem:s10], [sflag:$0x1], $0x1, s11, s9, $0xb8;
	[tilespmem:$0x2D78] =	vst v63  }
0x28: {  	_ =	swait.ge [sflag:s8], $0x3E8  }
0x29: {  	[sflag:s8] =	ssyncset.done $0x0  }
0x2a: {  	[sflag:s8] =	ssyncadd.s32 $0xFFFFFC18  }
0x2b: {  	[spmem:s1] =	stream.indirect.scatter.add.f32 [tilespmem:s10], [sflag:$0x1], $0x1, s12, s9, $0xb8;
	[tilespmem:$0x2D78] =	vst v63  }
0x2c: {  	_ =	swait.ge [sflag:s8], $0x3E8  }
0x2d: {  	[sflag:s8] =	ssyncset.done $0x0  }
0x2e: {  	[sflag:s8] =	ssyncadd.s32 $0xFFFFFC18  }
0x2f: {  	[spmem:s1] =	stream.indirect.scatter.add.f32 [tilespmem:s10], [sflag:$0x1], $0x1, s13, s9, $0xb8;
	[tilespmem:$0x2D78] =	vst v63  }
0x30: {  	_ =	swait.ge [sflag:s8], $0x3E8  }
0x31: {  	[sflag:s8] =	ssyncset.done $0x0  }
0x32: {  	[sflag:s8] =	ssyncadd.s32 $0xFFFFFC18  }
0x33: {  	[spmem:s1] =	stream.indirect.scatter.add.f32 [tilespmem:s10], [sflag:$0x1], $0x1, s14, s9, $0xb8;
	[tilespmem:$0x2D78] =	vst v63  }
0x34: {  	_ =	swait.ge [sflag:s8], $0x3E8  }
0x35: {  	[sflag:s8] =	ssyncset.done $0x0  }
0x36: {  	[sflag:s8] =	ssyncadd.s32 $0xFFFFFC18  }
0x37: {  	[spmem:s1] =	stream.indirect.scatter.add.f32 [tilespmem:s10], [sflag:$0x1], $0x1, s15, s9, $0xb8;
	[tilespmem:$0x2D78] =	vst v63  }
0x38: {  	_ =	swait.ge [sflag:s8], $0x3E8  }
0x39: {  	[sflag:s8] =	ssyncset.done $0x0  }
0x3a: {  	[sflag:s8] =	ssyncadd.s32 $0xFFFFFC18  }
0x3b: {  	[spmem:s1] =	stream.indirect.scatter.add.f32 [tilespmem:s10], [sflag:$0x1], $0x1, s16, s9, $0xb8;
	[tilespmem:$0x2D78] =	vst v63  }
0x3c: {  	_ =	swait.ge [sflag:s8], $0x3E8  }
0x3d: {  	[sflag:s8] =	ssyncset.done $0x0  }
0x3e: {  	[sflag:s8] =	ssyncadd.s32 $0xFFFFFC18  }
0x3f: {  	[spmem:s1] =	stream.indirect.scatter.add.f32 [tilespmem:s10], [sflag:$0x1], $0x1, s17, s9, $0xb8;
	[tilespmem:$0x2D78] =	vst v63  }
0x40: {  	_ =	swait.ge [sflag:s8], $0x3E8  }
0x41: {  	[sflag:s8] =	ssyncset.done $0x0  }
0x42: {  	[sflag:s8] =	ssyncadd.s32 $0xFFFFFC18  }
0x43: {  	[spmem:s1] =	stream.indirect.scatter.add.f32 [tilespmem:s10], [sflag:$0x1], $0x1, s18, s9, $0xb8;
	[tilespmem:$0x2D78] =	vst v63  }
0x44: {  	_ =	swait.ge [sflag:s8], $0x3E8  }
0x45: {  	[sflag:s8] =	ssyncset.done $0x0  }
0x46: {  	s19 =	sadd.s32 $0x1, s19;
	[sflag:s8] =	ssyncadd.s32 $0xFFFFFC18  }
0x47: {  	s20 =	simm.s32 @!p0 $0x1C01;
	p1 =	sne.s32 s19, s6;
	[bflag:$0x0] =	sbarrier.arrive $0xFFFF  }
0x48: {  	[hbm:s5], [sflag:s20] =	dma.local @!p0 [spmem:s7], $0x4E2  }
.Ltmp1:
0x49: {  	_ = 	snop;
	(pc) =	sbr.rel @p1 .LBB2_1-.Ltmp1, $4  }
0x4a: {  	s20 =	simm.s32 @!p0 $0x1  }
0x4b: {  	_ =	swait.ge @!p0 [sflag:s20], $0x4E2  }
0x4c: {  	[sflag:s20] =	ssyncset.done @!p0 $0x0  }
0x4d: {  	[sflag:s20] =	ssyncadd.s32 @!p0 $0xFFFFFB1E  }
0x4e: {  	_ =	sfence.sel $0x180000  }
0x4f: {  	[bflag:$0x0] =	sbarrier.arrive $0xFFFF  }
0x50: {  	_ =	strace $0x90000047  }
0x51: {  	s0 =	sadd.s32 @!p0 $0x100000, s0;
	[bflag:$0x2] =	sbarrier.arrive $0xFFFF  }
0x52: {  	[sflag:s0] =	ssyncadd.tile.s32 @!p0 $0x1;
	_ =	shalt  }
.Lfunc_end2:
_tile_overlayer_lowered:
.L_overlay_start_2:
0x53: {  	(tag) =	ssettag $0x2  }
0x54: {  	s0 =	rddreg [dreg:$0x0];
	s2 =	stileid.u32  }
0x55: {  	s1 =	rddreg [dreg:$0x1];
	p0 =	sne.s32 s2, $0x0  }
0x56: {  	s3 =	rddreg [dreg:$0x2];
	[bflag:$0x3] =	sbarrier.arrive $0xFFFF;
	s2 =	simm.s32 @!p0 $0x1C01  }
0x57: {  	[timem:s3], [sflag:s2] =	dma.local @!p0 [hbm:s0], s1  }
0x58: {  	s0 =	simm.s32 @!p0 $0x1  }
0x59: {  	_ =	swait.ge @!p0 [sflag:s0], s1  }
0x5a: {  	s1 =	ssub.s32 @!p0 $0x0, s1;
	[sflag:s0] =	ssyncset.done @!p0 $0x0  }
0x5b: {  	[sflag:s0] =	ssyncadd.s32 @!p0 s1  }
0x5c: {  	[bflag:$0x3] =	sbarrier.arrive $0xFFFF  }
0x5d: {  	_ =	shalt  }

</sc_bundles>
